<compile_context>
chip_gen: v7x
topology: tpu7x:2x2x1
jax: 0.10.2.dev20260603
libtpu: 0.0.44.dev20260713+nightly
codegen_flags: <defaults>
</compile_context>

<pallas_src>
import functools

import jax
import jax.numpy as jnp
from jax import lax

from jax.experimental import pallas as pl
from jax.experimental.pallas import tpu as pltpu
from jax.experimental.pallas import tpu_sc as plsc

H = 128
K = 16
SCALE_FACTOR = 640.0
EPS = 1e-12
CN = 256



def _knn_body(xt_ref, x_ref, idx_ref):
    b = pl.program_id(0)
    xt = xt_ref[0]
    xx = x_ref[0]
    n = xt.shape[0]
    sqn = jnp.sum(xt * xt, axis=1, keepdims=True)
    sqm = jnp.sum(xx * xx, axis=0, keepdims=True)
    dot = jnp.dot(xt, xx, preferred_element_type=jnp.float32)
    work = sqn + sqm - 2.0 * dot
    lane = lax.broadcasted_iota(jnp.int32, (n, n), 1)
    cols = []
    for _ in range(K):
        m = jnp.min(work, axis=1, keepdims=True)
        am = jnp.min(jnp.where(work == m, lane, n), axis=1, keepdims=True)
        cols.append(am + b * n)
        work = jnp.where(lane == am, jnp.inf, work)
    idx_ref[0] = jnp.concatenate(cols, axis=1)


def _knn(xt, x):
    bsz, n, _ = xt.shape
    return pl.pallas_call(
        _knn_body,
        grid=(bsz,),
        in_specs=[
            pl.BlockSpec((1, n, 3), lambda i: (i, 0, 0)),
            pl.BlockSpec((1, 3, n), lambda i: (i, 0, 0)),
        ],
        out_specs=pl.BlockSpec((1, n, K), lambda i: (i, 0, 0)),
        out_shape=jax.ShapeDtypeStruct((bsz, n, K), jnp.int32),
    )(xt, x)



def _sc_gather(table, idx_flat, chunk):
    rows, d = idx_flat.shape[0], table.shape[1]
    info = plsc.get_sparse_core_info()
    nw = info.num_cores * info.num_subcores
    per_w = rows // nw
    nchunks = per_w // chunk
    mesh = plsc.VectorSubcoreMesh(core_axis_name="c", subcore_axis_name="s")

    @functools.partial(
        pl.kernel,
        mesh=mesh,
        out_type=jax.ShapeDtypeStruct((rows, d), jnp.float32),
        scratch_types=[
            pltpu.VMEM((chunk,), jnp.int32),
            pltpu.VMEM((chunk, d), jnp.float32),
            pltpu.SemaphoreType.DMA,
        ],
    )
    def gk(table_hbm, idx_hbm, out_hbm, idx_v, rows_v, sem):
        wid = lax.axis_index("s") * info.num_cores + lax.axis_index("c")
        base = wid * per_w

        def body(ci, carry):
            off = pl.multiple_of(base + ci * chunk, chunk)
            pltpu.sync_copy(idx_hbm.at[pl.ds(off, chunk)], idx_v)
            pltpu.async_copy(table_hbm.at[idx_v], rows_v, sem).wait()
            pltpu.sync_copy(rows_v, out_hbm.at[pl.ds(off, chunk)])
            return carry

        lax.fori_loop(0, nchunks, body, 0)

    return gk(table, idx_flat)



def _edge_tail(y, kk, ym_ref):
    nsq = kk[0] * kk[0] + kk[1] * kk[1] + kk[2] * kk[2]
    rn = 1.0 / jnp.maximum(jnp.sqrt(nsq), EPS)
    dot = (y[0] * kk[0] + y[1] * kk[1] + y[2] * kk[2]) * rn
    coef = -0.8 * jnp.minimum(dot, 0.0) * rn
    om = jnp.concatenate(
        [jnp.mean((y[i] + coef * kk[i]).reshape(CN, K, H), axis=1, keepdims=True)
         for i in range(3)], axis=2)
    ym_ref[...] = om


def _edge_body(g_ref, loc_ref, waT_ref, wbT_ref, wdT_ref, ym_ref):
    g = g_ref[...]
    loc = loc_ref[...]
    y, kk = [], []
    for c in range(3):
        gj = g[:, :, c * H:(c + 1) * H]
        ln = loc[:, :, c * H:(c + 1) * H]
        dx = (gj - ln).reshape(CN * K, H)
        xp = jnp.broadcast_to(ln, (CN, K, H)).reshape(CN * K, H)
        yc = (jnp.dot(dx, waT_ref[...], preferred_element_type=jnp.float32)
              + jnp.dot(xp, wbT_ref[...], preferred_element_type=jnp.float32))
        y.append(yc)
        kk.append(jnp.dot(yc, wdT_ref[...], preferred_element_type=jnp.float32))
    _edge_tail(y, kk, ym_ref)


def _edge0_body(g_ref, loc_ref, wT_ref, wdT_ref, ym_ref):
    g = g_ref[...]
    loc = loc_ref[...]
    xj = [g[:, :, c:c + 1] for c in range(3)]
    xn = [loc[:, :, c:c + 1] for c in range(3)]
    rxn = 1.0 / jnp.maximum(
        jnp.sqrt(xn[0] * xn[0] + xn[1] * xn[1] + xn[2] * xn[2]), EPS)
    xd = [a * rxn for a in xn]
    cr = [xd[1] * xj[2] - xd[2] * xj[1],
          xd[2] * xj[0] - xd[0] * xj[2],
          xd[0] * xj[1] - xd[1] * xj[0]]
    dx = [xj[c] - xn[c] for c in range(3)]
    pad = jnp.zeros((CN, K, 5), jnp.float32)
    y, kk = [], []
    for c in range(3):
        m8 = jnp.concatenate(
            [cr[c], dx[c], jnp.broadcast_to(xn[c], (CN, K, 1)), pad],
            axis=2).reshape(CN * K, 8)
        yc = jnp.dot(m8, wT_ref[...], preferred_element_type=jnp.float32)
        y.append(yc)
        kk.append(jnp.dot(yc, wdT_ref[...], preferred_element_type=jnp.float32))
    _edge_tail(y, kk, ym_ref)


def _edge(g, loc, waT, wbT, wdT, bn):
    steps = bn // CN
    wspec = pl.BlockSpec((H, H), lambda i: (0, 0))
    return pl.pallas_call(
        _edge_body,
        grid=(steps,),
        in_specs=[
            pl.BlockSpec((CN, K, 3 * H), lambda i: (i, 0, 0)),
            pl.BlockSpec((CN, 1, 3 * H), lambda i: (i, 0, 0)),
            wspec, wspec, wspec,
        ],
        out_specs=pl.BlockSpec((CN, 1, 3 * H), lambda i: (i, 0, 0)),
        out_shape=jax.ShapeDtypeStruct((bn, 1, 3 * H), jnp.float32),
    )(g, loc, waT, wbT, wdT)


def _edge0(g, loc, wT, wdT, bn):
    steps = bn // CN
    return pl.pallas_call(
        _edge0_body,
        grid=(steps,),
        in_specs=[
            pl.BlockSpec((CN, K, 128), lambda i: (i, 0, 0)),
            pl.BlockSpec((CN, 1, 128), lambda i: (i, 0, 0)),
            pl.BlockSpec((8, H), lambda i: (0, 0)),
            pl.BlockSpec((H, H), lambda i: (0, 0)),
        ],
        out_specs=pl.BlockSpec((CN, 1, 3 * H), lambda i: (i, 0, 0)),
        out_shape=jax.ShapeDtypeStruct((bn, 1, 3 * H), jnp.float32),
    )(g, loc, wT, wdT)



def _node_body(ym_ref, gWaT_ref, gWbT_ref, gWdT_ref, feat_ref, *, n):
    ym = ym_ref[0]
    gy = jnp.sum(ym, axis=0, keepdims=True) * (1.0 / n)
    u, ku = [], []
    for c in range(3):
        gu = jnp.dot(gy[:, c * H:(c + 1) * H], gWbT_ref[...],
                     preferred_element_type=jnp.float32)
        uc = jnp.dot(ym[:, c * H:(c + 1) * H], gWaT_ref[...],
                     preferred_element_type=jnp.float32) + gu
        u.append(uc)
        ku.append(jnp.dot(uc, gWdT_ref[...], preferred_element_type=jnp.float32))
    nsq = ku[0] * ku[0] + ku[1] * ku[1] + ku[2] * ku[2]
    rn = 1.0 / jnp.maximum(jnp.sqrt(nsq), EPS)
    dot = (u[0] * ku[0] + u[1] * ku[1] + u[2] * ku[2]) * rn
    coef = -0.8 * jnp.minimum(dot, 0.0) * rn
    feat_ref[0] = jnp.concatenate([u[c] + coef * ku[c] for c in range(3)], axis=1)


def _node(ym, gWaT, gWbT, gWdT, n):
    bsz = ym.shape[0]
    wspec = pl.BlockSpec((H, H), lambda i: (0, 0))
    return pl.pallas_call(
        functools.partial(_node_body, n=n),
        grid=(bsz,),
        in_specs=[
            pl.BlockSpec((1, n, 3 * H), lambda i: (i, 0, 0)),
            wspec, wspec, wspec,
        ],
        out_specs=pl.BlockSpec((1, n, 3 * H), lambda i: (i, 0, 0)),
        out_shape=jax.ShapeDtypeStruct((bsz, n, 3 * H), jnp.float32),
    )(ym, gWaT, gWbT, gWdT)



def _head_body(f0_ref, f1_ref, f2_ref, f3_ref, ccWT_ref, ccWd_ref, fcT_ref,
               z_ref, scale_ref, vinv_ref, *, n):
    fs = [f0_ref[0], f1_ref[0], f2_ref[0], f3_ref[0]]
    u = []
    for c in range(3):
        acc = jnp.zeros((n, H), jnp.float32)
        for i in range(4):
            acc = acc + jnp.dot(fs[i][:, c * H:(c + 1) * H],
                                ccWT_ref[i * H:(i + 1) * H, :],
                                preferred_element_type=jnp.float32)
        u.append(acc)
    wd = ccWd_ref[0:1, :]
    kc = [jnp.sum(u[c] * wd, axis=1, keepdims=True) for c in range(3)]
    nsq = kc[0] * kc[0] + kc[1] * kc[1] + kc[2] * kc[2]
    rn = 1.0 / jnp.maximum(jnp.sqrt(nsq), EPS)
    kd = [kc[c] * rn for c in range(3)]
    dot = u[0] * kd[0] + u[1] * kd[1] + u[2] * kd[2]
    coef = -0.8 * jnp.minimum(dot, 0.0)
    xm = [jnp.sum(u[c] + coef * kd[c], axis=0, keepdims=True) * (1.0 / n)
          for c in range(3)]
    xnorm = jnp.sqrt(xm[0] * xm[0] + xm[1] * xm[1] + xm[2] * xm[2])
    xdir = [xm[c] / jnp.maximum(xnorm, EPS) for c in range(3)]
    xnn = jnp.sqrt(jnp.sum(xnorm * xnorm, axis=1, keepdims=True))
    z = [xdir[c] * xnorm / jnp.maximum(xnn, EPS) for c in range(3)]
    z_ref[0] = jnp.concatenate(z, axis=1)
    scl = jnp.mean(xnorm, axis=1, keepdims=True) * SCALE_FACTOR
    scale_ref[0] = jnp.broadcast_to(scl, (1, H))
    zd = [jnp.dot(xm[c], fcT_ref[...], preferred_element_type=jnp.float32)
          for c in range(3)]
    zdn = jnp.sqrt(zd[0] * zd[0] + zd[1] * zd[1] + zd[2] * zd[2])
    zdd = [zd[c] / jnp.maximum(zdn, EPS) for c in range(3)]
    zdnn = jnp.sqrt(jnp.sum(zdn * zdn, axis=1, keepdims=True))
    zi = [zdd[c] * zdn / jnp.maximum(zdnn, EPS) for c in range(3)]
    vinv_ref[0] = zi[0] * z[0] + zi[1] * z[1] + zi[2] * z[2]


def _head(f0, f1, f2, f3, ccWT, ccWd, fcT, n):
    bsz = f0.shape[0]
    fspec = pl.BlockSpec((1, n, 3 * H), lambda i: (i, 0, 0))
    return pl.pallas_call(
        functools.partial(_head_body, n=n),
        grid=(bsz,),
        in_specs=[
            fspec, fspec, fspec, fspec,
            pl.BlockSpec((4 * H, H), lambda i: (0, 0)),
            pl.BlockSpec((8, H), lambda i: (0, 0)),
            pl.BlockSpec((H, H), lambda i: (0, 0)),
        ],
        out_specs=[
            pl.BlockSpec((1, 1, 3 * H), lambda i: (i, 0, 0)),
            pl.BlockSpec((1, 1, H), lambda i: (i, 0, 0)),
            pl.BlockSpec((1, 1, H), lambda i: (i, 0, 0)),
        ],
        out_shape=[
            jax.ShapeDtypeStruct((bsz, 1, 3 * H), jnp.float32),
            jax.ShapeDtypeStruct((bsz, 1, H), jnp.float32),
            jax.ShapeDtypeStruct((bsz, 1, H), jnp.float32),
        ],
    )(f0, f1, f2, f3, ccWT, ccWd, fcT)



def kernel(x, c0_W, c0_Wd, c1_W, c1_Wd, c2_W, c2_Wd, c3_W, c3_Wd,
           g0_W, g0_Wd, g1_W, g1_Wd, g2_W, g2_Wd, g3_W, g3_Wd,
           cc_W, cc_Wd, fc_inv_W):
    bsz, _, n = x.shape
    bn = bsz * n
    xt = jnp.transpose(x, (0, 2, 1))

    idx = _knn(xt, x)
    idx_flat = idx.reshape(bn * K)

    t0 = jnp.pad(xt.reshape(bn, 3), ((0, 0), (0, 125)))
    g0 = _sc_gather(t0, idx_flat, 64).reshape(bn, K, 128)
    wT0 = jnp.pad(jnp.transpose(c0_W), ((0, 5), (0, 0)))
    ym = _edge0(g0, t0.reshape(bn, 1, 128), wT0, jnp.transpose(c0_Wd), bn)

    conv_W = [c0_W, c1_W, c2_W, c3_W]
    conv_Wd = [c0_Wd, c1_Wd, c2_Wd, c3_Wd]
    gconv_W = [g0_W, g1_W, g2_W, g3_W]
    gconv_Wd = [g0_Wd, g1_Wd, g2_Wd, g3_Wd]

    feats = []
    for i in range(4):
        gW = gconv_W[i]
        feat = _node(ym.reshape(bsz, n, 3 * H),
                     jnp.transpose(gW[:, :H]), jnp.transpose(gW[:, H:]),
                     jnp.transpose(gconv_Wd[i]), n)
        feats.append(feat)
        if i < 3:
            cW, cWd = conv_W[i + 1], conv_Wd[i + 1]
            t = feat.reshape(bn, 3 * H)
            g = _sc_gather(t, idx_flat, 256)
            ym = _edge(g.reshape(bn, K, 3 * H), t.reshape(bn, 1, 3 * H),
                       jnp.transpose(cW[:, :H]), jnp.transpose(cW[:, H:]),
                       jnp.transpose(cWd), bn)

    zc, scale_p, vinv = _head(
        feats[0], feats[1], feats[2], feats[3],
        jnp.transpose(cc_W), jnp.pad(cc_Wd, ((0, 7), (0, 0))),
        jnp.transpose(fc_inv_W), n)
    z_so3 = jnp.transpose(zc.reshape(bsz, 3, H), (0, 2, 1))
    scale = scale_p.reshape(bsz, H)[:, 0]
    v_inv = vinv.reshape(bsz, H)
    return scale, z_so3, v_inv

# --- scband reference (transcript-rebuilt; emitter-appended) ---
"""Pipeline reference for scband-vec-dgcnn-v2-81999515615312 (READ-ONLY COPY).

The authoritative reference and input builder live on the scoring server;
editing this copy changes nothing except your own understanding.
"""

import jax, jax.numpy as jnp
import numpy as np

H = 128
K = 16
NUM_LAYERS = 4
SCALE_FACTOR = 640.0
NEG_SLOPE = 0.2
EPS = 1e-12

ORDER = ["x", "c0_W", "c0_Wd", "c1_W", "c1_Wd", "c2_W", "c2_Wd", "c3_W", "c3_Wd", "g0_W", "g0_Wd", "g1_W", "g1_Wd", "g2_W", "g2_Wd", "g3_W", "g3_Wd", "cc_W", "cc_Wd", "fc_inv_W"]


def _normalize(x, axis):
    n = jnp.linalg.norm(x, axis=axis, keepdims=True)
    return x / jnp.maximum(n, EPS)


def channel_equi_vec_normalize(x):
    # x: [B, C, 3, ...]
    x_dir = _normalize(x, 2)
    x_norm = jnp.linalg.norm(x, axis=2, keepdims=True)
    return x_dir * _normalize(x_norm, 1)


def vec_linear(W, x):
    # channel-mixing linear acting on dim 1; x: [B, C_in, 3, ...]
    return jnp.einsum('oi,bi...->bo...', W, x)


def vec_act(x, Wd):
    # VN-style leaky-relu nonlinearity with learned direction
    k = vec_linear(Wd, x)
    k_dir = _normalize(k, 2)
    dot = jnp.sum(x * k_dir, axis=2, keepdims=True)
    x_orth = x - dot * k_dir
    a = jnp.where(dot >= 0.0, dot, NEG_SLOPE * dot)
    return x_orth + a * k_dir


def vec_lna(x, W, Wd):
    return vec_act(vec_linear(W, x), Wd)


def knn_indices(pts, k):
    # pts: [B, N, 3]; brute-force exact kNN (includes self), ascending distance
    sq = jnp.sum(pts * pts, axis=-1)
    d2 = sq[:, :, None] + sq[:, None, :] - 2.0 * jnp.einsum('bnd,bmd->bnm', pts, pts)
    _, idx = jax.lax.top_k(-d2, k)
    return idx


def gather_neighbors(x, idx):
    # x: [B, C, 3, N]; idx: [B, N, k] -> [B, C, 3, N, k]
    B, C, V, N = x.shape
    k = idx.shape[-1]
    flat = jnp.broadcast_to(idx.reshape(B, 1, 1, N * k), (B, C, V, N * k))
    return jnp.take_along_axis(x, flat, axis=3).reshape(B, C, V, N, k)


def graph_feature(x, idx, cross):
    nb = gather_neighbors(x, idx)
    xp = jnp.broadcast_to(x[..., None], nb.shape)
    if cross:
        xd = _normalize(x, 2)
        xdp = jnp.broadcast_to(xd[..., None], nb.shape)
        cr = jnp.cross(xdp, nb, axis=2)
        return jnp.concatenate([cr, nb - xp, xp], axis=1)
    return jnp.concatenate([nb - xp, xp], axis=1)


def _forward(x, c0_W, c0_Wd, c1_W, c1_Wd, c2_W, c2_Wd, c3_W, c3_Wd, g0_W, g0_Wd, g1_W, g1_Wd, g2_W, g2_Wd, g3_W, g3_Wd, cc_W, cc_Wd, fc_inv_W):
    conv_W = [c0_W, c1_W, c2_W, c3_W]
    conv_Wd = [c0_Wd, c1_Wd, c2_Wd, c3_Wd]
    gconv_W = [g0_W, g1_W, g2_W, g3_W]
    gconv_Wd = [g0_Wd, g1_Wd, g2_Wd, g3_Wd]
    xv = x[:, None, :, :]  # [B, 1, 3, N]
    idx = knn_indices(jnp.transpose(x, (0, 2, 1)), K)
    feat_list = []
    for i in range(NUM_LAYERS):
        y = graph_feature(xv, idx, cross=(i == 0))
        y = jnp.mean(vec_lna(y, conv_W[i], conv_Wd[i]), axis=-1)  # pool over k
        gy = jnp.mean(y, axis=-1)  # global pool over N
        y = jnp.concatenate([y, jnp.broadcast_to(gy[..., None], y.shape)], axis=1)
        y = vec_lna(y, gconv_W[i], gconv_Wd[i])
        feat_list.append(y)
        xv = y
    xc = vec_lna(jnp.concatenate(feat_list, axis=1), cc_W, cc_Wd)
    xm = jnp.mean(xc, axis=-1)  # [B, C, 3]
    z_so3 = channel_equi_vec_normalize(xm)
    scale = jnp.mean(jnp.linalg.norm(xm, axis=-1), axis=1) * SCALE_FACTOR
    z_inv_dual = vec_linear(fc_inv_W, xm[..., None])[..., 0]
    v_inv = jnp.sum(channel_equi_vec_normalize(z_inv_dual) * z_so3, axis=-1)
    return scale, z_so3, v_inv


def setup_inputs(seed: int = 0):
    key = jax.random.key(seed)
    ks = jax.random.split(key, 24)
    B, N = 2, 1024
    inp = {"x": jax.random.normal(ks[0], (B, 3, N), dtype=jnp.float32)}

    def w(k, o, i):
        return jax.random.normal(k, (o, i), dtype=jnp.float32) * (1.0 / np.sqrt(i))

    ins = [3, 2 * H, 2 * H, 2 * H]
    for i in range(4):
        inp["c%d_W" % i] = w(ks[1 + 2 * i], H, ins[i])
        inp["c%d_Wd" % i] = w(ks[2 + 2 * i], H, H)
        inp["g%d_W" % i] = w(ks[9 + 2 * i], H, 2 * H)
        inp["g%d_Wd" % i] = w(ks[10 + 2 * i], H, H)
    inp["cc_W"] = w(ks[17], H, 4 * H)
    inp["cc_Wd"] = w(ks[18], 1, H)  # shared nonlinearity -> 1 direction channel
    inp["fc_inv_W"] = w(ks[19], H, H)
    return inp


def reference(x, c0_W, c0_Wd, c1_W, c1_Wd, c2_W, c2_Wd, c3_W, c3_Wd, g0_W, g0_Wd, g1_W, g1_Wd, g2_W, g2_Wd, g3_W, g3_Wd, cc_W, cc_Wd, fc_inv_W):
    return _forward(x, c0_W, c0_Wd, c1_W, c1_Wd, c2_W, c2_Wd, c3_W, c3_Wd, g0_W, g0_Wd, g1_W, g1_Wd, g2_W, g2_Wd, g3_W, g3_Wd, cc_W, cc_Wd, fc_inv_W)

if __name__ == "__main__":
    import jax
    _d = setup_inputs()
    print(jax.jit(kernel)(*tuple(_d.values())))

</pallas_src>

<mosaic_0001>
#map = affine_map<(d0, d1) -> (0, 0)>
#map1 = affine_map<(d0, d1) -> (0)>
module attributes {stable_mosaic.version = 14 : i64} {
  func.func @gk(%arg0: i32, %arg1: i32, %arg2: memref<2048x128xf32, #tpu.memory_space<hbm>>, %arg3: memref<32768xi32, #tpu.memory_space<hbm>>, %arg4: memref<32768x128xf32, #tpu.memory_space<hbm>>, %arg5: memref<64xi32, #tpu.memory_space<vmem>>, %arg6: memref<64x128xf32, #tpu.memory_space<vmem>>, %arg7: memref<!tpu.dma_semaphore, #tpu.memory_space<semaphore_mem>>) attributes {dimension_semantics = [#tpu.dimension_semantics<core_parallel>, #tpu.dimension_semantics<subcore_parallel>], iteration_bounds = array<i64: 2, 16>, scalar_prefetch = 0 : i64, scratch_operands = 3 : i64, tpu.core_type = #tpu.core_type<sc_vector_subcore>, window_params = [{transform_indices = #map}, {transform_indices = #map1}, {transform_indices = #map}]} {
    %mul3A = arith.constant 2 : i32
    %mul3A_0 = arith.muli %arg1, %mul3A : i32
    %add3A = arith.addi %mul3A_0, %arg0 : i32
    %mul3A_1 = arith.constant 1024 : i32
    %mul3A_2 = arith.muli %add3A, %mul3A_1 : i32
    %scan3A = arith.constant 0 : i32
    %scan3A_3 = arith.constant 0 : i32
    %scan3A_4 = arith.constant 16 : i32
    %scan3A_5 = arith.addi %scan3A_3, %scan3A_4 : i32
    %scan3A_6 = arith.constant 1 : i32
    scf.for %scan3A_8 = %scan3A_3 to %scan3A_5 step %scan3A_6  : i32 {
      %mul3A_9 = arith.constant 64 : i32
      %mul3A_10 = arith.muli %scan3A_8, %mul3A_9 : i32
      %add3A_11 = arith.addi %mul3A_2, %mul3A_10 : i32
      %multiple_of3A = tpu.assume_multiple %add3A_11, 64 : i32
      "tpu.region"() ({
        %run_scoped3A = tpu.sem_alloc : memref<!tpu.dma_semaphore, #tpu.memory_space<semaphore_mem>>
        %dma_start3A_16 = tpu.memref_slice %arg3[%multiple_of3A] : memref<32768xi32, #tpu.memory_space<hbm>> -> memref<64xi32, #tpu.memory_space<hbm>>
        %dma_start3A_17 = tpu.memref_slice %arg3[%multiple_of3A] : memref<32768xi32, #tpu.memory_space<hbm>> -> memref<64xi32, #tpu.memory_space<hbm>>
        tpu.enqueue_dma source(%dma_start3A_17 : memref<64xi32, #tpu.memory_space<hbm>>) target(%arg5 : memref<64xi32, #tpu.memory_space<vmem>>) target_semaphore(%run_scoped3A : memref<!tpu.dma_semaphore, #tpu.memory_space<semaphore_mem>>)
        %dma_wait3A_18 = tpu.memref_slice %arg3[%multiple_of3A] : memref<32768xi32, #tpu.memory_space<hbm>> -> memref<64xi32, #tpu.memory_space<hbm>>
        %dma_wait3A_19 = tpu.memref_slice %arg3[%multiple_of3A] : memref<32768xi32, #tpu.memory_space<hbm>> -> memref<64xi32, #tpu.memory_space<hbm>>
        tpu.wait_dma2 semaphore(%run_scoped3A : memref<!tpu.dma_semaphore, #tpu.memory_space<semaphore_mem>>) src(%dma_wait3A_19 : memref<64xi32, #tpu.memory_space<hbm>>) dst(%arg5 : memref<64xi32, #tpu.memory_space<vmem>>)
        tpu.yield
      }) : () -> ()
      %dma_start3A = arith.constant 0 : i32
      %dma_start3A_12 = arith.constant 0 : i32
      %dma_start3A_13 = tpu.memref_slice %arg2[%dma_start3A, %dma_start3A_12] : memref<2048x128xf32, #tpu.memory_space<hbm>> -> memref<2048x128xf32, #tpu.memory_space<hbm>>
      tpu.enqueue_indirect_dma source(%dma_start3A_13 : memref<2048x128xf32, #tpu.memory_space<hbm>>) target(%arg6 : memref<64x128xf32, #tpu.memory_space<vmem>>) offsets(%arg5 : memref<64xi32, #tpu.memory_space<vmem>>) semaphore(%arg7 : memref<!tpu.dma_semaphore, #tpu.memory_space<semaphore_mem>>)
      %dma_wait3A = arith.constant 0 : i32
      %dma_wait3A_14 = arith.constant 0 : i32
      %dma_wait3A_15 = tpu.memref_slice %arg2[%dma_wait3A, %dma_wait3A_14] : memref<2048x128xf32, #tpu.memory_space<hbm>> -> memref<2048x128xf32, #tpu.memory_space<hbm>>
      tpu.wait_indirect_dma semaphore(%arg7 : memref<!tpu.dma_semaphore, #tpu.memory_space<semaphore_mem>>) src(%dma_wait3A_15 : memref<2048x128xf32, #tpu.memory_space<hbm>>) dst(%arg6 : memref<64x128xf32, #tpu.memory_space<vmem>>)
      "tpu.region"() ({
        %run_scoped3A = tpu.sem_alloc : memref<!tpu.dma_semaphore, #tpu.memory_space<semaphore_mem>>
        %dma_start3A_16 = arith.constant 0 : i32
        %dma_start3A_17 = tpu.memref_slice %arg4[%multiple_of3A, %dma_start3A_16] : memref<32768x128xf32, #tpu.memory_space<hbm>> -> memref<64x128xf32, #tpu.memory_space<hbm>>
        %dma_start3A_18 = arith.constant 0 : i32
        %dma_start3A_19 = tpu.memref_slice %arg4[%multiple_of3A, %dma_start3A_18] : memref<32768x128xf32, #tpu.memory_space<hbm>> -> memref<64x128xf32, #tpu.memory_space<hbm>>
        tpu.enqueue_dma source(%arg6 : memref<64x128xf32, #tpu.memory_space<vmem>>) target(%dma_start3A_19 : memref<64x128xf32, #tpu.memory_space<hbm>>) target_semaphore(%run_scoped3A : memref<!tpu.dma_semaphore, #tpu.memory_space<semaphore_mem>>)
        %dma_wait3A_20 = arith.constant 0 : i32
        %dma_wait3A_21 = tpu.memref_slice %arg4[%multiple_of3A, %dma_wait3A_20] : memref<32768x128xf32, #tpu.memory_space<hbm>> -> memref<64x128xf32, #tpu.memory_space<hbm>>
        %dma_wait3A_22 = arith.constant 0 : i32
        %dma_wait3A_23 = tpu.memref_slice %arg4[%multiple_of3A, %dma_wait3A_22] : memref<32768x128xf32, #tpu.memory_space<hbm>> -> memref<64x128xf32, #tpu.memory_space<hbm>>
        tpu.wait_dma2 semaphore(%run_scoped3A : memref<!tpu.dma_semaphore, #tpu.memory_space<semaphore_mem>>) src(%arg6 : memref<64x128xf32, #tpu.memory_space<vmem>>) dst(%dma_wait3A_23 : memref<64x128xf32, #tpu.memory_space<hbm>>)
        tpu.yield
      }) : () -> ()
    }
    %scan3A_7 = arith.constant 16 : i32
    return
  }
}

#map = affine_map<(d0, d1) -> (0, 0)>
#map1 = affine_map<(d0, d1) -> (0)>
module attributes {stable_mosaic.version = 14 : i64} {
  func.func @gk(%arg0: i32, %arg1: i32, %arg2: memref<2048x384xf32, #tpu.memory_space<hbm>>, %arg3: memref<32768xi32, #tpu.memory_space<hbm>>, %arg4: memref<32768x384xf32, #tpu.memory_space<hbm>>, %arg5: memref<256xi32, #tpu.memory_space<vmem>>, %arg6: memref<256x384xf32, #tpu.memory_space<vmem>>, %arg7: memref<!tpu.dma_semaphore, #tpu.memory_space<semaphore_mem>>) attributes {dimension_semantics = [#tpu.dimension_semantics<core_parallel>, #tpu.dimension_semantics<subcore_parallel>], iteration_bounds = array<i64: 2, 16>, scalar_prefetch = 0 : i64, scratch_operands = 3 : i64, tpu.core_type = #tpu.core_type<sc_vector_subcore>, window_params = [{transform_indices = #map}, {transform_indices = #map1}, {transform_indices = #map}]} {
    %mul3A = arith.constant 2 : i32
    %mul3A_0 = arith.muli %arg1, %mul3A : i32
    %add3A = arith.addi %mul3A_0, %arg0 : i32
    %mul3A_1 = arith.constant 1024 : i32
    %mul3A_2 = arith.muli %add3A, %mul3A_1 : i32
    %scan3A = arith.constant 0 : i32
    %scan3A_3 = arith.constant 0 : i32
    %scan3A_4 = arith.constant 4 : i32
    %scan3A_5 = arith.addi %scan3A_3, %scan3A_4 : i32
    %scan3A_6 = arith.constant 1 : i32
    scf.for %scan3A_8 = %scan3A_3 to %scan3A_5 step %scan3A_6  : i32 {
      %mul3A_9 = arith.constant 256 : i32
      %mul3A_10 = arith.muli %scan3A_8, %mul3A_9 : i32
      %add3A_11 = arith.addi %mul3A_2, %mul3A_10 : i32
      %multiple_of3A = tpu.assume_multiple %add3A_11, 256 : i32
      "tpu.region"() ({
        %run_scoped3A = tpu.sem_alloc : memref<!tpu.dma_semaphore, #tpu.memory_space<semaphore_mem>>
        %dma_start3A_16 = tpu.memref_slice %arg3[%multiple_of3A] : memref<32768xi32, #tpu.memory_space<hbm>> -> memref<256xi32, #tpu.memory_space<hbm>>
        %dma_start3A_17 = tpu.memref_slice %arg3[%multiple_of3A] : memref<32768xi32, #tpu.memory_space<hbm>> -> memref<256xi32, #tpu.memory_space<hbm>>
        tpu.enqueue_dma source(%dma_start3A_17 : memref<256xi32, #tpu.memory_space<hbm>>) target(%arg5 : memref<256xi32, #tpu.memory_space<vmem>>) target_semaphore(%run_scoped3A : memref<!tpu.dma_semaphore, #tpu.memory_space<semaphore_mem>>)
        %dma_wait3A_18 = tpu.memref_slice %arg3[%multiple_of3A] : memref<32768xi32, #tpu.memory_space<hbm>> -> memref<256xi32, #tpu.memory_space<hbm>>
        %dma_wait3A_19 = tpu.memref_slice %arg3[%multiple_of3A] : memref<32768xi32, #tpu.memory_space<hbm>> -> memref<256xi32, #tpu.memory_space<hbm>>
        tpu.wait_dma2 semaphore(%run_scoped3A : memref<!tpu.dma_semaphore, #tpu.memory_space<semaphore_mem>>) src(%dma_wait3A_19 : memref<256xi32, #tpu.memory_space<hbm>>) dst(%arg5 : memref<256xi32, #tpu.memory_space<vmem>>)
        tpu.yield
      }) : () -> ()
      %dma_start3A = arith.constant 0 : i32
      %dma_start3A_12 = arith.constant 0 : i32
      %dma_start3A_13 = tpu.memref_slice %arg2[%dma_start3A, %dma_start3A_12] : memref<2048x384xf32, #tpu.memory_space<hbm>> -> memref<2048x384xf32, #tpu.memory_space<hbm>>
      tpu.enqueue_indirect_dma source(%dma_start3A_13 : memref<2048x384xf32, #tpu.memory_space<hbm>>) target(%arg6 : memref<256x384xf32, #tpu.memory_space<vmem>>) offsets(%arg5 : memref<256xi32, #tpu.memory_space<vmem>>) semaphore(%arg7 : memref<!tpu.dma_semaphore, #tpu.memory_space<semaphore_mem>>)
      %dma_wait3A = arith.constant 0 : i32
      %dma_wait3A_14 = arith.constant 0 : i32
      %dma_wait3A_15 = tpu.memref_slice %arg2[%dma_wait3A, %dma_wait3A_14] : memref<2048x384xf32, #tpu.memory_space<hbm>> -> memref<2048x384xf32, #tpu.memory_space<hbm>>
      tpu.wait_indirect_dma semaphore(%arg7 : memref<!tpu.dma_semaphore, #tpu.memory_space<semaphore_mem>>) src(%dma_wait3A_15 : memref<2048x384xf32, #tpu.memory_space<hbm>>) dst(%arg6 : memref<256x384xf32, #tpu.memory_space<vmem>>)
      "tpu.region"() ({
        %run_scoped3A = tpu.sem_alloc : memref<!tpu.dma_semaphore, #tpu.memory_space<semaphore_mem>>
        %dma_start3A_16 = arith.constant 0 : i32
        %dma_start3A_17 = tpu.memref_slice %arg4[%multiple_of3A, %dma_start3A_16] : memref<32768x384xf32, #tpu.memory_space<hbm>> -> memref<256x384xf32, #tpu.memory_space<hbm>>
        %dma_start3A_18 = arith.constant 0 : i32
        %dma_start3A_19 = tpu.memref_slice %arg4[%multiple_of3A, %dma_start3A_18] : memref<32768x384xf32, #tpu.memory_space<hbm>> -> memref<256x384xf32, #tpu.memory_space<hbm>>
        tpu.enqueue_dma source(%arg6 : memref<256x384xf32, #tpu.memory_space<vmem>>) target(%dma_start3A_19 : memref<256x384xf32, #tpu.memory_space<hbm>>) target_semaphore(%run_scoped3A : memref<!tpu.dma_semaphore, #tpu.memory_space<semaphore_mem>>)
        %dma_wait3A_20 = arith.constant 0 : i32
        %dma_wait3A_21 = tpu.memref_slice %arg4[%multiple_of3A, %dma_wait3A_20] : memref<32768x384xf32, #tpu.memory_space<hbm>> -> memref<256x384xf32, #tpu.memory_space<hbm>>
        %dma_wait3A_22 = arith.constant 0 : i32
        %dma_wait3A_23 = tpu.memref_slice %arg4[%multiple_of3A, %dma_wait3A_22] : memref<32768x384xf32, #tpu.memory_space<hbm>> -> memref<256x384xf32, #tpu.memory_space<hbm>>
        tpu.wait_dma2 semaphore(%run_scoped3A : memref<!tpu.dma_semaphore, #tpu.memory_space<semaphore_mem>>) src(%arg6 : memref<256x384xf32, #tpu.memory_space<vmem>>) dst(%dma_wait3A_23 : memref<256x384xf32, #tpu.memory_space<hbm>>)
        tpu.yield
      }) : () -> ()
    }
    %scan3A_7 = arith.constant 4 : i32
    return
  }
}

#map = affine_map<(d0, d1) -> (0, 0)>
#map1 = affine_map<(d0, d1) -> (0)>
module attributes {stable_mosaic.version = 14 : i64} {
  func.func @gk(%arg0: i32, %arg1: i32, %arg2: memref<2048x384xf32, #tpu.memory_space<hbm>>, %arg3: memref<32768xi32, #tpu.memory_space<hbm>>, %arg4: memref<32768x384xf32, #tpu.memory_space<hbm>>, %arg5: memref<256xi32, #tpu.memory_space<vmem>>, %arg6: memref<256x384xf32, #tpu.memory_space<vmem>>, %arg7: memref<!tpu.dma_semaphore, #tpu.memory_space<semaphore_mem>>) attributes {dimension_semantics = [#tpu.dimension_semantics<core_parallel>, #tpu.dimension_semantics<subcore_parallel>], iteration_bounds = array<i64: 2, 16>, scalar_prefetch = 0 : i64, scratch_operands = 3 : i64, tpu.core_type = #tpu.core_type<sc_vector_subcore>, window_params = [{transform_indices = #map}, {transform_indices = #map1}, {transform_indices = #map}]} {
    %mul3A = arith.constant 2 : i32
    %mul3A_0 = arith.muli %arg1, %mul3A : i32
    %add3A = arith.addi %mul3A_0, %arg0 : i32
    %mul3A_1 = arith.constant 1024 : i32
    %mul3A_2 = arith.muli %add3A, %mul3A_1 : i32
    %scan3A = arith.constant 0 : i32
    %scan3A_3 = arith.constant 0 : i32
    %scan3A_4 = arith.constant 4 : i32
    %scan3A_5 = arith.addi %scan3A_3, %scan3A_4 : i32
    %scan3A_6 = arith.constant 1 : i32
    scf.for %scan3A_8 = %scan3A_3 to %scan3A_5 step %scan3A_6  : i32 {
      %mul3A_9 = arith.constant 256 : i32
      %mul3A_10 = arith.muli %scan3A_8, %mul3A_9 : i32
      %add3A_11 = arith.addi %mul3A_2, %mul3A_10 : i32
      %multiple_of3A = tpu.assume_multiple %add3A_11, 256 : i32
      "tpu.region"() ({
        %run_scoped3A = tpu.sem_alloc : memref<!tpu.dma_semaphore, #tpu.memory_space<semaphore_mem>>
        %dma_start3A_16 = tpu.memref_slice %arg3[%multiple_of3A] : memref<32768xi32, #tpu.memory_space<hbm>> -> memref<256xi32, #tpu.memory_space<hbm>>
        %dma_start3A_17 = tpu.memref_slice %arg3[%multiple_of3A] : memref<32768xi32, #tpu.memory_space<hbm>> -> memref<256xi32, #tpu.memory_space<hbm>>
        tpu.enqueue_dma source(%dma_start3A_17 : memref<256xi32, #tpu.memory_space<hbm>>) target(%arg5 : memref<256xi32, #tpu.memory_space<vmem>>) target_semaphore(%run_scoped3A : memref<!tpu.dma_semaphore, #tpu.memory_space<semaphore_mem>>)
        %dma_wait3A_18 = tpu.memref_slice %arg3[%multiple_of3A] : memref<32768xi32, #tpu.memory_space<hbm>> -> memref<256xi32, #tpu.memory_space<hbm>>
        %dma_wait3A_19 = tpu.memref_slice %arg3[%multiple_of3A] : memref<32768xi32, #tpu.memory_space<hbm>> -> memref<256xi32, #tpu.memory_space<hbm>>
        tpu.wait_dma2 semaphore(%run_scoped3A : memref<!tpu.dma_semaphore, #tpu.memory_space<semaphore_mem>>) src(%dma_wait3A_19 : memref<256xi32, #tpu.memory_space<hbm>>) dst(%arg5 : memref<256xi32, #tpu.memory_space<vmem>>)
        tpu.yield
      }) : () -> ()
      %dma_start3A = arith.constant 0 : i32
      %dma_start3A_12 = arith.constant 0 : i32
      %dma_start3A_13 = tpu.memref_slice %arg2[%dma_start3A, %dma_start3A_12] : memref<2048x384xf32, #tpu.memory_space<hbm>> -> memref<2048x384xf32, #tpu.memory_space<hbm>>
      tpu.enqueue_indirect_dma source(%dma_start3A_13 : memref<2048x384xf32, #tpu.memory_space<hbm>>) target(%arg6 : memref<256x384xf32, #tpu.memory_space<vmem>>) offsets(%arg5 : memref<256xi32, #tpu.memory_space<vmem>>) semaphore(%arg7 : memref<!tpu.dma_semaphore, #tpu.memory_space<semaphore_mem>>)
      %dma_wait3A = arith.constant 0 : i32
      %dma_wait3A_14 = arith.constant 0 : i32
      %dma_wait3A_15 = tpu.memref_slice %arg2[%dma_wait3A, %dma_wait3A_14] : memref<2048x384xf32, #tpu.memory_space<hbm>> -> memref<2048x384xf32, #tpu.memory_space<hbm>>
      tpu.wait_indirect_dma semaphore(%arg7 : memref<!tpu.dma_semaphore, #tpu.memory_space<semaphore_mem>>) src(%dma_wait3A_15 : memref<2048x384xf32, #tpu.memory_space<hbm>>) dst(%arg6 : memref<256x384xf32, #tpu.memory_space<vmem>>)
      "tpu.region"() ({
        %run_scoped3A = tpu.sem_alloc : memref<!tpu.dma_semaphore, #tpu.memory_space<semaphore_mem>>
        %dma_start3A_16 = arith.constant 0 : i32
        %dma_start3A_17 = tpu.memref_slice %arg4[%multiple_of3A, %dma_start3A_16] : memref<32768x384xf32, #tpu.memory_space<hbm>> -> memref<256x384xf32, #tpu.memory_space<hbm>>
        %dma_start3A_18 = arith.constant 0 : i32
        %dma_start3A_19 = tpu.memref_slice %arg4[%multiple_of3A, %dma_start3A_18] : memref<32768x384xf32, #tpu.memory_space<hbm>> -> memref<256x384xf32, #tpu.memory_space<hbm>>
        tpu.enqueue_dma source(%arg6 : memref<256x384xf32, #tpu.memory_space<vmem>>) target(%dma_start3A_19 : memref<256x384xf32, #tpu.memory_space<hbm>>) target_semaphore(%run_scoped3A : memref<!tpu.dma_semaphore, #tpu.memory_space<semaphore_mem>>)
        %dma_wait3A_20 = arith.constant 0 : i32
        %dma_wait3A_21 = tpu.memref_slice %arg4[%multiple_of3A, %dma_wait3A_20] : memref<32768x384xf32, #tpu.memory_space<hbm>> -> memref<256x384xf32, #tpu.memory_space<hbm>>
        %dma_wait3A_22 = arith.constant 0 : i32
        %dma_wait3A_23 = tpu.memref_slice %arg4[%multiple_of3A, %dma_wait3A_22] : memref<32768x384xf32, #tpu.memory_space<hbm>> -> memref<256x384xf32, #tpu.memory_space<hbm>>
        tpu.wait_dma2 semaphore(%run_scoped3A : memref<!tpu.dma_semaphore, #tpu.memory_space<semaphore_mem>>) src(%arg6 : memref<256x384xf32, #tpu.memory_space<vmem>>) dst(%dma_wait3A_23 : memref<256x384xf32, #tpu.memory_space<hbm>>)
        tpu.yield
      }) : () -> ()
    }
    %scan3A_7 = arith.constant 4 : i32
    return
  }
}

#map = affine_map<(d0, d1) -> (0, 0)>
#map1 = affine_map<(d0, d1) -> (0)>
module attributes {stable_mosaic.version = 14 : i64} {
  func.func @gk(%arg0: i32, %arg1: i32, %arg2: memref<2048x384xf32, #tpu.memory_space<hbm>>, %arg3: memref<32768xi32, #tpu.memory_space<hbm>>, %arg4: memref<32768x384xf32, #tpu.memory_space<hbm>>, %arg5: memref<256xi32, #tpu.memory_space<vmem>>, %arg6: memref<256x384xf32, #tpu.memory_space<vmem>>, %arg7: memref<!tpu.dma_semaphore, #tpu.memory_space<semaphore_mem>>) attributes {dimension_semantics = [#tpu.dimension_semantics<core_parallel>, #tpu.dimension_semantics<subcore_parallel>], iteration_bounds = array<i64: 2, 16>, scalar_prefetch = 0 : i64, scratch_operands = 3 : i64, tpu.core_type = #tpu.core_type<sc_vector_subcore>, window_params = [{transform_indices = #map}, {transform_indices = #map1}, {transform_indices = #map}]} {
    %mul3A = arith.constant 2 : i32
    %mul3A_0 = arith.muli %arg1, %mul3A : i32
    %add3A = arith.addi %mul3A_0, %arg0 : i32
    %mul3A_1 = arith.constant 1024 : i32
    %mul3A_2 = arith.muli %add3A, %mul3A_1 : i32
    %scan3A = arith.constant 0 : i32
    %scan3A_3 = arith.constant 0 : i32
    %scan3A_4 = arith.constant 4 : i32
    %scan3A_5 = arith.addi %scan3A_3, %scan3A_4 : i32
    %scan3A_6 = arith.constant 1 : i32
    scf.for %scan3A_8 = %scan3A_3 to %scan3A_5 step %scan3A_6  : i32 {
      %mul3A_9 = arith.constant 256 : i32
      %mul3A_10 = arith.muli %scan3A_8, %mul3A_9 : i32
      %add3A_11 = arith.addi %mul3A_2, %mul3A_10 : i32
      %multiple_of3A = tpu.assume_multiple %add3A_11, 256 : i32
      "tpu.region"() ({
        %run_scoped3A = tpu.sem_alloc : memref<!tpu.dma_semaphore, #tpu.memory_space<semaphore_mem>>
        %dma_start3A_16 = tpu.memref_slice %arg3[%multiple_of3A] : memref<32768xi32, #tpu.memory_space<hbm>> -> memref<256xi32, #tpu.memory_space<hbm>>
        %dma_start3A_17 = tpu.memref_slice %arg3[%multiple_of3A] : memref<32768xi32, #tpu.memory_space<hbm>> -> memref<256xi32, #tpu.memory_space<hbm>>
        tpu.enqueue_dma source(%dma_start3A_17 : memref<256xi32, #tpu.memory_space<hbm>>) target(%arg5 : memref<256xi32, #tpu.memory_space<vmem>>) target_semaphore(%run_scoped3A : memref<!tpu.dma_semaphore, #tpu.memory_space<semaphore_mem>>)
        %dma_wait3A_18 = tpu.memref_slice %arg3[%multiple_of3A] : memref<32768xi32, #tpu.memory_space<hbm>> -> memref<256xi32, #tpu.memory_space<hbm>>
        %dma_wait3A_19 = tpu.memref_slice %arg3[%multiple_of3A] : memref<32768xi32, #tpu.memory_space<hbm>> -> memref<256xi32, #tpu.memory_space<hbm>>
        tpu.wait_dma2 semaphore(%run_scoped3A : memref<!tpu.dma_semaphore, #tpu.memory_space<semaphore_mem>>) src(%dma_wait3A_19 : memref<256xi32, #tpu.memory_space<hbm>>) dst(%arg5 : memref<256xi32, #tpu.memory_space<vmem>>)
        tpu.yield
      }) : () -> ()
      %dma_start3A = arith.constant 0 : i32
      %dma_start3A_12 = arith.constant 0 : i32
      %dma_start3A_13 = tpu.memref_slice %arg2[%dma_start3A, %dma_start3A_12] : memref<2048x384xf32, #tpu.memory_space<hbm>> -> memref<2048x384xf32, #tpu.memory_space<hbm>>
      tpu.enqueue_indirect_dma source(%dma_start3A_13 : memref<2048x384xf32, #tpu.memory_space<hbm>>) target(%arg6 : memref<256x384xf32, #tpu.memory_space<vmem>>) offsets(%arg5 : memref<256xi32, #tpu.memory_space<vmem>>) semaphore(%arg7 : memref<!tpu.dma_semaphore, #tpu.memory_space<semaphore_mem>>)
      %dma_wait3A = arith.constant 0 : i32
      %dma_wait3A_14 = arith.constant 0 : i32
      %dma_wait3A_15 = tpu.memref_slice %arg2[%dma_wait3A, %dma_wait3A_14] : memref<2048x384xf32, #tpu.memory_space<hbm>> -> memref<2048x384xf32, #tpu.memory_space<hbm>>
      tpu.wait_indirect_dma semaphore(%arg7 : memref<!tpu.dma_semaphore, #tpu.memory_space<semaphore_mem>>) src(%dma_wait3A_15 : memref<2048x384xf32, #tpu.memory_space<hbm>>) dst(%arg6 : memref<256x384xf32, #tpu.memory_space<vmem>>)
      "tpu.region"() ({
        %run_scoped3A = tpu.sem_alloc : memref<!tpu.dma_semaphore, #tpu.memory_space<semaphore_mem>>
        %dma_start3A_16 = arith.constant 0 : i32
        %dma_start3A_17 = tpu.memref_slice %arg4[%multiple_of3A, %dma_start3A_16] : memref<32768x384xf32, #tpu.memory_space<hbm>> -> memref<256x384xf32, #tpu.memory_space<hbm>>
        %dma_start3A_18 = arith.constant 0 : i32
        %dma_start3A_19 = tpu.memref_slice %arg4[%multiple_of3A, %dma_start3A_18] : memref<32768x384xf32, #tpu.memory_space<hbm>> -> memref<256x384xf32, #tpu.memory_space<hbm>>
        tpu.enqueue_dma source(%arg6 : memref<256x384xf32, #tpu.memory_space<vmem>>) target(%dma_start3A_19 : memref<256x384xf32, #tpu.memory_space<hbm>>) target_semaphore(%run_scoped3A : memref<!tpu.dma_semaphore, #tpu.memory_space<semaphore_mem>>)
        %dma_wait3A_20 = arith.constant 0 : i32
        %dma_wait3A_21 = tpu.memref_slice %arg4[%multiple_of3A, %dma_wait3A_20] : memref<32768x384xf32, #tpu.memory_space<hbm>> -> memref<256x384xf32, #tpu.memory_space<hbm>>
        %dma_wait3A_22 = arith.constant 0 : i32
        %dma_wait3A_23 = tpu.memref_slice %arg4[%multiple_of3A, %dma_wait3A_22] : memref<32768x384xf32, #tpu.memory_space<hbm>> -> memref<256x384xf32, #tpu.memory_space<hbm>>
        tpu.wait_dma2 semaphore(%run_scoped3A : memref<!tpu.dma_semaphore, #tpu.memory_space<semaphore_mem>>) src(%arg6 : memref<256x384xf32, #tpu.memory_space<vmem>>) dst(%dma_wait3A_23 : memref<256x384xf32, #tpu.memory_space<hbm>>)
        tpu.yield
      }) : () -> ()
    }
    %scan3A_7 = arith.constant 4 : i32
    return
  }
}

module attributes {stable_mosaic.version = 14 : i64} {
  func.func @_knn_body(%arg0: i32, %arg1: memref<1x1024x3xf32, #tpu.memory_space<vmem>>, %arg2: memref<1x3x1024xf32, #tpu.memory_space<vmem>>, %arg3: memref<1x1024x16xi32, #tpu.memory_space<vmem>>) attributes {dimension_semantics = [#tpu.dimension_semantics<arbitrary>], iteration_bounds = array<i64: 2>, scalar_prefetch = 0 : i64, scratch_operands = 0 : i64, tpu.core_type = #tpu.core_type<tc>, window_params = [{transform_indices = @transform_0, window_bounds = array<i64: 1, 1024, 3>}, {transform_indices = @transform_1, window_bounds = array<i64: 1, 3, 1024>}, {transform_indices = @transform_2, window_bounds = array<i64: 1, 1024, 16>}]} {
    %get3A = arith.constant 0 : index
    %get3A_0 = arith.constant 0 : index
    %get3A_1 = arith.constant 0 : index
    %get3A_2 = vector.load %arg1[%get3A, %get3A_0, %get3A_1] : memref<1x1024x3xf32, #tpu.memory_space<vmem>>, vector<1x1024x3xf32>
    %get3A_3 = vector.shape_cast %get3A_2 : vector<1x1024x3xf32> to vector<1024x3xf32>
    %get3A_4 = arith.constant 0 : index
    %get3A_5 = arith.constant 0 : index
    %get3A_6 = arith.constant 0 : index
    %get3A_7 = vector.load %arg2[%get3A_4, %get3A_5, %get3A_6] : memref<1x3x1024xf32, #tpu.memory_space<vmem>>, vector<1x3x1024xf32>
    %get3A_8 = vector.shape_cast %get3A_7 : vector<1x3x1024xf32> to vector<3x1024xf32>
    %mul3A = arith.mulf %get3A_3, %get3A_3 : vector<1024x3xf32>
    %reduce_sum3A = arith.constant dense<0.000000e+00> : vector<1024xf32>
    %reduce_sum3A_9 = vector.multi_reduction <add>, %mul3A, %reduce_sum3A [1] : vector<1024x3xf32> to vector<1024xf32>
    %broadcast_in_dim3A = vector.shape_cast %reduce_sum3A_9 : vector<1024xf32> to vector<1024x1xf32>
    %mul3A_10 = arith.mulf %get3A_8, %get3A_8 : vector<3x1024xf32>
    %reduce_sum3A_11 = arith.constant dense<0.000000e+00> : vector<1024xf32>
    %reduce_sum3A_12 = vector.multi_reduction <add>, %mul3A_10, %reduce_sum3A_11 [0] : vector<3x1024xf32> to vector<1024xf32>
    %broadcast_in_dim3A_13 = vector.shape_cast %reduce_sum3A_12 : vector<1024xf32> to vector<1x1024xf32>
    %dot_general3A = arith.constant dense<0.000000e+00> : vector<1024x1024xf32>
    %dot_general3A_14 = tpu.matmul %get3A_3, %get3A_8, %dot_general3A {dimension_numbers = #tpu.dot_dimension_numbers<[1], [0], [0], [1], [0, 0, 1, 1], [], []>, transpose_lhs_hint = false} : vector<1024x3xf32>, vector<3x1024xf32>, vector<1024x1024xf32> -> vector<1024x1024xf32>
    %add3A = vector.broadcast %broadcast_in_dim3A : vector<1024x1xf32> to vector<1024x1024xf32>
    %add3A_15 = vector.broadcast %broadcast_in_dim3A_13 : vector<1x1024xf32> to vector<1024x1024xf32>
    %add3A_16 = arith.addf %add3A, %add3A_15 : vector<1024x1024xf32>
    %mul3A_17 = arith.constant 2.000000e+00 : f32
    %mul3A_18 = vector.broadcast %mul3A_17 : f32 to vector<1024x1024xf32>
    %mul3A_19 = arith.mulf %mul3A_18, %dot_general3A_14 : vector<1024x1024xf32>
    %sub3A = arith.subf %add3A_16, %mul3A_19 : vector<1024x1024xf32>
    %iota3A = tpu.iota {dimensions = array<i32: 1>} : vector<1024x1024xi32>
    %reduce_min3A = arith.constant dense<0x7F800000> : vector<1024xf32>
    %reduce_min3A_20 = vector.multi_reduction <minimumf>, %sub3A, %reduce_min3A [1] : vector<1024x1024xf32> to vector<1024xf32>
    %broadcast_in_dim3A_21 = vector.shape_cast %reduce_min3A_20 : vector<1024xf32> to vector<1024x1xf32>
    %eq3A = vector.broadcast %broadcast_in_dim3A_21 : vector<1024x1xf32> to vector<1024x1024xf32>
    %eq3A_22 = arith.cmpf oeq, %sub3A, %eq3A : vector<1024x1024xf32>
    %jit3A = arith.constant 1024 : i32
    %broadcast_in_dim3A_23 = vector.broadcast %jit3A : i32 to vector<1024x1024xi32>
    %select_n3A = arith.select %eq3A_22, %iota3A, %broadcast_in_dim3A_23 : vector<1024x1024xi1>, vector<1024x1024xi32>
    %reduce_min3A_24 = arith.constant dense<2147483647> : vector<1024xi32>
    %reduce_min3A_25 = vector.multi_reduction <minsi>, %select_n3A, %reduce_min3A_24 [1] : vector<1024x1024xi32> to vector<1024xi32>
    %broadcast_in_dim3A_26 = vector.shape_cast %reduce_min3A_25 : vector<1024xi32> to vector<1024x1xi32>
    %mul3A_27 = arith.constant 1024 : i32
    %mul3A_28 = arith.muli %arg0, %mul3A_27 : i32
    %add3A_29 = vector.broadcast %mul3A_28 : i32 to vector<1024x1xi32>
    %add3A_30 = arith.addi %broadcast_in_dim3A_26, %add3A_29 : vector<1024x1xi32>
    %eq3A_31 = vector.broadcast %broadcast_in_dim3A_26 : vector<1024x1xi32> to vector<1024x1024xi32>
    %eq3A_32 = arith.cmpi eq, %iota3A, %eq3A_31 : vector<1024x1024xi32>
    %jit3A_33 = arith.constant 0x7F800000 : f32
    %broadcast_in_dim3A_34 = vector.broadcast %jit3A_33 : f32 to vector<1024x1024xf32>
    %select_n3A_35 = arith.select %eq3A_32, %broadcast_in_dim3A_34, %sub3A : vector<1024x1024xi1>, vector<1024x1024xf32>
    %reduce_min3A_36 = arith.constant dense<0x7F800000> : vector<1024xf32>
    %reduce_min3A_37 = vector.multi_reduction <minimumf>, %select_n3A_35, %reduce_min3A_36 [1] : vector<1024x1024xf32> to vector<1024xf32>
    %broadcast_in_dim3A_38 = vector.shape_cast %reduce_min3A_37 : vector<1024xf32> to vector<1024x1xf32>
    %eq3A_39 = vector.broadcast %broadcast_in_dim3A_38 : vector<1024x1xf32> to vector<1024x1024xf32>
    %eq3A_40 = arith.cmpf oeq, %select_n3A_35, %eq3A_39 : vector<1024x1024xf32>
    %jit3A_41 = arith.constant 1024 : i32
    %broadcast_in_dim3A_42 = vector.broadcast %jit3A_41 : i32 to vector<1024x1024xi32>
    %select_n3A_43 = arith.select %eq3A_40, %iota3A, %broadcast_in_dim3A_42 : vector<1024x1024xi1>, vector<1024x1024xi32>
    %reduce_min3A_44 = arith.constant dense<2147483647> : vector<1024xi32>
    %reduce_min3A_45 = vector.multi_reduction <minsi>, %select_n3A_43, %reduce_min3A_44 [1] : vector<1024x1024xi32> to vector<1024xi32>
    %broadcast_in_dim3A_46 = vector.shape_cast %reduce_min3A_45 : vector<1024xi32> to vector<1024x1xi32>
    %mul3A_47 = arith.constant 1024 : i32
    %mul3A_48 = arith.muli %arg0, %mul3A_47 : i32
    %add3A_49 = vector.broadcast %mul3A_48 : i32 to vector<1024x1xi32>
    %add3A_50 = arith.addi %broadcast_in_dim3A_46, %add3A_49 : vector<1024x1xi32>
    %eq3A_51 = vector.broadcast %broadcast_in_dim3A_46 : vector<1024x1xi32> to vector<1024x1024xi32>
    %eq3A_52 = arith.cmpi eq, %iota3A, %eq3A_51 : vector<1024x1024xi32>
    %jit3A_53 = arith.constant 0x7F800000 : f32
    %broadcast_in_dim3A_54 = vector.broadcast %jit3A_53 : f32 to vector<1024x1024xf32>
    %select_n3A_55 = arith.select %eq3A_52, %broadcast_in_dim3A_54, %select_n3A_35 : vector<1024x1024xi1>, vector<1024x1024xf32>
    %reduce_min3A_56 = arith.constant dense<0x7F800000> : vector<1024xf32>
    %reduce_min3A_57 = vector.multi_reduction <minimumf>, %select_n3A_55, %reduce_min3A_56 [1] : vector<1024x1024xf32> to vector<1024xf32>
    %broadcast_in_dim3A_58 = vector.shape_cast %reduce_min3A_57 : vector<1024xf32> to vector<1024x1xf32>
    %eq3A_59 = vector.broadcast %broadcast_in_dim3A_58 : vector<1024x1xf32> to vector<1024x1024xf32>
    %eq3A_60 = arith.cmpf oeq, %select_n3A_55, %eq3A_59 : vector<1024x1024xf32>
    %jit3A_61 = arith.constant 1024 : i32
    %broadcast_in_dim3A_62 = vector.broadcast %jit3A_61 : i32 to vector<1024x1024xi32>
    %select_n3A_63 = arith.select %eq3A_60, %iota3A, %broadcast_in_dim3A_62 : vector<1024x1024xi1>, vector<1024x1024xi32>
    %reduce_min3A_64 = arith.constant dense<2147483647> : vector<1024xi32>
    %reduce_min3A_65 = vector.multi_reduction <minsi>, %select_n3A_63, %reduce_min3A_64 [1] : vector<1024x1024xi32> to vector<1024xi32>
    %broadcast_in_dim3A_66 = vector.shape_cast %reduce_min3A_65 : vector<1024xi32> to vector<1024x1xi32>
    %mul3A_67 = arith.constant 1024 : i32
    %mul3A_68 = arith.muli %arg0, %mul3A_67 : i32
    %add3A_69 = vector.broadcast %mul3A_68 : i32 to vector<1024x1xi32>
    %add3A_70 = arith.addi %broadcast_in_dim3A_66, %add3A_69 : vector<1024x1xi32>
    %eq3A_71 = vector.broadcast %broadcast_in_dim3A_66 : vector<1024x1xi32> to vector<1024x1024xi32>
    %eq3A_72 = arith.cmpi eq, %iota3A, %eq3A_71 : vector<1024x1024xi32>
    %jit3A_73 = arith.constant 0x7F800000 : f32
    %broadcast_in_dim3A_74 = vector.broadcast %jit3A_73 : f32 to vector<1024x1024xf32>
    %select_n3A_75 = arith.select %eq3A_72, %broadcast_in_dim3A_74, %select_n3A_55 : vector<1024x1024xi1>, vector<1024x1024xf32>
    %reduce_min3A_76 = arith.constant dense<0x7F800000> : vector<1024xf32>
    %reduce_min3A_77 = vector.multi_reduction <minimumf>, %select_n3A_75, %reduce_min3A_76 [1] : vector<1024x1024xf32> to vector<1024xf32>
    %broadcast_in_dim3A_78 = vector.shape_cast %reduce_min3A_77 : vector<1024xf32> to vector<1024x1xf32>
    %eq3A_79 = vector.broadcast %broadcast_in_dim3A_78 : vector<1024x1xf32> to vector<1024x1024xf32>
    %eq3A_80 = arith.cmpf oeq, %select_n3A_75, %eq3A_79 : vector<1024x1024xf32>
    %jit3A_81 = arith.constant 1024 : i32
    %broadcast_in_dim3A_82 = vector.broadcast %jit3A_81 : i32 to vector<1024x1024xi32>
    %select_n3A_83 = arith.select %eq3A_80, %iota3A, %broadcast_in_dim3A_82 : vector<1024x1024xi1>, vector<1024x1024xi32>
    %reduce_min3A_84 = arith.constant dense<2147483647> : vector<1024xi32>
    %reduce_min3A_85 = vector.multi_reduction <minsi>, %select_n3A_83, %reduce_min3A_84 [1] : vector<1024x1024xi32> to vector<1024xi32>
    %broadcast_in_dim3A_86 = vector.shape_cast %reduce_min3A_85 : vector<1024xi32> to vector<1024x1xi32>
    %mul3A_87 = arith.constant 1024 : i32
    %mul3A_88 = arith.muli %arg0, %mul3A_87 : i32
    %add3A_89 = vector.broadcast %mul3A_88 : i32 to vector<1024x1xi32>
    %add3A_90 = arith.addi %broadcast_in_dim3A_86, %add3A_89 : vector<1024x1xi32>
    %eq3A_91 = vector.broadcast %broadcast_in_dim3A_86 : vector<1024x1xi32> to vector<1024x1024xi32>
    %eq3A_92 = arith.cmpi eq, %iota3A, %eq3A_91 : vector<1024x1024xi32>
    %jit3A_93 = arith.constant 0x7F800000 : f32
    %broadcast_in_dim3A_94 = vector.broadcast %jit3A_93 : f32 to vector<1024x1024xf32>
    %select_n3A_95 = arith.select %eq3A_92, %broadcast_in_dim3A_94, %select_n3A_75 : vector<1024x1024xi1>, vector<1024x1024xf32>
    %reduce_min3A_96 = arith.constant dense<0x7F800000> : vector<1024xf32>
    %reduce_min3A_97 = vector.multi_reduction <minimumf>, %select_n3A_95, %reduce_min3A_96 [1] : vector<1024x1024xf32> to vector<1024xf32>
    %broadcast_in_dim3A_98 = vector.shape_cast %reduce_min3A_97 : vector<1024xf32> to vector<1024x1xf32>
    %eq3A_99 = vector.broadcast %broadcast_in_dim3A_98 : vector<1024x1xf32> to vector<1024x1024xf32>
    %eq3A_100 = arith.cmpf oeq, %select_n3A_95, %eq3A_99 : vector<1024x1024xf32>
    %jit3A_101 = arith.constant 1024 : i32
    %broadcast_in_dim3A_102 = vector.broadcast %jit3A_101 : i32 to vector<1024x1024xi32>
    %select_n3A_103 = arith.select %eq3A_100, %iota3A, %broadcast_in_dim3A_102 : vector<1024x1024xi1>, vector<1024x1024xi32>
    %reduce_min3A_104 = arith.constant dense<2147483647> : vector<1024xi32>
    %reduce_min3A_105 = vector.multi_reduction <minsi>, %select_n3A_103, %reduce_min3A_104 [1] : vector<1024x1024xi32> to vector<1024xi32>
    %broadcast_in_dim3A_106 = vector.shape_cast %reduce_min3A_105 : vector<1024xi32> to vector<1024x1xi32>
    %mul3A_107 = arith.constant 1024 : i32
    %mul3A_108 = arith.muli %arg0, %mul3A_107 : i32
    %add3A_109 = vector.broadcast %mul3A_108 : i32 to vector<1024x1xi32>
    %add3A_110 = arith.addi %broadcast_in_dim3A_106, %add3A_109 : vector<1024x1xi32>
    %eq3A_111 = vector.broadcast %broadcast_in_dim3A_106 : vector<1024x1xi32> to vector<1024x1024xi32>
    %eq3A_112 = arith.cmpi eq, %iota3A, %eq3A_111 : vector<1024x1024xi32>
    %jit3A_113 = arith.constant 0x7F800000 : f32
    %broadcast_in_dim3A_114 = vector.broadcast %jit3A_113 : f32 to vector<1024x1024xf32>
    %select_n3A_115 = arith.select %eq3A_112, %broadcast_in_dim3A_114, %select_n3A_95 : vector<1024x1024xi1>, vector<1024x1024xf32>
    %reduce_min3A_116 = arith.constant dense<0x7F800000> : vector<1024xf32>
    %reduce_min3A_117 = vector.multi_reduction <minimumf>, %select_n3A_115, %reduce_min3A_116 [1] : vector<1024x1024xf32> to vector<1024xf32>
    %broadcast_in_dim3A_118 = vector.shape_cast %reduce_min3A_117 : vector<1024xf32> to vector<1024x1xf32>
    %eq3A_119 = vector.broadcast %broadcast_in_dim3A_118 : vector<1024x1xf32> to vector<1024x1024xf32>
    %eq3A_120 = arith.cmpf oeq, %select_n3A_115, %eq3A_119 : vector<1024x1024xf32>
    %jit3A_121 = arith.constant 1024 : i32
    %broadcast_in_dim3A_122 = vector.broadcast %jit3A_121 : i32 to vector<1024x1024xi32>
    %select_n3A_123 = arith.select %eq3A_120, %iota3A, %broadcast_in_dim3A_122 : vector<1024x1024xi1>, vector<1024x1024xi32>
    %reduce_min3A_124 = arith.constant dense<2147483647> : vector<1024xi32>
    %reduce_min3A_125 = vector.multi_reduction <minsi>, %select_n3A_123, %reduce_min3A_124 [1] : vector<1024x1024xi32> to vector<1024xi32>
    %broadcast_in_dim3A_126 = vector.shape_cast %reduce_min3A_125 : vector<1024xi32> to vector<1024x1xi32>
    %mul3A_127 = arith.constant 1024 : i32
    %mul3A_128 = arith.muli %arg0, %mul3A_127 : i32
    %add3A_129 = vector.broadcast %mul3A_128 : i32 to vector<1024x1xi32>
    %add3A_130 = arith.addi %broadcast_in_dim3A_126, %add3A_129 : vector<1024x1xi32>
    %eq3A_131 = vector.broadcast %broadcast_in_dim3A_126 : vector<1024x1xi32> to vector<1024x1024xi32>
    %eq3A_132 = arith.cmpi eq, %iota3A, %eq3A_131 : vector<1024x1024xi32>
    %jit3A_133 = arith.constant 0x7F800000 : f32
    %broadcast_in_dim3A_134 = vector.broadcast %jit3A_133 : f32 to vector<1024x1024xf32>
    %select_n3A_135 = arith.select %eq3A_132, %broadcast_in_dim3A_134, %select_n3A_115 : vector<1024x1024xi1>, vector<1024x1024xf32>
    %reduce_min3A_136 = arith.constant dense<0x7F800000> : vector<1024xf32>
    %reduce_min3A_137 = vector.multi_reduction <minimumf>, %select_n3A_135, %reduce_min3A_136 [1] : vector<1024x1024xf32> to vector<1024xf32>
    %broadcast_in_dim3A_138 = vector.shape_cast %reduce_min3A_137 : vector<1024xf32> to vector<1024x1xf32>
    %eq3A_139 = vector.broadcast %broadcast_in_dim3A_138 : vector<1024x1xf32> to vector<1024x1024xf32>
    %eq3A_140 = arith.cmpf oeq, %select_n3A_135, %eq3A_139 : vector<1024x1024xf32>
    %jit3A_141 = arith.constant 1024 : i32
    %broadcast_in_dim3A_142 = vector.broadcast %jit3A_141 : i32 to vector<1024x1024xi32>
    %select_n3A_143 = arith.select %eq3A_140, %iota3A, %broadcast_in_dim3A_142 : vector<1024x1024xi1>, vector<1024x1024xi32>
    %reduce_min3A_144 = arith.constant dense<2147483647> : vector<1024xi32>
    %reduce_min3A_145 = vector.multi_reduction <minsi>, %select_n3A_143, %reduce_min3A_144 [1] : vector<1024x1024xi32> to vector<1024xi32>
    %broadcast_in_dim3A_146 = vector.shape_cast %reduce_min3A_145 : vector<1024xi32> to vector<1024x1xi32>
    %mul3A_147 = arith.constant 1024 : i32
    %mul3A_148 = arith.muli %arg0, %mul3A_147 : i32
    %add3A_149 = vector.broadcast %mul3A_148 : i32 to vector<1024x1xi32>
    %add3A_150 = arith.addi %broadcast_in_dim3A_146, %add3A_149 : vector<1024x1xi32>
    %eq3A_151 = vector.broadcast %broadcast_in_dim3A_146 : vector<1024x1xi32> to vector<1024x1024xi32>
    %eq3A_152 = arith.cmpi eq, %iota3A, %eq3A_151 : vector<1024x1024xi32>
    %jit3A_153 = arith.constant 0x7F800000 : f32
    %broadcast_in_dim3A_154 = vector.broadcast %jit3A_153 : f32 to vector<1024x1024xf32>
    %select_n3A_155 = arith.select %eq3A_152, %broadcast_in_dim3A_154, %select_n3A_135 : vector<1024x1024xi1>, vector<1024x1024xf32>
    %reduce_min3A_156 = arith.constant dense<0x7F800000> : vector<1024xf32>
    %reduce_min3A_157 = vector.multi_reduction <minimumf>, %select_n3A_155, %reduce_min3A_156 [1] : vector<1024x1024xf32> to vector<1024xf32>
    %broadcast_in_dim3A_158 = vector.shape_cast %reduce_min3A_157 : vector<1024xf32> to vector<1024x1xf32>
    %eq3A_159 = vector.broadcast %broadcast_in_dim3A_158 : vector<1024x1xf32> to vector<1024x1024xf32>
    %eq3A_160 = arith.cmpf oeq, %select_n3A_155, %eq3A_159 : vector<1024x1024xf32>
    %jit3A_161 = arith.constant 1024 : i32
    %broadcast_in_dim3A_162 = vector.broadcast %jit3A_161 : i32 to vector<1024x1024xi32>
    %select_n3A_163 = arith.select %eq3A_160, %iota3A, %broadcast_in_dim3A_162 : vector<1024x1024xi1>, vector<1024x1024xi32>
    %reduce_min3A_164 = arith.constant dense<2147483647> : vector<1024xi32>
    %reduce_min3A_165 = vector.multi_reduction <minsi>, %select_n3A_163, %reduce_min3A_164 [1] : vector<1024x1024xi32> to vector<1024xi32>
    %broadcast_in_dim3A_166 = vector.shape_cast %reduce_min3A_165 : vector<1024xi32> to vector<1024x1xi32>
    %mul3A_167 = arith.constant 1024 : i32
    %mul3A_168 = arith.muli %arg0, %mul3A_167 : i32
    %add3A_169 = vector.broadcast %mul3A_168 : i32 to vector<1024x1xi32>
    %add3A_170 = arith.addi %broadcast_in_dim3A_166, %add3A_169 : vector<1024x1xi32>
    %eq3A_171 = vector.broadcast %broadcast_in_dim3A_166 : vector<1024x1xi32> to vector<1024x1024xi32>
    %eq3A_172 = arith.cmpi eq, %iota3A, %eq3A_171 : vector<1024x1024xi32>
    %jit3A_173 = arith.constant 0x7F800000 : f32
    %broadcast_in_dim3A_174 = vector.broadcast %jit3A_173 : f32 to vector<1024x1024xf32>
    %select_n3A_175 = arith.select %eq3A_172, %broadcast_in_dim3A_174, %select_n3A_155 : vector<1024x1024xi1>, vector<1024x1024xf32>
    %reduce_min3A_176 = arith.constant dense<0x7F800000> : vector<1024xf32>
    %reduce_min3A_177 = vector.multi_reduction <minimumf>, %select_n3A_175, %reduce_min3A_176 [1] : vector<1024x1024xf32> to vector<1024xf32>
    %broadcast_in_dim3A_178 = vector.shape_cast %reduce_min3A_177 : vector<1024xf32> to vector<1024x1xf32>
    %eq3A_179 = vector.broadcast %broadcast_in_dim3A_178 : vector<1024x1xf32> to vector<1024x1024xf32>
    %eq3A_180 = arith.cmpf oeq, %select_n3A_175, %eq3A_179 : vector<1024x1024xf32>
    %jit3A_181 = arith.constant 1024 : i32
    %broadcast_in_dim3A_182 = vector.broadcast %jit3A_181 : i32 to vector<1024x1024xi32>
    %select_n3A_183 = arith.select %eq3A_180, %iota3A, %broadcast_in_dim3A_182 : vector<1024x1024xi1>, vector<1024x1024xi32>
    %reduce_min3A_184 = arith.constant dense<2147483647> : vector<1024xi32>
    %reduce_min3A_185 = vector.multi_reduction <minsi>, %select_n3A_183, %reduce_min3A_184 [1] : vector<1024x1024xi32> to vector<1024xi32>
    %broadcast_in_dim3A_186 = vector.shape_cast %reduce_min3A_185 : vector<1024xi32> to vector<1024x1xi32>
    %mul3A_187 = arith.constant 1024 : i32
    %mul3A_188 = arith.muli %arg0, %mul3A_187 : i32
    %add3A_189 = vector.broadcast %mul3A_188 : i32 to vector<1024x1xi32>
    %add3A_190 = arith.addi %broadcast_in_dim3A_186, %add3A_189 : vector<1024x1xi32>
    %eq3A_191 = vector.broadcast %broadcast_in_dim3A_186 : vector<1024x1xi32> to vector<1024x1024xi32>
    %eq3A_192 = arith.cmpi eq, %iota3A, %eq3A_191 : vector<1024x1024xi32>
    %jit3A_193 = arith.constant 0x7F800000 : f32
    %broadcast_in_dim3A_194 = vector.broadcast %jit3A_193 : f32 to vector<1024x1024xf32>
    %select_n3A_195 = arith.select %eq3A_192, %broadcast_in_dim3A_194, %select_n3A_175 : vector<1024x1024xi1>, vector<1024x1024xf32>
    %reduce_min3A_196 = arith.constant dense<0x7F800000> : vector<1024xf32>
    %reduce_min3A_197 = vector.multi_reduction <minimumf>, %select_n3A_195, %reduce_min3A_196 [1] : vector<1024x1024xf32> to vector<1024xf32>
    %broadcast_in_dim3A_198 = vector.shape_cast %reduce_min3A_197 : vector<1024xf32> to vector<1024x1xf32>
    %eq3A_199 = vector.broadcast %broadcast_in_dim3A_198 : vector<1024x1xf32> to vector<1024x1024xf32>
    %eq3A_200 = arith.cmpf oeq, %select_n3A_195, %eq3A_199 : vector<1024x1024xf32>
    %jit3A_201 = arith.constant 1024 : i32
    %broadcast_in_dim3A_202 = vector.broadcast %jit3A_201 : i32 to vector<1024x1024xi32>
    %select_n3A_203 = arith.select %eq3A_200, %iota3A, %broadcast_in_dim3A_202 : vector<1024x1024xi1>, vector<1024x1024xi32>
    %reduce_min3A_204 = arith.constant dense<2147483647> : vector<1024xi32>
    %reduce_min3A_205 = vector.multi_reduction <minsi>, %select_n3A_203, %reduce_min3A_204 [1] : vector<1024x1024xi32> to vector<1024xi32>
    %broadcast_in_dim3A_206 = vector.shape_cast %reduce_min3A_205 : vector<1024xi32> to vector<1024x1xi32>
    %mul3A_207 = arith.constant 1024 : i32
    %mul3A_208 = arith.muli %arg0, %mul3A_207 : i32
    %add3A_209 = vector.broadcast %mul3A_208 : i32 to vector<1024x1xi32>
    %add3A_210 = arith.addi %broadcast_in_dim3A_206, %add3A_209 : vector<1024x1xi32>
    %eq3A_211 = vector.broadcast %broadcast_in_dim3A_206 : vector<1024x1xi32> to vector<1024x1024xi32>
    %eq3A_212 = arith.cmpi eq, %iota3A, %eq3A_211 : vector<1024x1024xi32>
    %jit3A_213 = arith.constant 0x7F800000 : f32
    %broadcast_in_dim3A_214 = vector.broadcast %jit3A_213 : f32 to vector<1024x1024xf32>
    %select_n3A_215 = arith.select %eq3A_212, %broadcast_in_dim3A_214, %select_n3A_195 : vector<1024x1024xi1>, vector<1024x1024xf32>
    %reduce_min3A_216 = arith.constant dense<0x7F800000> : vector<1024xf32>
    %reduce_min3A_217 = vector.multi_reduction <minimumf>, %select_n3A_215, %reduce_min3A_216 [1] : vector<1024x1024xf32> to vector<1024xf32>
    %broadcast_in_dim3A_218 = vector.shape_cast %reduce_min3A_217 : vector<1024xf32> to vector<1024x1xf32>
    %eq3A_219 = vector.broadcast %broadcast_in_dim3A_218 : vector<1024x1xf32> to vector<1024x1024xf32>
    %eq3A_220 = arith.cmpf oeq, %select_n3A_215, %eq3A_219 : vector<1024x1024xf32>
    %jit3A_221 = arith.constant 1024 : i32
    %broadcast_in_dim3A_222 = vector.broadcast %jit3A_221 : i32 to vector<1024x1024xi32>
    %select_n3A_223 = arith.select %eq3A_220, %iota3A, %broadcast_in_dim3A_222 : vector<1024x1024xi1>, vector<1024x1024xi32>
    %reduce_min3A_224 = arith.constant dense<2147483647> : vector<1024xi32>
    %reduce_min3A_225 = vector.multi_reduction <minsi>, %select_n3A_223, %reduce_min3A_224 [1] : vector<1024x1024xi32> to vector<1024xi32>
    %broadcast_in_dim3A_226 = vector.shape_cast %reduce_min3A_225 : vector<1024xi32> to vector<1024x1xi32>
    %mul3A_227 = arith.constant 1024 : i32
    %mul3A_228 = arith.muli %arg0, %mul3A_227 : i32
    %add3A_229 = vector.broadcast %mul3A_228 : i32 to vector<1024x1xi32>
    %add3A_230 = arith.addi %broadcast_in_dim3A_226, %add3A_229 : vector<1024x1xi32>
    %eq3A_231 = vector.broadcast %broadcast_in_dim3A_226 : vector<1024x1xi32> to vector<1024x1024xi32>
    %eq3A_232 = arith.cmpi eq, %iota3A, %eq3A_231 : vector<1024x1024xi32>
    %jit3A_233 = arith.constant 0x7F800000 : f32
    %broadcast_in_dim3A_234 = vector.broadcast %jit3A_233 : f32 to vector<1024x1024xf32>
    %select_n3A_235 = arith.select %eq3A_232, %broadcast_in_dim3A_234, %select_n3A_215 : vector<1024x1024xi1>, vector<1024x1024xf32>
    %reduce_min3A_236 = arith.constant dense<0x7F800000> : vector<1024xf32>
    %reduce_min3A_237 = vector.multi_reduction <minimumf>, %select_n3A_235, %reduce_min3A_236 [1] : vector<1024x1024xf32> to vector<1024xf32>
    %broadcast_in_dim3A_238 = vector.shape_cast %reduce_min3A_237 : vector<1024xf32> to vector<1024x1xf32>
    %eq3A_239 = vector.broadcast %broadcast_in_dim3A_238 : vector<1024x1xf32> to vector<1024x1024xf32>
    %eq3A_240 = arith.cmpf oeq, %select_n3A_235, %eq3A_239 : vector<1024x1024xf32>
    %jit3A_241 = arith.constant 1024 : i32
    %broadcast_in_dim3A_242 = vector.broadcast %jit3A_241 : i32 to vector<1024x1024xi32>
    %select_n3A_243 = arith.select %eq3A_240, %iota3A, %broadcast_in_dim3A_242 : vector<1024x1024xi1>, vector<1024x1024xi32>
    %reduce_min3A_244 = arith.constant dense<2147483647> : vector<1024xi32>
    %reduce_min3A_245 = vector.multi_reduction <minsi>, %select_n3A_243, %reduce_min3A_244 [1] : vector<1024x1024xi32> to vector<1024xi32>
    %broadcast_in_dim3A_246 = vector.shape_cast %reduce_min3A_245 : vector<1024xi32> to vector<1024x1xi32>
    %mul3A_247 = arith.constant 1024 : i32
    %mul3A_248 = arith.muli %arg0, %mul3A_247 : i32
    %add3A_249 = vector.broadcast %mul3A_248 : i32 to vector<1024x1xi32>
    %add3A_250 = arith.addi %broadcast_in_dim3A_246, %add3A_249 : vector<1024x1xi32>
    %eq3A_251 = vector.broadcast %broadcast_in_dim3A_246 : vector<1024x1xi32> to vector<1024x1024xi32>
    %eq3A_252 = arith.cmpi eq, %iota3A, %eq3A_251 : vector<1024x1024xi32>
    %jit3A_253 = arith.constant 0x7F800000 : f32
    %broadcast_in_dim3A_254 = vector.broadcast %jit3A_253 : f32 to vector<1024x1024xf32>
    %select_n3A_255 = arith.select %eq3A_252, %broadcast_in_dim3A_254, %select_n3A_235 : vector<1024x1024xi1>, vector<1024x1024xf32>
    %reduce_min3A_256 = arith.constant dense<0x7F800000> : vector<1024xf32>
    %reduce_min3A_257 = vector.multi_reduction <minimumf>, %select_n3A_255, %reduce_min3A_256 [1] : vector<1024x1024xf32> to vector<1024xf32>
    %broadcast_in_dim3A_258 = vector.shape_cast %reduce_min3A_257 : vector<1024xf32> to vector<1024x1xf32>
    %eq3A_259 = vector.broadcast %broadcast_in_dim3A_258 : vector<1024x1xf32> to vector<1024x1024xf32>
    %eq3A_260 = arith.cmpf oeq, %select_n3A_255, %eq3A_259 : vector<1024x1024xf32>
    %jit3A_261 = arith.constant 1024 : i32
    %broadcast_in_dim3A_262 = vector.broadcast %jit3A_261 : i32 to vector<1024x1024xi32>
    %select_n3A_263 = arith.select %eq3A_260, %iota3A, %broadcast_in_dim3A_262 : vector<1024x1024xi1>, vector<1024x1024xi32>
    %reduce_min3A_264 = arith.constant dense<2147483647> : vector<1024xi32>
    %reduce_min3A_265 = vector.multi_reduction <minsi>, %select_n3A_263, %reduce_min3A_264 [1] : vector<1024x1024xi32> to vector<1024xi32>
    %broadcast_in_dim3A_266 = vector.shape_cast %reduce_min3A_265 : vector<1024xi32> to vector<1024x1xi32>
    %mul3A_267 = arith.constant 1024 : i32
    %mul3A_268 = arith.muli %arg0, %mul3A_267 : i32
    %add3A_269 = vector.broadcast %mul3A_268 : i32 to vector<1024x1xi32>
    %add3A_270 = arith.addi %broadcast_in_dim3A_266, %add3A_269 : vector<1024x1xi32>
    %eq3A_271 = vector.broadcast %broadcast_in_dim3A_266 : vector<1024x1xi32> to vector<1024x1024xi32>
    %eq3A_272 = arith.cmpi eq, %iota3A, %eq3A_271 : vector<1024x1024xi32>
    %jit3A_273 = arith.constant 0x7F800000 : f32
    %broadcast_in_dim3A_274 = vector.broadcast %jit3A_273 : f32 to vector<1024x1024xf32>
    %select_n3A_275 = arith.select %eq3A_272, %broadcast_in_dim3A_274, %select_n3A_255 : vector<1024x1024xi1>, vector<1024x1024xf32>
    %reduce_min3A_276 = arith.constant dense<0x7F800000> : vector<1024xf32>
    %reduce_min3A_277 = vector.multi_reduction <minimumf>, %select_n3A_275, %reduce_min3A_276 [1] : vector<1024x1024xf32> to vector<1024xf32>
    %broadcast_in_dim3A_278 = vector.shape_cast %reduce_min3A_277 : vector<1024xf32> to vector<1024x1xf32>
    %eq3A_279 = vector.broadcast %broadcast_in_dim3A_278 : vector<1024x1xf32> to vector<1024x1024xf32>
    %eq3A_280 = arith.cmpf oeq, %select_n3A_275, %eq3A_279 : vector<1024x1024xf32>
    %jit3A_281 = arith.constant 1024 : i32
    %broadcast_in_dim3A_282 = vector.broadcast %jit3A_281 : i32 to vector<1024x1024xi32>
    %select_n3A_283 = arith.select %eq3A_280, %iota3A, %broadcast_in_dim3A_282 : vector<1024x1024xi1>, vector<1024x1024xi32>
    %reduce_min3A_284 = arith.constant dense<2147483647> : vector<1024xi32>
    %reduce_min3A_285 = vector.multi_reduction <minsi>, %select_n3A_283, %reduce_min3A_284 [1] : vector<1024x1024xi32> to vector<1024xi32>
    %broadcast_in_dim3A_286 = vector.shape_cast %reduce_min3A_285 : vector<1024xi32> to vector<1024x1xi32>
    %mul3A_287 = arith.constant 1024 : i32
    %mul3A_288 = arith.muli %arg0, %mul3A_287 : i32
    %add3A_289 = vector.broadcast %mul3A_288 : i32 to vector<1024x1xi32>
    %add3A_290 = arith.addi %broadcast_in_dim3A_286, %add3A_289 : vector<1024x1xi32>
    %eq3A_291 = vector.broadcast %broadcast_in_dim3A_286 : vector<1024x1xi32> to vector<1024x1024xi32>
    %eq3A_292 = arith.cmpi eq, %iota3A, %eq3A_291 : vector<1024x1024xi32>
    %jit3A_293 = arith.constant 0x7F800000 : f32
    %broadcast_in_dim3A_294 = vector.broadcast %jit3A_293 : f32 to vector<1024x1024xf32>
    %select_n3A_295 = arith.select %eq3A_292, %broadcast_in_dim3A_294, %select_n3A_275 : vector<1024x1024xi1>, vector<1024x1024xf32>
    %reduce_min3A_296 = arith.constant dense<0x7F800000> : vector<1024xf32>
    %reduce_min3A_297 = vector.multi_reduction <minimumf>, %select_n3A_295, %reduce_min3A_296 [1] : vector<1024x1024xf32> to vector<1024xf32>
    %broadcast_in_dim3A_298 = vector.shape_cast %reduce_min3A_297 : vector<1024xf32> to vector<1024x1xf32>
    %eq3A_299 = vector.broadcast %broadcast_in_dim3A_298 : vector<1024x1xf32> to vector<1024x1024xf32>
    %eq3A_300 = arith.cmpf oeq, %select_n3A_295, %eq3A_299 : vector<1024x1024xf32>
    %jit3A_301 = arith.constant 1024 : i32
    %broadcast_in_dim3A_302 = vector.broadcast %jit3A_301 : i32 to vector<1024x1024xi32>
    %select_n3A_303 = arith.select %eq3A_300, %iota3A, %broadcast_in_dim3A_302 : vector<1024x1024xi1>, vector<1024x1024xi32>
    %reduce_min3A_304 = arith.constant dense<2147483647> : vector<1024xi32>
    %reduce_min3A_305 = vector.multi_reduction <minsi>, %select_n3A_303, %reduce_min3A_304 [1] : vector<1024x1024xi32> to vector<1024xi32>
    %broadcast_in_dim3A_306 = vector.shape_cast %reduce_min3A_305 : vector<1024xi32> to vector<1024x1xi32>
    %mul3A_307 = arith.constant 1024 : i32
    %mul3A_308 = arith.muli %arg0, %mul3A_307 : i32
    %add3A_309 = vector.broadcast %mul3A_308 : i32 to vector<1024x1xi32>
    %add3A_310 = arith.addi %broadcast_in_dim3A_306, %add3A_309 : vector<1024x1xi32>
    %eq3A_311 = vector.broadcast %broadcast_in_dim3A_306 : vector<1024x1xi32> to vector<1024x1024xi32>
    %eq3A_312 = arith.cmpi eq, %iota3A, %eq3A_311 : vector<1024x1024xi32>
    %jit3A_313 = arith.constant 0x7F800000 : f32
    %broadcast_in_dim3A_314 = vector.broadcast %jit3A_313 : f32 to vector<1024x1024xf32>
    %select_n3A_315 = arith.select %eq3A_312, %broadcast_in_dim3A_314, %select_n3A_295 : vector<1024x1024xi1>, vector<1024x1024xf32>
    %reduce_min3A_316 = arith.constant dense<0x7F800000> : vector<1024xf32>
    %reduce_min3A_317 = vector.multi_reduction <minimumf>, %select_n3A_315, %reduce_min3A_316 [1] : vector<1024x1024xf32> to vector<1024xf32>
    %broadcast_in_dim3A_318 = vector.shape_cast %reduce_min3A_317 : vector<1024xf32> to vector<1024x1xf32>
    %eq3A_319 = vector.broadcast %broadcast_in_dim3A_318 : vector<1024x1xf32> to vector<1024x1024xf32>
    %eq3A_320 = arith.cmpf oeq, %select_n3A_315, %eq3A_319 : vector<1024x1024xf32>
    %jit3A_321 = arith.constant 1024 : i32
    %broadcast_in_dim3A_322 = vector.broadcast %jit3A_321 : i32 to vector<1024x1024xi32>
    %select_n3A_323 = arith.select %eq3A_320, %iota3A, %broadcast_in_dim3A_322 : vector<1024x1024xi1>, vector<1024x1024xi32>
    %reduce_min3A_324 = arith.constant dense<2147483647> : vector<1024xi32>
    %reduce_min3A_325 = vector.multi_reduction <minsi>, %select_n3A_323, %reduce_min3A_324 [1] : vector<1024x1024xi32> to vector<1024xi32>
    %broadcast_in_dim3A_326 = vector.shape_cast %reduce_min3A_325 : vector<1024xi32> to vector<1024x1xi32>
    %mul3A_327 = arith.constant 1024 : i32
    %mul3A_328 = arith.muli %arg0, %mul3A_327 : i32
    %add3A_329 = vector.broadcast %mul3A_328 : i32 to vector<1024x1xi32>
    %add3A_330 = arith.addi %broadcast_in_dim3A_326, %add3A_329 : vector<1024x1xi32>
    %concatenate3A = tpu.concatenate %add3A_30, %add3A_50, %add3A_70, %add3A_90, %add3A_110, %add3A_130, %add3A_150, %add3A_170, %add3A_190, %add3A_210, %add3A_230, %add3A_250, %add3A_270, %add3A_290, %add3A_310, %add3A_330 in 1 : vector<1024x1xi32>, vector<1024x1xi32>, vector<1024x1xi32>, vector<1024x1xi32>, vector<1024x1xi32>, vector<1024x1xi32>, vector<1024x1xi32>, vector<1024x1xi32>, vector<1024x1xi32>, vector<1024x1xi32>, vector<1024x1xi32>, vector<1024x1xi32>, vector<1024x1xi32>, vector<1024x1xi32>, vector<1024x1xi32>, vector<1024x1xi32> -> vector<1024x16xi32>
    %swap3A = arith.constant 0 : index
    %swap3A_331 = arith.constant 0 : index
    %swap3A_332 = arith.constant 0 : index
    %swap3A_333 = vector.load %arg3[%swap3A, %swap3A_331, %swap3A_332] : memref<1x1024x16xi32, #tpu.memory_space<vmem>>, vector<1x1024x16xi32>
    %swap3A_334 = vector.shape_cast %swap3A_333 : vector<1x1024x16xi32> to vector<1024x16xi32>
    %swap3A_335 = vector.shape_cast %concatenate3A : vector<1024x16xi32> to vector<1x1024x16xi32>
    tpu.vector_store %arg3[%swap3A, %swap3A_331, %swap3A_332], %swap3A_335 {strides = array<i32>} : memref<1x1024x16xi32, #tpu.memory_space<vmem>>, vector<1x1024x16xi32>,
    return
  }
  func.func @transform_0(%arg0: i32) -> (i32, i32, i32) {
    %c0_i32 = arith.constant 0 : i32
    %c0_i32_0 = arith.constant 0 : i32
    %c0_i32_1 = arith.constant 0 : i32
    return %arg0, %c0_i32, %c0_i32_0 : i32, i32, i32
  }
  func.func @transform_1(%arg0: i32) -> (i32, i32, i32) {
    %c0_i32 = arith.constant 0 : i32
    %c0_i32_0 = arith.constant 0 : i32
    %c0_i32_1 = arith.constant 0 : i32
    return %arg0, %c0_i32, %c0_i32_0 : i32, i32, i32
  }
  func.func @transform_2(%arg0: i32) -> (i32, i32, i32) {
    %c0_i32 = arith.constant 0 : i32
    %c0_i32_0 = arith.constant 0 : i32
    %c0_i32_1 = arith.constant 0 : i32
    return %arg0, %c0_i32, %c0_i32_0 : i32, i32, i32
  }
}

module attributes {stable_mosaic.version = 14 : i64} {
  func.func @_node_body(%arg0: i32, %arg1: memref<1x1024x384xf32, #tpu.memory_space<vmem>>, %arg2: memref<128x128xf32, #tpu.memory_space<vmem>>, %arg3: memref<128x128xf32, #tpu.memory_space<vmem>>, %arg4: memref<128x128xf32, #tpu.memory_space<vmem>>, %arg5: memref<1x1024x384xf32, #tpu.memory_space<vmem>>) attributes {dimension_semantics = [#tpu.dimension_semantics<arbitrary>], iteration_bounds = array<i64: 2>, scalar_prefetch = 0 : i64, scratch_operands = 0 : i64, tpu.core_type = #tpu.core_type<tc>, window_params = [{transform_indices = @transform_0, window_bounds = array<i64: 1, 1024, 384>}, {pipeline_mode = #tpu.pipeline_mode<synchronous>, transform_indices = @transform_1, window_bounds = array<i64: 128, 128>}, {pipeline_mode = #tpu.pipeline_mode<synchronous>, transform_indices = @transform_2, window_bounds = array<i64: 128, 128>}, {pipeline_mode = #tpu.pipeline_mode<synchronous>, transform_indices = @transform_3, window_bounds = array<i64: 128, 128>}, {transform_indices = @transform_4, window_bounds = array<i64: 1, 1024, 384>}]} {
    %get3A = arith.constant 0 : index
    %get3A_0 = arith.constant 0 : index
    %get3A_1 = arith.constant 0 : index
    %get3A_2 = vector.load %arg1[%get3A, %get3A_0, %get3A_1] : memref<1x1024x384xf32, #tpu.memory_space<vmem>>, vector<1x1024x384xf32>
    %get3A_3 = vector.shape_cast %get3A_2 : vector<1x1024x384xf32> to vector<1024x384xf32>
    %reduce_sum3A = arith.constant dense<0.000000e+00> : vector<384xf32>
    %reduce_sum3A_4 = vector.multi_reduction <add>, %get3A_3, %reduce_sum3A [0] : vector<1024x384xf32> to vector<384xf32>
    %broadcast_in_dim3A = vector.shape_cast %reduce_sum3A_4 : vector<384xf32> to vector<1x384xf32>
    %mul3A = arith.constant 9.765625E-4 : f32
    %mul3A_5 = vector.broadcast %mul3A : f32 to vector<1x384xf32>
    %mul3A_6 = arith.mulf %broadcast_in_dim3A, %mul3A_5 : vector<1x384xf32>
    %slice3A = vector.extract_strided_slice %mul3A_6 {offsets = [0, 0], sizes = [1, 128], strides = [1, 1]} : vector<1x384xf32> to vector<1x128xf32>
    %get3A_7 = arith.constant 0 : index
    %get3A_8 = arith.constant 0 : index
    %get3A_9 = vector.load %arg3[%get3A_7, %get3A_8] : memref<128x128xf32, #tpu.memory_space<vmem>>, vector<128x128xf32>
    %dot_general3A = arith.constant dense<0.000000e+00> : vector<1x128xf32>
    %dot_general3A_10 = tpu.matmul %slice3A, %get3A_9, %dot_general3A {dimension_numbers = #tpu.dot_dimension_numbers<[1], [0], [0], [1], [0, 0, 1, 1], [], []>, transpose_lhs_hint = false} : vector<1x128xf32>, vector<128x128xf32>, vector<1x128xf32> -> vector<1x128xf32>
    %slice3A_11 = vector.extract_strided_slice %get3A_3 {offsets = [0, 0], sizes = [1024, 128], strides = [1, 1]} : vector<1024x384xf32> to vector<1024x128xf32>
    %get3A_12 = arith.constant 0 : index
    %get3A_13 = arith.constant 0 : index
    %get3A_14 = vector.load %arg2[%get3A_12, %get3A_13] : memref<128x128xf32, #tpu.memory_space<vmem>>, vector<128x128xf32>
    %dot_general3A_15 = arith.constant dense<0.000000e+00> : vector<1024x128xf32>
    %dot_general3A_16 = tpu.matmul %slice3A_11, %get3A_14, %dot_general3A_15 {dimension_numbers = #tpu.dot_dimension_numbers<[1], [0], [0], [1], [0, 0, 1, 1], [], []>, transpose_lhs_hint = false} : vector<1024x128xf32>, vector<128x128xf32>, vector<1024x128xf32> -> vector<1024x128xf32>
    %add3A = vector.broadcast %dot_general3A_10 : vector<1x128xf32> to vector<1024x128xf32>
    %add3A_17 = arith.addf %dot_general3A_16, %add3A : vector<1024x128xf32>
    %get3A_18 = arith.constant 0 : index
    %get3A_19 = arith.constant 0 : index
    %get3A_20 = vector.load %arg4[%get3A_18, %get3A_19] : memref<128x128xf32, #tpu.memory_space<vmem>>, vector<128x128xf32>
    %dot_general3A_21 = arith.constant dense<0.000000e+00> : vector<1024x128xf32>
    %dot_general3A_22 = tpu.matmul %add3A_17, %get3A_20, %dot_general3A_21 {dimension_numbers = #tpu.dot_dimension_numbers<[1], [0], [0], [1], [0, 0, 1, 1], [], []>, transpose_lhs_hint = false} : vector<1024x128xf32>, vector<128x128xf32>, vector<1024x128xf32> -> vector<1024x128xf32>
    %slice3A_23 = vector.extract_strided_slice %mul3A_6 {offsets = [0, 128], sizes = [1, 128], strides = [1, 1]} : vector<1x384xf32> to vector<1x128xf32>
    %get3A_24 = arith.constant 0 : index
    %get3A_25 = arith.constant 0 : index
    %get3A_26 = vector.load %arg3[%get3A_24, %get3A_25] : memref<128x128xf32, #tpu.memory_space<vmem>>, vector<128x128xf32>
    %dot_general3A_27 = arith.constant dense<0.000000e+00> : vector<1x128xf32>
    %dot_general3A_28 = tpu.matmul %slice3A_23, %get3A_26, %dot_general3A_27 {dimension_numbers = #tpu.dot_dimension_numbers<[1], [0], [0], [1], [0, 0, 1, 1], [], []>, transpose_lhs_hint = false} : vector<1x128xf32>, vector<128x128xf32>, vector<1x128xf32> -> vector<1x128xf32>
    %slice3A_29 = vector.extract_strided_slice %get3A_3 {offsets = [0, 128], sizes = [1024, 128], strides = [1, 1]} : vector<1024x384xf32> to vector<1024x128xf32>
    %get3A_30 = arith.constant 0 : index
    %get3A_31 = arith.constant 0 : index
    %get3A_32 = vector.load %arg2[%get3A_30, %get3A_31] : memref<128x128xf32, #tpu.memory_space<vmem>>, vector<128x128xf32>
    %dot_general3A_33 = arith.constant dense<0.000000e+00> : vector<1024x128xf32>
    %dot_general3A_34 = tpu.matmul %slice3A_29, %get3A_32, %dot_general3A_33 {dimension_numbers = #tpu.dot_dimension_numbers<[1], [0], [0], [1], [0, 0, 1, 1], [], []>, transpose_lhs_hint = false} : vector<1024x128xf32>, vector<128x128xf32>, vector<1024x128xf32> -> vector<1024x128xf32>
    %add3A_35 = vector.broadcast %dot_general3A_28 : vector<1x128xf32> to vector<1024x128xf32>
    %add3A_36 = arith.addf %dot_general3A_34, %add3A_35 : vector<1024x128xf32>
    %get3A_37 = arith.constant 0 : index
    %get3A_38 = arith.constant 0 : index
    %get3A_39 = vector.load %arg4[%get3A_37, %get3A_38] : memref<128x128xf32, #tpu.memory_space<vmem>>, vector<128x128xf32>
    %dot_general3A_40 = arith.constant dense<0.000000e+00> : vector<1024x128xf32>
    %dot_general3A_41 = tpu.matmul %add3A_36, %get3A_39, %dot_general3A_40 {dimension_numbers = #tpu.dot_dimension_numbers<[1], [0], [0], [1], [0, 0, 1, 1], [], []>, transpose_lhs_hint = false} : vector<1024x128xf32>, vector<128x128xf32>, vector<1024x128xf32> -> vector<1024x128xf32>
    %slice3A_42 = vector.extract_strided_slice %mul3A_6 {offsets = [0, 256], sizes = [1, 128], strides = [1, 1]} : vector<1x384xf32> to vector<1x128xf32>
    %get3A_43 = arith.constant 0 : index
    %get3A_44 = arith.constant 0 : index
    %get3A_45 = vector.load %arg3[%get3A_43, %get3A_44] : memref<128x128xf32, #tpu.memory_space<vmem>>, vector<128x128xf32>
    %dot_general3A_46 = arith.constant dense<0.000000e+00> : vector<1x128xf32>
    %dot_general3A_47 = tpu.matmul %slice3A_42, %get3A_45, %dot_general3A_46 {dimension_numbers = #tpu.dot_dimension_numbers<[1], [0], [0], [1], [0, 0, 1, 1], [], []>, transpose_lhs_hint = false} : vector<1x128xf32>, vector<128x128xf32>, vector<1x128xf32> -> vector<1x128xf32>
    %slice3A_48 = vector.extract_strided_slice %get3A_3 {offsets = [0, 256], sizes = [1024, 128], strides = [1, 1]} : vector<1024x384xf32> to vector<1024x128xf32>
    %get3A_49 = arith.constant 0 : index
    %get3A_50 = arith.constant 0 : index
    %get3A_51 = vector.load %arg2[%get3A_49, %get3A_50] : memref<128x128xf32, #tpu.memory_space<vmem>>, vector<128x128xf32>
    %dot_general3A_52 = arith.constant dense<0.000000e+00> : vector<1024x128xf32>
    %dot_general3A_53 = tpu.matmul %slice3A_48, %get3A_51, %dot_general3A_52 {dimension_numbers = #tpu.dot_dimension_numbers<[1], [0], [0], [1], [0, 0, 1, 1], [], []>, transpose_lhs_hint = false} : vector<1024x128xf32>, vector<128x128xf32>, vector<1024x128xf32> -> vector<1024x128xf32>
    %add3A_54 = vector.broadcast %dot_general3A_47 : vector<1x128xf32> to vector<1024x128xf32>
    %add3A_55 = arith.addf %dot_general3A_53, %add3A_54 : vector<1024x128xf32>
    %get3A_56 = arith.constant 0 : index
    %get3A_57 = arith.constant 0 : index
    %get3A_58 = vector.load %arg4[%get3A_56, %get3A_57] : memref<128x128xf32, #tpu.memory_space<vmem>>, vector<128x128xf32>
    %dot_general3A_59 = arith.constant dense<0.000000e+00> : vector<1024x128xf32>
    %dot_general3A_60 = tpu.matmul %add3A_55, %get3A_58, %dot_general3A_59 {dimension_numbers = #tpu.dot_dimension_numbers<[1], [0], [0], [1], [0, 0, 1, 1], [], []>, transpose_lhs_hint = false} : vector<1024x128xf32>, vector<128x128xf32>, vector<1024x128xf32> -> vector<1024x128xf32>
    %mul3A_61 = arith.mulf %dot_general3A_22, %dot_general3A_22 : vector<1024x128xf32>
    %mul3A_62 = arith.mulf %dot_general3A_41, %dot_general3A_41 : vector<1024x128xf32>
    %add3A_63 = arith.addf %mul3A_61, %mul3A_62 : vector<1024x128xf32>
    %mul3A_64 = arith.mulf %dot_general3A_60, %dot_general3A_60 : vector<1024x128xf32>
    %add3A_65 = arith.addf %add3A_63, %mul3A_64 : vector<1024x128xf32>
    %sqrt3A = math.sqrt %add3A_65 : vector<1024x128xf32>
    %max3A = arith.constant 9.99999996E-13 : f32
    %max3A_66 = vector.broadcast %max3A : f32 to vector<1024x128xf32>
    %max3A_67 = arith.maximumf %sqrt3A, %max3A_66 : vector<1024x128xf32>
    %div3A = arith.constant 1.000000e+00 : f32
    %div3A_68 = vector.broadcast %div3A : f32 to vector<1024x128xf32>
    %div3A_69 = arith.divf %div3A_68, %max3A_67 : vector<1024x128xf32>
    %mul3A_70 = arith.mulf %add3A_17, %dot_general3A_22 : vector<1024x128xf32>
    %mul3A_71 = arith.mulf %add3A_36, %dot_general3A_41 : vector<1024x128xf32>
    %add3A_72 = arith.addf %mul3A_70, %mul3A_71 : vector<1024x128xf32>
    %mul3A_73 = arith.mulf %add3A_55, %dot_general3A_60 : vector<1024x128xf32>
    %add3A_74 = arith.addf %add3A_72, %mul3A_73 : vector<1024x128xf32>
    %mul3A_75 = arith.mulf %add3A_74, %div3A_69 : vector<1024x128xf32>
    %min3A = arith.constant 0.000000e+00 : f32
    %min3A_76 = vector.broadcast %min3A : f32 to vector<1024x128xf32>
    %min3A_77 = arith.minimumf %mul3A_75, %min3A_76 : vector<1024x128xf32>
    %mul3A_78 = arith.constant -8.000000e-01 : f32
    %mul3A_79 = vector.broadcast %mul3A_78 : f32 to vector<1024x128xf32>
    %mul3A_80 = arith.mulf %mul3A_79, %min3A_77 : vector<1024x128xf32>
    %mul3A_81 = arith.mulf %mul3A_80, %div3A_69 : vector<1024x128xf32>
    %mul3A_82 = arith.mulf %mul3A_81, %dot_general3A_22 : vector<1024x128xf32>
    %add3A_83 = arith.addf %add3A_17, %mul3A_82 : vector<1024x128xf32>
    %mul3A_84 = arith.mulf %mul3A_81, %dot_general3A_41 : vector<1024x128xf32>
    %add3A_85 = arith.addf %add3A_36, %mul3A_84 : vector<1024x128xf32>
    %mul3A_86 = arith.mulf %mul3A_81, %dot_general3A_60 : vector<1024x128xf32>
    %add3A_87 = arith.addf %add3A_55, %mul3A_86 : vector<1024x128xf32>
    %concatenate3A = tpu.concatenate %add3A_83, %add3A_85, %add3A_87 in 1 : vector<1024x128xf32>, vector<1024x128xf32>, vector<1024x128xf32> -> vector<1024x384xf32>
    %swap3A = arith.constant 0 : index
    %swap3A_88 = arith.constant 0 : index
    %swap3A_89 = arith.constant 0 : index
    %swap3A_90 = vector.load %arg5[%swap3A, %swap3A_88, %swap3A_89] : memref<1x1024x384xf32, #tpu.memory_space<vmem>>, vector<1x1024x384xf32>
    %swap3A_91 = vector.shape_cast %swap3A_90 : vector<1x1024x384xf32> to vector<1024x384xf32>
    %swap3A_92 = vector.shape_cast %concatenate3A : vector<1024x384xf32> to vector<1x1024x384xf32>
    tpu.vector_store %arg5[%swap3A, %swap3A_88, %swap3A_89], %swap3A_92 {strides = array<i32>} : memref<1x1024x384xf32, #tpu.memory_space<vmem>>, vector<1x1024x384xf32>,
    return
  }
  func.func @transform_0(%arg0: i32) -> (i32, i32, i32) {
    %c0_i32 = arith.constant 0 : i32
    %c0_i32_0 = arith.constant 0 : i32
    %c0_i32_1 = arith.constant 0 : i32
    return %arg0, %c0_i32, %c0_i32_0 : i32, i32, i32
  }
  func.func @transform_1(%arg0: i32) -> (i32, i32) {
    %c0_i32 = arith.constant 0 : i32
    %c0_i32_0 = arith.constant 0 : i32
    %c0_i32_1 = arith.constant 0 : i32
    return %c0_i32, %c0_i32_0 : i32, i32
  }
  func.func @transform_2(%arg0: i32) -> (i32, i32) {
    %c0_i32 = arith.constant 0 : i32
    %c0_i32_0 = arith.constant 0 : i32
    %c0_i32_1 = arith.constant 0 : i32
    return %c0_i32, %c0_i32_0 : i32, i32
  }
  func.func @transform_3(%arg0: i32) -> (i32, i32) {
    %c0_i32 = arith.constant 0 : i32
    %c0_i32_0 = arith.constant 0 : i32
    %c0_i32_1 = arith.constant 0 : i32
    return %c0_i32, %c0_i32_0 : i32, i32
  }
  func.func @transform_4(%arg0: i32) -> (i32, i32, i32) {
    %c0_i32 = arith.constant 0 : i32
    %c0_i32_0 = arith.constant 0 : i32
    %c0_i32_1 = arith.constant 0 : i32
    return %arg0, %c0_i32, %c0_i32_0 : i32, i32, i32
  }
}

module attributes {stable_mosaic.version = 14 : i64} {
  func.func @_edge0_body(%arg0: i32, %arg1: memref<256x16x128xf32, #tpu.memory_space<vmem>>, %arg2: memref<256x1x128xf32, #tpu.memory_space<vmem>>, %arg3: memref<8x128xf32, #tpu.memory_space<vmem>>, %arg4: memref<128x128xf32, #tpu.memory_space<vmem>>, %arg5: memref<256x1x384xf32, #tpu.memory_space<vmem>>) attributes {dimension_semantics = [#tpu.dimension_semantics<arbitrary>], iteration_bounds = array<i64: 8>, scalar_prefetch = 0 : i64, scratch_operands = 0 : i64, tpu.core_type = #tpu.core_type<tc>, window_params = [{transform_indices = @transform_0, window_bounds = array<i64: 256, 16, 128>}, {transform_indices = @transform_1, window_bounds = array<i64: 256, 1, 128>}, {pipeline_mode = #tpu.pipeline_mode<synchronous>, transform_indices = @transform_2, window_bounds = array<i64: 8, 128>}, {pipeline_mode = #tpu.pipeline_mode<synchronous>, transform_indices = @transform_3, window_bounds = array<i64: 128, 128>}, {transform_indices = @transform_4, window_bounds = array<i64: 256, 1, 384>}]} {
    %get3A = arith.constant 0 : index
    %get3A_0 = arith.constant 0 : index
    %get3A_1 = arith.constant 0 : index
    %get3A_2 = vector.load %arg1[%get3A, %get3A_0, %get3A_1] : memref<256x16x128xf32, #tpu.memory_space<vmem>>, vector<256x16x128xf32>
    %get3A_3 = arith.constant 0 : index
    %get3A_4 = arith.constant 0 : index
    %get3A_5 = arith.constant 0 : index
    %get3A_6 = vector.load %arg2[%get3A_3, %get3A_4, %get3A_5] : memref<256x1x128xf32, #tpu.memory_space<vmem>>, vector<256x1x128xf32>
    %slice3A = vector.extract_strided_slice %get3A_2 {offsets = [0, 0, 0], sizes = [256, 16, 1], strides = [1, 1, 1]} : vector<256x16x128xf32> to vector<256x16x1xf32>
    %slice3A_7 = vector.extract_strided_slice %get3A_2 {offsets = [0, 0, 1], sizes = [256, 16, 1], strides = [1, 1, 1]} : vector<256x16x128xf32> to vector<256x16x1xf32>
    %slice3A_8 = vector.extract_strided_slice %get3A_2 {offsets = [0, 0, 2], sizes = [256, 16, 1], strides = [1, 1, 1]} : vector<256x16x128xf32> to vector<256x16x1xf32>
    %slice3A_9 = vector.extract_strided_slice %get3A_6 {offsets = [0, 0, 0], sizes = [256, 1, 1], strides = [1, 1, 1]} : vector<256x1x128xf32> to vector<256x1x1xf32>
    %slice3A_10 = vector.extract_strided_slice %get3A_6 {offsets = [0, 0, 1], sizes = [256, 1, 1], strides = [1, 1, 1]} : vector<256x1x128xf32> to vector<256x1x1xf32>
    %slice3A_11 = vector.extract_strided_slice %get3A_6 {offsets = [0, 0, 2], sizes = [256, 1, 1], strides = [1, 1, 1]} : vector<256x1x128xf32> to vector<256x1x1xf32>
    %mul3A = arith.mulf %slice3A_9, %slice3A_9 : vector<256x1x1xf32>
    %mul3A_12 = arith.mulf %slice3A_10, %slice3A_10 : vector<256x1x1xf32>
    %add3A = arith.addf %mul3A, %mul3A_12 : vector<256x1x1xf32>
    %mul3A_13 = arith.mulf %slice3A_11, %slice3A_11 : vector<256x1x1xf32>
    %add3A_14 = arith.addf %add3A, %mul3A_13 : vector<256x1x1xf32>
    %sqrt3A = math.sqrt %add3A_14 : vector<256x1x1xf32>
    %max3A = arith.constant 9.99999996E-13 : f32
    %max3A_15 = vector.broadcast %max3A : f32 to vector<256x1x1xf32>
    %max3A_16 = arith.maximumf %sqrt3A, %max3A_15 : vector<256x1x1xf32>
    %div3A = arith.constant 1.000000e+00 : f32
    %div3A_17 = vector.broadcast %div3A : f32 to vector<256x1x1xf32>
    %div3A_18 = arith.divf %div3A_17, %max3A_16 : vector<256x1x1xf32>
    %mul3A_19 = arith.mulf %slice3A_9, %div3A_18 : vector<256x1x1xf32>
    %mul3A_20 = arith.mulf %slice3A_10, %div3A_18 : vector<256x1x1xf32>
    %mul3A_21 = arith.mulf %slice3A_11, %div3A_18 : vector<256x1x1xf32>
    %mul3A_22 = vector.broadcast %mul3A_20 : vector<256x1x1xf32> to vector<256x16x1xf32>
    %mul3A_23 = arith.mulf %mul3A_22, %slice3A_8 : vector<256x16x1xf32>
    %mul3A_24 = vector.broadcast %mul3A_21 : vector<256x1x1xf32> to vector<256x16x1xf32>
    %mul3A_25 = arith.mulf %mul3A_24, %slice3A_7 : vector<256x16x1xf32>
    %sub3A = arith.subf %mul3A_23, %mul3A_25 : vector<256x16x1xf32>
    %mul3A_26 = vector.broadcast %mul3A_21 : vector<256x1x1xf32> to vector<256x16x1xf32>
    %mul3A_27 = arith.mulf %mul3A_26, %slice3A : vector<256x16x1xf32>
    %mul3A_28 = vector.broadcast %mul3A_19 : vector<256x1x1xf32> to vector<256x16x1xf32>
    %mul3A_29 = arith.mulf %mul3A_28, %slice3A_8 : vector<256x16x1xf32>
    %sub3A_30 = arith.subf %mul3A_27, %mul3A_29 : vector<256x16x1xf32>
    %mul3A_31 = vector.broadcast %mul3A_19 : vector<256x1x1xf32> to vector<256x16x1xf32>
    %mul3A_32 = arith.mulf %mul3A_31, %slice3A_7 : vector<256x16x1xf32>
    %mul3A_33 = vector.broadcast %mul3A_20 : vector<256x1x1xf32> to vector<256x16x1xf32>
    %mul3A_34 = arith.mulf %mul3A_33, %slice3A : vector<256x16x1xf32>
    %sub3A_35 = arith.subf %mul3A_32, %mul3A_34 : vector<256x16x1xf32>
    %sub3A_36 = vector.broadcast %slice3A_9 : vector<256x1x1xf32> to vector<256x16x1xf32>
    %sub3A_37 = arith.subf %slice3A, %sub3A_36 : vector<256x16x1xf32>
    %sub3A_38 = vector.broadcast %slice3A_10 : vector<256x1x1xf32> to vector<256x16x1xf32>
    %sub3A_39 = arith.subf %slice3A_7, %sub3A_38 : vector<256x16x1xf32>
    %sub3A_40 = vector.broadcast %slice3A_11 : vector<256x1x1xf32> to vector<256x16x1xf32>
    %sub3A_41 = arith.subf %slice3A_8, %sub3A_40 : vector<256x16x1xf32>
    %broadcast_in_dim3A = arith.constant 0.000000e+00 : f32
    %broadcast_in_dim3A_42 = vector.broadcast %broadcast_in_dim3A : f32 to vector<256x16x5xf32>
    %broadcast_in_dim3A_43 = vector.shape_cast %slice3A_9 : vector<256x1x1xf32> to vector<256x1x1xf32>
    %broadcast_in_dim3A_44 = vector.broadcast %broadcast_in_dim3A_43 : vector<256x1x1xf32> to vector<256x16x1xf32>
    %concatenate3A = tpu.concatenate %sub3A, %sub3A_37, %broadcast_in_dim3A_44, %broadcast_in_dim3A_42 in 2 : vector<256x16x1xf32>, vector<256x16x1xf32>, vector<256x16x1xf32>, vector<256x16x5xf32> -> vector<256x16x8xf32>
    %reshape3A = vector.shape_cast %concatenate3A : vector<256x16x8xf32> to vector<4096x8xf32>
    %get3A_45 = arith.constant 0 : index
    %get3A_46 = arith.constant 0 : index
    %get3A_47 = vector.load %arg3[%get3A_45, %get3A_46] : memref<8x128xf32, #tpu.memory_space<vmem>>, vector<8x128xf32>
    %dot_general3A = arith.constant dense<0.000000e+00> : vector<4096x128xf32>
    %dot_general3A_48 = tpu.matmul %reshape3A, %get3A_47, %dot_general3A {dimension_numbers = #tpu.dot_dimension_numbers<[1], [0], [0], [1], [0, 0, 1, 1], [], []>, transpose_lhs_hint = false} : vector<4096x8xf32>, vector<8x128xf32>, vector<4096x128xf32> -> vector<4096x128xf32>
    %get3A_49 = arith.constant 0 : index
    %get3A_50 = arith.constant 0 : index
    %get3A_51 = vector.load %arg4[%get3A_49, %get3A_50] : memref<128x128xf32, #tpu.memory_space<vmem>>, vector<128x128xf32>
    %dot_general3A_52 = arith.constant dense<0.000000e+00> : vector<4096x128xf32>
    %dot_general3A_53 = tpu.matmul %dot_general3A_48, %get3A_51, %dot_general3A_52 {dimension_numbers = #tpu.dot_dimension_numbers<[1], [0], [0], [1], [0, 0, 1, 1], [], []>, transpose_lhs_hint = false} : vector<4096x128xf32>, vector<128x128xf32>, vector<4096x128xf32> -> vector<4096x128xf32>
    %broadcast_in_dim3A_54 = vector.shape_cast %slice3A_10 : vector<256x1x1xf32> to vector<256x1x1xf32>
    %broadcast_in_dim3A_55 = vector.broadcast %broadcast_in_dim3A_54 : vector<256x1x1xf32> to vector<256x16x1xf32>
    %concatenate3A_56 = tpu.concatenate %sub3A_30, %sub3A_39, %broadcast_in_dim3A_55, %broadcast_in_dim3A_42 in 2 : vector<256x16x1xf32>, vector<256x16x1xf32>, vector<256x16x1xf32>, vector<256x16x5xf32> -> vector<256x16x8xf32>
    %reshape3A_57 = vector.shape_cast %concatenate3A_56 : vector<256x16x8xf32> to vector<4096x8xf32>
    %get3A_58 = arith.constant 0 : index
    %get3A_59 = arith.constant 0 : index
    %get3A_60 = vector.load %arg3[%get3A_58, %get3A_59] : memref<8x128xf32, #tpu.memory_space<vmem>>, vector<8x128xf32>
    %dot_general3A_61 = arith.constant dense<0.000000e+00> : vector<4096x128xf32>
    %dot_general3A_62 = tpu.matmul %reshape3A_57, %get3A_60, %dot_general3A_61 {dimension_numbers = #tpu.dot_dimension_numbers<[1], [0], [0], [1], [0, 0, 1, 1], [], []>, transpose_lhs_hint = false} : vector<4096x8xf32>, vector<8x128xf32>, vector<4096x128xf32> -> vector<4096x128xf32>
    %get3A_63 = arith.constant 0 : index
    %get3A_64 = arith.constant 0 : index
    %get3A_65 = vector.load %arg4[%get3A_63, %get3A_64] : memref<128x128xf32, #tpu.memory_space<vmem>>, vector<128x128xf32>
    %dot_general3A_66 = arith.constant dense<0.000000e+00> : vector<4096x128xf32>
    %dot_general3A_67 = tpu.matmul %dot_general3A_62, %get3A_65, %dot_general3A_66 {dimension_numbers = #tpu.dot_dimension_numbers<[1], [0], [0], [1], [0, 0, 1, 1], [], []>, transpose_lhs_hint = false} : vector<4096x128xf32>, vector<128x128xf32>, vector<4096x128xf32> -> vector<4096x128xf32>
    %broadcast_in_dim3A_68 = vector.shape_cast %slice3A_11 : vector<256x1x1xf32> to vector<256x1x1xf32>
    %broadcast_in_dim3A_69 = vector.broadcast %broadcast_in_dim3A_68 : vector<256x1x1xf32> to vector<256x16x1xf32>
    %concatenate3A_70 = tpu.concatenate %sub3A_35, %sub3A_41, %broadcast_in_dim3A_69, %broadcast_in_dim3A_42 in 2 : vector<256x16x1xf32>, vector<256x16x1xf32>, vector<256x16x1xf32>, vector<256x16x5xf32> -> vector<256x16x8xf32>
    %reshape3A_71 = vector.shape_cast %concatenate3A_70 : vector<256x16x8xf32> to vector<4096x8xf32>
    %get3A_72 = arith.constant 0 : index
    %get3A_73 = arith.constant 0 : index
    %get3A_74 = vector.load %arg3[%get3A_72, %get3A_73] : memref<8x128xf32, #tpu.memory_space<vmem>>, vector<8x128xf32>
    %dot_general3A_75 = arith.constant dense<0.000000e+00> : vector<4096x128xf32>
    %dot_general3A_76 = tpu.matmul %reshape3A_71, %get3A_74, %dot_general3A_75 {dimension_numbers = #tpu.dot_dimension_numbers<[1], [0], [0], [1], [0, 0, 1, 1], [], []>, transpose_lhs_hint = false} : vector<4096x8xf32>, vector<8x128xf32>, vector<4096x128xf32> -> vector<4096x128xf32>
    %get3A_77 = arith.constant 0 : index
    %get3A_78 = arith.constant 0 : index
    %get3A_79 = vector.load %arg4[%get3A_77, %get3A_78] : memref<128x128xf32, #tpu.memory_space<vmem>>, vector<128x128xf32>
    %dot_general3A_80 = arith.constant dense<0.000000e+00> : vector<4096x128xf32>
    %dot_general3A_81 = tpu.matmul %dot_general3A_76, %get3A_79, %dot_general3A_80 {dimension_numbers = #tpu.dot_dimension_numbers<[1], [0], [0], [1], [0, 0, 1, 1], [], []>, transpose_lhs_hint = false} : vector<4096x128xf32>, vector<128x128xf32>, vector<4096x128xf32> -> vector<4096x128xf32>
    %mul3A_82 = arith.mulf %dot_general3A_53, %dot_general3A_53 : vector<4096x128xf32>
    %mul3A_83 = arith.mulf %dot_general3A_67, %dot_general3A_67 : vector<4096x128xf32>
    %add3A_84 = arith.addf %mul3A_82, %mul3A_83 : vector<4096x128xf32>
    %mul3A_85 = arith.mulf %dot_general3A_81, %dot_general3A_81 : vector<4096x128xf32>
    %add3A_86 = arith.addf %add3A_84, %mul3A_85 : vector<4096x128xf32>
    %sqrt3A_87 = math.sqrt %add3A_86 : vector<4096x128xf32>
    %max3A_88 = arith.constant 9.99999996E-13 : f32
    %max3A_89 = vector.broadcast %max3A_88 : f32 to vector<4096x128xf32>
    %max3A_90 = arith.maximumf %sqrt3A_87, %max3A_89 : vector<4096x128xf32>
    %div3A_91 = arith.constant 1.000000e+00 : f32
    %div3A_92 = vector.broadcast %div3A_91 : f32 to vector<4096x128xf32>
    %div3A_93 = arith.divf %div3A_92, %max3A_90 : vector<4096x128xf32>
    %mul3A_94 = arith.mulf %dot_general3A_48, %dot_general3A_53 : vector<4096x128xf32>
    %mul3A_95 = arith.mulf %dot_general3A_62, %dot_general3A_67 : vector<4096x128xf32>
    %add3A_96 = arith.addf %mul3A_94, %mul3A_95 : vector<4096x128xf32>
    %mul3A_97 = arith.mulf %dot_general3A_76, %dot_general3A_81 : vector<4096x128xf32>
    %add3A_98 = arith.addf %add3A_96, %mul3A_97 : vector<4096x128xf32>
    %mul3A_99 = arith.mulf %add3A_98, %div3A_93 : vector<4096x128xf32>
    %min3A = arith.constant 0.000000e+00 : f32
    %min3A_100 = vector.broadcast %min3A : f32 to vector<4096x128xf32>
    %min3A_101 = arith.minimumf %mul3A_99, %min3A_100 : vector<4096x128xf32>
    %mul3A_102 = arith.constant -8.000000e-01 : f32
    %mul3A_103 = vector.broadcast %mul3A_102 : f32 to vector<4096x128xf32>
    %mul3A_104 = arith.mulf %mul3A_103, %min3A_101 : vector<4096x128xf32>
    %mul3A_105 = arith.mulf %mul3A_104, %div3A_93 : vector<4096x128xf32>
    %mul3A_106 = arith.mulf %mul3A_105, %dot_general3A_53 : vector<4096x128xf32>
    %add3A_107 = arith.addf %dot_general3A_48, %mul3A_106 : vector<4096x128xf32>
    %reshape3A_108 = vector.shape_cast %add3A_107 : vector<4096x128xf32> to vector<256x16x128xf32>
    %reduce_sum3A = arith.constant dense<0.000000e+00> : vector<256x128xf32>
    %reduce_sum3A_109 = vector.multi_reduction <add>, %reshape3A_108, %reduce_sum3A [1] : vector<256x16x128xf32> to vector<256x128xf32>
    %broadcast_in_dim3A_110 = vector.shape_cast %reduce_sum3A_109 : vector<256x128xf32> to vector<256x1x128xf32>
    %div3A_111 = arith.constant 1.600000e+01 : f32
    %div3A_112 = vector.broadcast %div3A_111 : f32 to vector<256x1x128xf32>
    %div3A_113 = arith.divf %broadcast_in_dim3A_110, %div3A_112 : vector<256x1x128xf32>
    %mul3A_114 = arith.mulf %mul3A_105, %dot_general3A_67 : vector<4096x128xf32>
    %add3A_115 = arith.addf %dot_general3A_62, %mul3A_114 : vector<4096x128xf32>
    %reshape3A_116 = vector.shape_cast %add3A_115 : vector<4096x128xf32> to vector<256x16x128xf32>
    %reduce_sum3A_117 = arith.constant dense<0.000000e+00> : vector<256x128xf32>
    %reduce_sum3A_118 = vector.multi_reduction <add>, %reshape3A_116, %reduce_sum3A_117 [1] : vector<256x16x128xf32> to vector<256x128xf32>
    %broadcast_in_dim3A_119 = vector.shape_cast %reduce_sum3A_118 : vector<256x128xf32> to vector<256x1x128xf32>
    %div3A_120 = arith.constant 1.600000e+01 : f32
    %div3A_121 = vector.broadcast %div3A_120 : f32 to vector<256x1x128xf32>
    %div3A_122 = arith.divf %broadcast_in_dim3A_119, %div3A_121 : vector<256x1x128xf32>
    %mul3A_123 = arith.mulf %mul3A_105, %dot_general3A_81 : vector<4096x128xf32>
    %add3A_124 = arith.addf %dot_general3A_76, %mul3A_123 : vector<4096x128xf32>
    %reshape3A_125 = vector.shape_cast %add3A_124 : vector<4096x128xf32> to vector<256x16x128xf32>
    %reduce_sum3A_126 = arith.constant dense<0.000000e+00> : vector<256x128xf32>
    %reduce_sum3A_127 = vector.multi_reduction <add>, %reshape3A_125, %reduce_sum3A_126 [1] : vector<256x16x128xf32> to vector<256x128xf32>
    %broadcast_in_dim3A_128 = vector.shape_cast %reduce_sum3A_127 : vector<256x128xf32> to vector<256x1x128xf32>
    %div3A_129 = arith.constant 1.600000e+01 : f32
    %div3A_130 = vector.broadcast %div3A_129 : f32 to vector<256x1x128xf32>
    %div3A_131 = arith.divf %broadcast_in_dim3A_128, %div3A_130 : vector<256x1x128xf32>
    %concatenate3A_132 = tpu.concatenate %div3A_113, %div3A_122, %div3A_131 in 2 : vector<256x1x128xf32>, vector<256x1x128xf32>, vector<256x1x128xf32> -> vector<256x1x384xf32>
    %swap3A = arith.constant 0 : index
    %swap3A_133 = arith.constant 0 : index
    %swap3A_134 = arith.constant 0 : index
    %swap3A_135 = vector.load %arg5[%swap3A, %swap3A_133, %swap3A_134] : memref<256x1x384xf32, #tpu.memory_space<vmem>>, vector<256x1x384xf32>
    tpu.vector_store %arg5[%swap3A, %swap3A_133, %swap3A_134], %concatenate3A_132 {strides = array<i32>} : memref<256x1x384xf32, #tpu.memory_space<vmem>>, vector<256x1x384xf32>,
    return
  }
  func.func @transform_0(%arg0: i32) -> (i32, i32, i32) {
    %c0_i32 = arith.constant 0 : i32
    %c0_i32_0 = arith.constant 0 : i32
    %c0_i32_1 = arith.constant 0 : i32
    return %arg0, %c0_i32, %c0_i32_0 : i32, i32, i32
  }
  func.func @transform_1(%arg0: i32) -> (i32, i32, i32) {
    %c0_i32 = arith.constant 0 : i32
    %c0_i32_0 = arith.constant 0 : i32
    %c0_i32_1 = arith.constant 0 : i32
    return %arg0, %c0_i32, %c0_i32_0 : i32, i32, i32
  }
  func.func @transform_2(%arg0: i32) -> (i32, i32) {
    %c0_i32 = arith.constant 0 : i32
    %c0_i32_0 = arith.constant 0 : i32
    %c0_i32_1 = arith.constant 0 : i32
    return %c0_i32, %c0_i32_0 : i32, i32
  }
  func.func @transform_3(%arg0: i32) -> (i32, i32) {
    %c0_i32 = arith.constant 0 : i32
    %c0_i32_0 = arith.constant 0 : i32
    %c0_i32_1 = arith.constant 0 : i32
    return %c0_i32, %c0_i32_0 : i32, i32
  }
  func.func @transform_4(%arg0: i32) -> (i32, i32, i32) {
    %c0_i32 = arith.constant 0 : i32
    %c0_i32_0 = arith.constant 0 : i32
    %c0_i32_1 = arith.constant 0 : i32
    return %arg0, %c0_i32, %c0_i32_0 : i32, i32, i32
  }
}

module attributes {stable_mosaic.version = 14 : i64} {
  func.func @_edge_body(%arg0: i32, %arg1: memref<256x16x384xf32, #tpu.memory_space<vmem>>, %arg2: memref<256x1x384xf32, #tpu.memory_space<vmem>>, %arg3: memref<128x128xf32, #tpu.memory_space<vmem>>, %arg4: memref<128x128xf32, #tpu.memory_space<vmem>>, %arg5: memref<128x128xf32, #tpu.memory_space<vmem>>, %arg6: memref<256x1x384xf32, #tpu.memory_space<vmem>>) attributes {dimension_semantics = [#tpu.dimension_semantics<arbitrary>], iteration_bounds = array<i64: 8>, scalar_prefetch = 0 : i64, scratch_operands = 0 : i64, tpu.core_type = #tpu.core_type<tc>, window_params = [{transform_indices = @transform_0, window_bounds = array<i64: 256, 16, 384>}, {transform_indices = @transform_1, window_bounds = array<i64: 256, 1, 384>}, {pipeline_mode = #tpu.pipeline_mode<synchronous>, transform_indices = @transform_2, window_bounds = array<i64: 128, 128>}, {pipeline_mode = #tpu.pipeline_mode<synchronous>, transform_indices = @transform_3, window_bounds = array<i64: 128, 128>}, {pipeline_mode = #tpu.pipeline_mode<synchronous>, transform_indices = @transform_4, window_bounds = array<i64: 128, 128>}, {transform_indices = @transform_5, window_bounds = array<i64: 256, 1, 384>}]} {
    %get3A = arith.constant 0 : index
    %get3A_0 = arith.constant 0 : index
    %get3A_1 = arith.constant 0 : index
    %get3A_2 = vector.load %arg1[%get3A, %get3A_0, %get3A_1] : memref<256x16x384xf32, #tpu.memory_space<vmem>>, vector<256x16x384xf32>
    %get3A_3 = arith.constant 0 : index
    %get3A_4 = arith.constant 0 : index
    %get3A_5 = arith.constant 0 : index
    %get3A_6 = vector.load %arg2[%get3A_3, %get3A_4, %get3A_5] : memref<256x1x384xf32, #tpu.memory_space<vmem>>, vector<256x1x384xf32>
    %slice3A = vector.extract_strided_slice %get3A_2 {offsets = [0, 0, 0], sizes = [256, 16, 128], strides = [1, 1, 1]} : vector<256x16x384xf32> to vector<256x16x128xf32>
    %slice3A_7 = vector.extract_strided_slice %get3A_6 {offsets = [0, 0, 0], sizes = [256, 1, 128], strides = [1, 1, 1]} : vector<256x1x384xf32> to vector<256x1x128xf32>
    %sub3A = vector.broadcast %slice3A_7 : vector<256x1x128xf32> to vector<256x16x128xf32>
    %sub3A_8 = arith.subf %slice3A, %sub3A : vector<256x16x128xf32>
    %reshape3A = vector.shape_cast %sub3A_8 : vector<256x16x128xf32> to vector<4096x128xf32>
    %broadcast_in_dim3A = vector.shape_cast %slice3A_7 : vector<256x1x128xf32> to vector<256x1x128xf32>
    %broadcast_in_dim3A_9 = vector.broadcast %broadcast_in_dim3A : vector<256x1x128xf32> to vector<256x16x128xf32>
    %reshape3A_10 = vector.shape_cast %broadcast_in_dim3A_9 : vector<256x16x128xf32> to vector<4096x128xf32>
    %get3A_11 = arith.constant 0 : index
    %get3A_12 = arith.constant 0 : index
    %get3A_13 = vector.load %arg3[%get3A_11, %get3A_12] : memref<128x128xf32, #tpu.memory_space<vmem>>, vector<128x128xf32>
    %dot_general3A = arith.constant dense<0.000000e+00> : vector<4096x128xf32>
    %dot_general3A_14 = tpu.matmul %reshape3A, %get3A_13, %dot_general3A {dimension_numbers = #tpu.dot_dimension_numbers<[1], [0], [0], [1], [0, 0, 1, 1], [], []>, transpose_lhs_hint = false} : vector<4096x128xf32>, vector<128x128xf32>, vector<4096x128xf32> -> vector<4096x128xf32>
    %get3A_15 = arith.constant 0 : index
    %get3A_16 = arith.constant 0 : index
    %get3A_17 = vector.load %arg4[%get3A_15, %get3A_16] : memref<128x128xf32, #tpu.memory_space<vmem>>, vector<128x128xf32>
    %dot_general3A_18 = arith.constant dense<0.000000e+00> : vector<4096x128xf32>
    %dot_general3A_19 = tpu.matmul %reshape3A_10, %get3A_17, %dot_general3A_18 {dimension_numbers = #tpu.dot_dimension_numbers<[1], [0], [0], [1], [0, 0, 1, 1], [], []>, transpose_lhs_hint = false} : vector<4096x128xf32>, vector<128x128xf32>, vector<4096x128xf32> -> vector<4096x128xf32>
    %add3A = arith.addf %dot_general3A_14, %dot_general3A_19 : vector<4096x128xf32>
    %get3A_20 = arith.constant 0 : index
    %get3A_21 = arith.constant 0 : index
    %get3A_22 = vector.load %arg5[%get3A_20, %get3A_21] : memref<128x128xf32, #tpu.memory_space<vmem>>, vector<128x128xf32>
    %dot_general3A_23 = arith.constant dense<0.000000e+00> : vector<4096x128xf32>
    %dot_general3A_24 = tpu.matmul %add3A, %get3A_22, %dot_general3A_23 {dimension_numbers = #tpu.dot_dimension_numbers<[1], [0], [0], [1], [0, 0, 1, 1], [], []>, transpose_lhs_hint = false} : vector<4096x128xf32>, vector<128x128xf32>, vector<4096x128xf32> -> vector<4096x128xf32>
    %slice3A_25 = vector.extract_strided_slice %get3A_2 {offsets = [0, 0, 128], sizes = [256, 16, 128], strides = [1, 1, 1]} : vector<256x16x384xf32> to vector<256x16x128xf32>
    %slice3A_26 = vector.extract_strided_slice %get3A_6 {offsets = [0, 0, 128], sizes = [256, 1, 128], strides = [1, 1, 1]} : vector<256x1x384xf32> to vector<256x1x128xf32>
    %sub3A_27 = vector.broadcast %slice3A_26 : vector<256x1x128xf32> to vector<256x16x128xf32>
    %sub3A_28 = arith.subf %slice3A_25, %sub3A_27 : vector<256x16x128xf32>
    %reshape3A_29 = vector.shape_cast %sub3A_28 : vector<256x16x128xf32> to vector<4096x128xf32>
    %broadcast_in_dim3A_30 = vector.shape_cast %slice3A_26 : vector<256x1x128xf32> to vector<256x1x128xf32>
    %broadcast_in_dim3A_31 = vector.broadcast %broadcast_in_dim3A_30 : vector<256x1x128xf32> to vector<256x16x128xf32>
    %reshape3A_32 = vector.shape_cast %broadcast_in_dim3A_31 : vector<256x16x128xf32> to vector<4096x128xf32>
    %get3A_33 = arith.constant 0 : index
    %get3A_34 = arith.constant 0 : index
    %get3A_35 = vector.load %arg3[%get3A_33, %get3A_34] : memref<128x128xf32, #tpu.memory_space<vmem>>, vector<128x128xf32>
    %dot_general3A_36 = arith.constant dense<0.000000e+00> : vector<4096x128xf32>
    %dot_general3A_37 = tpu.matmul %reshape3A_29, %get3A_35, %dot_general3A_36 {dimension_numbers = #tpu.dot_dimension_numbers<[1], [0], [0], [1], [0, 0, 1, 1], [], []>, transpose_lhs_hint = false} : vector<4096x128xf32>, vector<128x128xf32>, vector<4096x128xf32> -> vector<4096x128xf32>
    %get3A_38 = arith.constant 0 : index
    %get3A_39 = arith.constant 0 : index
    %get3A_40 = vector.load %arg4[%get3A_38, %get3A_39] : memref<128x128xf32, #tpu.memory_space<vmem>>, vector<128x128xf32>
    %dot_general3A_41 = arith.constant dense<0.000000e+00> : vector<4096x128xf32>
    %dot_general3A_42 = tpu.matmul %reshape3A_32, %get3A_40, %dot_general3A_41 {dimension_numbers = #tpu.dot_dimension_numbers<[1], [0], [0], [1], [0, 0, 1, 1], [], []>, transpose_lhs_hint = false} : vector<4096x128xf32>, vector<128x128xf32>, vector<4096x128xf32> -> vector<4096x128xf32>
    %add3A_43 = arith.addf %dot_general3A_37, %dot_general3A_42 : vector<4096x128xf32>
    %get3A_44 = arith.constant 0 : index
    %get3A_45 = arith.constant 0 : index
    %get3A_46 = vector.load %arg5[%get3A_44, %get3A_45] : memref<128x128xf32, #tpu.memory_space<vmem>>, vector<128x128xf32>
    %dot_general3A_47 = arith.constant dense<0.000000e+00> : vector<4096x128xf32>
    %dot_general3A_48 = tpu.matmul %add3A_43, %get3A_46, %dot_general3A_47 {dimension_numbers = #tpu.dot_dimension_numbers<[1], [0], [0], [1], [0, 0, 1, 1], [], []>, transpose_lhs_hint = false} : vector<4096x128xf32>, vector<128x128xf32>, vector<4096x128xf32> -> vector<4096x128xf32>
    %slice3A_49 = vector.extract_strided_slice %get3A_2 {offsets = [0, 0, 256], sizes = [256, 16, 128], strides = [1, 1, 1]} : vector<256x16x384xf32> to vector<256x16x128xf32>
    %slice3A_50 = vector.extract_strided_slice %get3A_6 {offsets = [0, 0, 256], sizes = [256, 1, 128], strides = [1, 1, 1]} : vector<256x1x384xf32> to vector<256x1x128xf32>
    %sub3A_51 = vector.broadcast %slice3A_50 : vector<256x1x128xf32> to vector<256x16x128xf32>
    %sub3A_52 = arith.subf %slice3A_49, %sub3A_51 : vector<256x16x128xf32>
    %reshape3A_53 = vector.shape_cast %sub3A_52 : vector<256x16x128xf32> to vector<4096x128xf32>
    %broadcast_in_dim3A_54 = vector.shape_cast %slice3A_50 : vector<256x1x128xf32> to vector<256x1x128xf32>
    %broadcast_in_dim3A_55 = vector.broadcast %broadcast_in_dim3A_54 : vector<256x1x128xf32> to vector<256x16x128xf32>
    %reshape3A_56 = vector.shape_cast %broadcast_in_dim3A_55 : vector<256x16x128xf32> to vector<4096x128xf32>
    %get3A_57 = arith.constant 0 : index
    %get3A_58 = arith.constant 0 : index
    %get3A_59 = vector.load %arg3[%get3A_57, %get3A_58] : memref<128x128xf32, #tpu.memory_space<vmem>>, vector<128x128xf32>
    %dot_general3A_60 = arith.constant dense<0.000000e+00> : vector<4096x128xf32>
    %dot_general3A_61 = tpu.matmul %reshape3A_53, %get3A_59, %dot_general3A_60 {dimension_numbers = #tpu.dot_dimension_numbers<[1], [0], [0], [1], [0, 0, 1, 1], [], []>, transpose_lhs_hint = false} : vector<4096x128xf32>, vector<128x128xf32>, vector<4096x128xf32> -> vector<4096x128xf32>
    %get3A_62 = arith.constant 0 : index
    %get3A_63 = arith.constant 0 : index
    %get3A_64 = vector.load %arg4[%get3A_62, %get3A_63] : memref<128x128xf32, #tpu.memory_space<vmem>>, vector<128x128xf32>
    %dot_general3A_65 = arith.constant dense<0.000000e+00> : vector<4096x128xf32>
    %dot_general3A_66 = tpu.matmul %reshape3A_56, %get3A_64, %dot_general3A_65 {dimension_numbers = #tpu.dot_dimension_numbers<[1], [0], [0], [1], [0, 0, 1, 1], [], []>, transpose_lhs_hint = false} : vector<4096x128xf32>, vector<128x128xf32>, vector<4096x128xf32> -> vector<4096x128xf32>
    %add3A_67 = arith.addf %dot_general3A_61, %dot_general3A_66 : vector<4096x128xf32>
    %get3A_68 = arith.constant 0 : index
    %get3A_69 = arith.constant 0 : index
    %get3A_70 = vector.load %arg5[%get3A_68, %get3A_69] : memref<128x128xf32, #tpu.memory_space<vmem>>, vector<128x128xf32>
    %dot_general3A_71 = arith.constant dense<0.000000e+00> : vector<4096x128xf32>
    %dot_general3A_72 = tpu.matmul %add3A_67, %get3A_70, %dot_general3A_71 {dimension_numbers = #tpu.dot_dimension_numbers<[1], [0], [0], [1], [0, 0, 1, 1], [], []>, transpose_lhs_hint = false} : vector<4096x128xf32>, vector<128x128xf32>, vector<4096x128xf32> -> vector<4096x128xf32>
    %mul3A = arith.mulf %dot_general3A_24, %dot_general3A_24 : vector<4096x128xf32>
    %mul3A_73 = arith.mulf %dot_general3A_48, %dot_general3A_48 : vector<4096x128xf32>
    %add3A_74 = arith.addf %mul3A, %mul3A_73 : vector<4096x128xf32>
    %mul3A_75 = arith.mulf %dot_general3A_72, %dot_general3A_72 : vector<4096x128xf32>
    %add3A_76 = arith.addf %add3A_74, %mul3A_75 : vector<4096x128xf32>
    %sqrt3A = math.sqrt %add3A_76 : vector<4096x128xf32>
    %max3A = arith.constant 9.99999996E-13 : f32
    %max3A_77 = vector.broadcast %max3A : f32 to vector<4096x128xf32>
    %max3A_78 = arith.maximumf %sqrt3A, %max3A_77 : vector<4096x128xf32>
    %div3A = arith.constant 1.000000e+00 : f32
    %div3A_79 = vector.broadcast %div3A : f32 to vector<4096x128xf32>
    %div3A_80 = arith.divf %div3A_79, %max3A_78 : vector<4096x128xf32>
    %mul3A_81 = arith.mulf %add3A, %dot_general3A_24 : vector<4096x128xf32>
    %mul3A_82 = arith.mulf %add3A_43, %dot_general3A_48 : vector<4096x128xf32>
    %add3A_83 = arith.addf %mul3A_81, %mul3A_82 : vector<4096x128xf32>
    %mul3A_84 = arith.mulf %add3A_67, %dot_general3A_72 : vector<4096x128xf32>
    %add3A_85 = arith.addf %add3A_83, %mul3A_84 : vector<4096x128xf32>
    %mul3A_86 = arith.mulf %add3A_85, %div3A_80 : vector<4096x128xf32>
    %min3A = arith.constant 0.000000e+00 : f32
    %min3A_87 = vector.broadcast %min3A : f32 to vector<4096x128xf32>
    %min3A_88 = arith.minimumf %mul3A_86, %min3A_87 : vector<4096x128xf32>
    %mul3A_89 = arith.constant -8.000000e-01 : f32
    %mul3A_90 = vector.broadcast %mul3A_89 : f32 to vector<4096x128xf32>
    %mul3A_91 = arith.mulf %mul3A_90, %min3A_88 : vector<4096x128xf32>
    %mul3A_92 = arith.mulf %mul3A_91, %div3A_80 : vector<4096x128xf32>
    %mul3A_93 = arith.mulf %mul3A_92, %dot_general3A_24 : vector<4096x128xf32>
    %add3A_94 = arith.addf %add3A, %mul3A_93 : vector<4096x128xf32>
    %reshape3A_95 = vector.shape_cast %add3A_94 : vector<4096x128xf32> to vector<256x16x128xf32>
    %reduce_sum3A = arith.constant dense<0.000000e+00> : vector<256x128xf32>
    %reduce_sum3A_96 = vector.multi_reduction <add>, %reshape3A_95, %reduce_sum3A [1] : vector<256x16x128xf32> to vector<256x128xf32>
    %broadcast_in_dim3A_97 = vector.shape_cast %reduce_sum3A_96 : vector<256x128xf32> to vector<256x1x128xf32>
    %div3A_98 = arith.constant 1.600000e+01 : f32
    %div3A_99 = vector.broadcast %div3A_98 : f32 to vector<256x1x128xf32>
    %div3A_100 = arith.divf %broadcast_in_dim3A_97, %div3A_99 : vector<256x1x128xf32>
    %mul3A_101 = arith.mulf %mul3A_92, %dot_general3A_48 : vector<4096x128xf32>
    %add3A_102 = arith.addf %add3A_43, %mul3A_101 : vector<4096x128xf32>
    %reshape3A_103 = vector.shape_cast %add3A_102 : vector<4096x128xf32> to vector<256x16x128xf32>
    %reduce_sum3A_104 = arith.constant dense<0.000000e+00> : vector<256x128xf32>
    %reduce_sum3A_105 = vector.multi_reduction <add>, %reshape3A_103, %reduce_sum3A_104 [1] : vector<256x16x128xf32> to vector<256x128xf32>
    %broadcast_in_dim3A_106 = vector.shape_cast %reduce_sum3A_105 : vector<256x128xf32> to vector<256x1x128xf32>
    %div3A_107 = arith.constant 1.600000e+01 : f32
    %div3A_108 = vector.broadcast %div3A_107 : f32 to vector<256x1x128xf32>
    %div3A_109 = arith.divf %broadcast_in_dim3A_106, %div3A_108 : vector<256x1x128xf32>
    %mul3A_110 = arith.mulf %mul3A_92, %dot_general3A_72 : vector<4096x128xf32>
    %add3A_111 = arith.addf %add3A_67, %mul3A_110 : vector<4096x128xf32>
    %reshape3A_112 = vector.shape_cast %add3A_111 : vector<4096x128xf32> to vector<256x16x128xf32>
    %reduce_sum3A_113 = arith.constant dense<0.000000e+00> : vector<256x128xf32>
    %reduce_sum3A_114 = vector.multi_reduction <add>, %reshape3A_112, %reduce_sum3A_113 [1] : vector<256x16x128xf32> to vector<256x128xf32>
    %broadcast_in_dim3A_115 = vector.shape_cast %reduce_sum3A_114 : vector<256x128xf32> to vector<256x1x128xf32>
    %div3A_116 = arith.constant 1.600000e+01 : f32
    %div3A_117 = vector.broadcast %div3A_116 : f32 to vector<256x1x128xf32>
    %div3A_118 = arith.divf %broadcast_in_dim3A_115, %div3A_117 : vector<256x1x128xf32>
    %concatenate3A = tpu.concatenate %div3A_100, %div3A_109, %div3A_118 in 2 : vector<256x1x128xf32>, vector<256x1x128xf32>, vector<256x1x128xf32> -> vector<256x1x384xf32>
    %swap3A = arith.constant 0 : index
    %swap3A_119 = arith.constant 0 : index
    %swap3A_120 = arith.constant 0 : index
    %swap3A_121 = vector.load %arg6[%swap3A, %swap3A_119, %swap3A_120] : memref<256x1x384xf32, #tpu.memory_space<vmem>>, vector<256x1x384xf32>
    tpu.vector_store %arg6[%swap3A, %swap3A_119, %swap3A_120], %concatenate3A {strides = array<i32>} : memref<256x1x384xf32, #tpu.memory_space<vmem>>, vector<256x1x384xf32>,
    return
  }
  func.func @transform_0(%arg0: i32) -> (i32, i32, i32) {
    %c0_i32 = arith.constant 0 : i32
    %c0_i32_0 = arith.constant 0 : i32
    %c0_i32_1 = arith.constant 0 : i32
    return %arg0, %c0_i32, %c0_i32_0 : i32, i32, i32
  }
  func.func @transform_1(%arg0: i32) -> (i32, i32, i32) {
    %c0_i32 = arith.constant 0 : i32
    %c0_i32_0 = arith.constant 0 : i32
    %c0_i32_1 = arith.constant 0 : i32
    return %arg0, %c0_i32, %c0_i32_0 : i32, i32, i32
  }
  func.func @transform_2(%arg0: i32) -> (i32, i32) {
    %c0_i32 = arith.constant 0 : i32
    %c0_i32_0 = arith.constant 0 : i32
    %c0_i32_1 = arith.constant 0 : i32
    return %c0_i32, %c0_i32_0 : i32, i32
  }
  func.func @transform_3(%arg0: i32) -> (i32, i32) {
    %c0_i32 = arith.constant 0 : i32
    %c0_i32_0 = arith.constant 0 : i32
    %c0_i32_1 = arith.constant 0 : i32
    return %c0_i32, %c0_i32_0 : i32, i32
  }
  func.func @transform_4(%arg0: i32) -> (i32, i32) {
    %c0_i32 = arith.constant 0 : i32
    %c0_i32_0 = arith.constant 0 : i32
    %c0_i32_1 = arith.constant 0 : i32
    return %c0_i32, %c0_i32_0 : i32, i32
  }
  func.func @transform_5(%arg0: i32) -> (i32, i32, i32) {
    %c0_i32 = arith.constant 0 : i32
    %c0_i32_0 = arith.constant 0 : i32
    %c0_i32_1 = arith.constant 0 : i32
    return %arg0, %c0_i32, %c0_i32_0 : i32, i32, i32
  }
}

module attributes {stable_mosaic.version = 14 : i64} {
  func.func @_head_body(%arg0: i32, %arg1: memref<1x1024x384xf32, #tpu.memory_space<vmem>>, %arg2: memref<1x1024x384xf32, #tpu.memory_space<vmem>>, %arg3: memref<1x1024x384xf32, #tpu.memory_space<vmem>>, %arg4: memref<1x1024x384xf32, #tpu.memory_space<vmem>>, %arg5: memref<512x128xf32, #tpu.memory_space<vmem>>, %arg6: memref<8x128xf32, #tpu.memory_space<vmem>>, %arg7: memref<128x128xf32, #tpu.memory_space<vmem>>, %arg8: memref<1x1x384xf32, #tpu.memory_space<vmem>>, %arg9: memref<1x1x128xf32, #tpu.memory_space<vmem>>, %arg10: memref<1x1x128xf32, #tpu.memory_space<vmem>>) attributes {dimension_semantics = [#tpu.dimension_semantics<arbitrary>], iteration_bounds = array<i64: 2>, scalar_prefetch = 0 : i64, scratch_operands = 0 : i64, tpu.core_type = #tpu.core_type<tc>, window_params = [{transform_indices = @transform_0, window_bounds = array<i64: 1, 1024, 384>}, {transform_indices = @transform_1, window_bounds = array<i64: 1, 1024, 384>}, {transform_indices = @transform_2, window_bounds = array<i64: 1, 1024, 384>}, {transform_indices = @transform_3, window_bounds = array<i64: 1, 1024, 384>}, {pipeline_mode = #tpu.pipeline_mode<synchronous>, transform_indices = @transform_4, window_bounds = array<i64: 512, 128>}, {pipeline_mode = #tpu.pipeline_mode<synchronous>, transform_indices = @transform_5, window_bounds = array<i64: 8, 128>}, {pipeline_mode = #tpu.pipeline_mode<synchronous>, transform_indices = @transform_6, window_bounds = array<i64: 128, 128>}, {transform_indices = @transform_7, window_bounds = array<i64: 1, 1, 384>}, {transform_indices = @transform_8, window_bounds = array<i64: 1, 1, 128>}, {transform_indices = @transform_9, window_bounds = array<i64: 1, 1, 128>}]} {
    %get3A = arith.constant 0 : index
    %get3A_0 = arith.constant 0 : index
    %get3A_1 = arith.constant 0 : index
    %get3A_2 = vector.load %arg1[%get3A, %get3A_0, %get3A_1] : memref<1x1024x384xf32, #tpu.memory_space<vmem>>, vector<1x1024x384xf32>
    %get3A_3 = vector.shape_cast %get3A_2 : vector<1x1024x384xf32> to vector<1024x384xf32>
    %get3A_4 = arith.constant 0 : index
    %get3A_5 = arith.constant 0 : index
    %get3A_6 = arith.constant 0 : index
    %get3A_7 = vector.load %arg2[%get3A_4, %get3A_5, %get3A_6] : memref<1x1024x384xf32, #tpu.memory_space<vmem>>, vector<1x1024x384xf32>
    %get3A_8 = vector.shape_cast %get3A_7 : vector<1x1024x384xf32> to vector<1024x384xf32>
    %get3A_9 = arith.constant 0 : index
    %get3A_10 = arith.constant 0 : index
    %get3A_11 = arith.constant 0 : index
    %get3A_12 = vector.load %arg3[%get3A_9, %get3A_10, %get3A_11] : memref<1x1024x384xf32, #tpu.memory_space<vmem>>, vector<1x1024x384xf32>
    %get3A_13 = vector.shape_cast %get3A_12 : vector<1x1024x384xf32> to vector<1024x384xf32>
    %get3A_14 = arith.constant 0 : index
    %get3A_15 = arith.constant 0 : index
    %get3A_16 = arith.constant 0 : index
    %get3A_17 = vector.load %arg4[%get3A_14, %get3A_15, %get3A_16] : memref<1x1024x384xf32, #tpu.memory_space<vmem>>, vector<1x1024x384xf32>
    %get3A_18 = vector.shape_cast %get3A_17 : vector<1x1024x384xf32> to vector<1024x384xf32>
    %broadcast_in_dim3A = arith.constant 0.000000e+00 : f32
    %broadcast_in_dim3A_19 = vector.broadcast %broadcast_in_dim3A : f32 to vector<1024x128xf32>
    %slice3A = vector.extract_strided_slice %get3A_3 {offsets = [0, 0], sizes = [1024, 128], strides = [1, 1]} : vector<1024x384xf32> to vector<1024x128xf32>
    %get3A_20 = arith.constant 0 : index
    %get3A_21 = arith.constant 0 : index
    %get3A_22 = vector.load %arg5[%get3A_20, %get3A_21] : memref<512x128xf32, #tpu.memory_space<vmem>>, vector<128x128xf32>
    %dot_general3A = arith.constant dense<0.000000e+00> : vector<1024x128xf32>
    %dot_general3A_23 = tpu.matmul %slice3A, %get3A_22, %dot_general3A {dimension_numbers = #tpu.dot_dimension_numbers<[1], [0], [0], [1], [0, 0, 1, 1], [], []>, transpose_lhs_hint = false} : vector<1024x128xf32>, vector<128x128xf32>, vector<1024x128xf32> -> vector<1024x128xf32>
    %add3A = arith.addf %broadcast_in_dim3A_19, %dot_general3A_23 : vector<1024x128xf32>
    %slice3A_24 = vector.extract_strided_slice %get3A_8 {offsets = [0, 0], sizes = [1024, 128], strides = [1, 1]} : vector<1024x384xf32> to vector<1024x128xf32>
    %get3A_25 = arith.constant 128 : index
    %get3A_26 = arith.constant 0 : index
    %get3A_27 = vector.load %arg5[%get3A_25, %get3A_26] : memref<512x128xf32, #tpu.memory_space<vmem>>, vector<128x128xf32>
    %dot_general3A_28 = arith.constant dense<0.000000e+00> : vector<1024x128xf32>
    %dot_general3A_29 = tpu.matmul %slice3A_24, %get3A_27, %dot_general3A_28 {dimension_numbers = #tpu.dot_dimension_numbers<[1], [0], [0], [1], [0, 0, 1, 1], [], []>, transpose_lhs_hint = false} : vector<1024x128xf32>, vector<128x128xf32>, vector<1024x128xf32> -> vector<1024x128xf32>
    %add3A_30 = arith.addf %add3A, %dot_general3A_29 : vector<1024x128xf32>
    %slice3A_31 = vector.extract_strided_slice %get3A_13 {offsets = [0, 0], sizes = [1024, 128], strides = [1, 1]} : vector<1024x384xf32> to vector<1024x128xf32>
    %get3A_32 = arith.constant 256 : index
    %get3A_33 = arith.constant 0 : index
    %get3A_34 = vector.load %arg5[%get3A_32, %get3A_33] : memref<512x128xf32, #tpu.memory_space<vmem>>, vector<128x128xf32>
    %dot_general3A_35 = arith.constant dense<0.000000e+00> : vector<1024x128xf32>
    %dot_general3A_36 = tpu.matmul %slice3A_31, %get3A_34, %dot_general3A_35 {dimension_numbers = #tpu.dot_dimension_numbers<[1], [0], [0], [1], [0, 0, 1, 1], [], []>, transpose_lhs_hint = false} : vector<1024x128xf32>, vector<128x128xf32>, vector<1024x128xf32> -> vector<1024x128xf32>
    %add3A_37 = arith.addf %add3A_30, %dot_general3A_36 : vector<1024x128xf32>
    %slice3A_38 = vector.extract_strided_slice %get3A_18 {offsets = [0, 0], sizes = [1024, 128], strides = [1, 1]} : vector<1024x384xf32> to vector<1024x128xf32>
    %get3A_39 = arith.constant 384 : index
    %get3A_40 = arith.constant 0 : index
    %get3A_41 = vector.load %arg5[%get3A_39, %get3A_40] : memref<512x128xf32, #tpu.memory_space<vmem>>, vector<128x128xf32>
    %dot_general3A_42 = arith.constant dense<0.000000e+00> : vector<1024x128xf32>
    %dot_general3A_43 = tpu.matmul %slice3A_38, %get3A_41, %dot_general3A_42 {dimension_numbers = #tpu.dot_dimension_numbers<[1], [0], [0], [1], [0, 0, 1, 1], [], []>, transpose_lhs_hint = false} : vector<1024x128xf32>, vector<128x128xf32>, vector<1024x128xf32> -> vector<1024x128xf32>
    %add3A_44 = arith.addf %add3A_37, %dot_general3A_43 : vector<1024x128xf32>
    %broadcast_in_dim3A_45 = arith.constant 0.000000e+00 : f32
    %broadcast_in_dim3A_46 = vector.broadcast %broadcast_in_dim3A_45 : f32 to vector<1024x128xf32>
    %slice3A_47 = vector.extract_strided_slice %get3A_3 {offsets = [0, 128], sizes = [1024, 128], strides = [1, 1]} : vector<1024x384xf32> to vector<1024x128xf32>
    %get3A_48 = arith.constant 0 : index
    %get3A_49 = arith.constant 0 : index
    %get3A_50 = vector.load %arg5[%get3A_48, %get3A_49] : memref<512x128xf32, #tpu.memory_space<vmem>>, vector<128x128xf32>
    %dot_general3A_51 = arith.constant dense<0.000000e+00> : vector<1024x128xf32>
    %dot_general3A_52 = tpu.matmul %slice3A_47, %get3A_50, %dot_general3A_51 {dimension_numbers = #tpu.dot_dimension_numbers<[1], [0], [0], [1], [0, 0, 1, 1], [], []>, transpose_lhs_hint = false} : vector<1024x128xf32>, vector<128x128xf32>, vector<1024x128xf32> -> vector<1024x128xf32>
    %add3A_53 = arith.addf %broadcast_in_dim3A_46, %dot_general3A_52 : vector<1024x128xf32>
    %slice3A_54 = vector.extract_strided_slice %get3A_8 {offsets = [0, 128], sizes = [1024, 128], strides = [1, 1]} : vector<1024x384xf32> to vector<1024x128xf32>
    %get3A_55 = arith.constant 128 : index
    %get3A_56 = arith.constant 0 : index
    %get3A_57 = vector.load %arg5[%get3A_55, %get3A_56] : memref<512x128xf32, #tpu.memory_space<vmem>>, vector<128x128xf32>
    %dot_general3A_58 = arith.constant dense<0.000000e+00> : vector<1024x128xf32>
    %dot_general3A_59 = tpu.matmul %slice3A_54, %get3A_57, %dot_general3A_58 {dimension_numbers = #tpu.dot_dimension_numbers<[1], [0], [0], [1], [0, 0, 1, 1], [], []>, transpose_lhs_hint = false} : vector<1024x128xf32>, vector<128x128xf32>, vector<1024x128xf32> -> vector<1024x128xf32>
    %add3A_60 = arith.addf %add3A_53, %dot_general3A_59 : vector<1024x128xf32>
    %slice3A_61 = vector.extract_strided_slice %get3A_13 {offsets = [0, 128], sizes = [1024, 128], strides = [1, 1]} : vector<1024x384xf32> to vector<1024x128xf32>
    %get3A_62 = arith.constant 256 : index
    %get3A_63 = arith.constant 0 : index
    %get3A_64 = vector.load %arg5[%get3A_62, %get3A_63] : memref<512x128xf32, #tpu.memory_space<vmem>>, vector<128x128xf32>
    %dot_general3A_65 = arith.constant dense<0.000000e+00> : vector<1024x128xf32>
    %dot_general3A_66 = tpu.matmul %slice3A_61, %get3A_64, %dot_general3A_65 {dimension_numbers = #tpu.dot_dimension_numbers<[1], [0], [0], [1], [0, 0, 1, 1], [], []>, transpose_lhs_hint = false} : vector<1024x128xf32>, vector<128x128xf32>, vector<1024x128xf32> -> vector<1024x128xf32>
    %add3A_67 = arith.addf %add3A_60, %dot_general3A_66 : vector<1024x128xf32>
    %slice3A_68 = vector.extract_strided_slice %get3A_18 {offsets = [0, 128], sizes = [1024, 128], strides = [1, 1]} : vector<1024x384xf32> to vector<1024x128xf32>
    %get3A_69 = arith.constant 384 : index
    %get3A_70 = arith.constant 0 : index
    %get3A_71 = vector.load %arg5[%get3A_69, %get3A_70] : memref<512x128xf32, #tpu.memory_space<vmem>>, vector<128x128xf32>
    %dot_general3A_72 = arith.constant dense<0.000000e+00> : vector<1024x128xf32>
    %dot_general3A_73 = tpu.matmul %slice3A_68, %get3A_71, %dot_general3A_72 {dimension_numbers = #tpu.dot_dimension_numbers<[1], [0], [0], [1], [0, 0, 1, 1], [], []>, transpose_lhs_hint = false} : vector<1024x128xf32>, vector<128x128xf32>, vector<1024x128xf32> -> vector<1024x128xf32>
    %add3A_74 = arith.addf %add3A_67, %dot_general3A_73 : vector<1024x128xf32>
    %broadcast_in_dim3A_75 = arith.constant 0.000000e+00 : f32
    %broadcast_in_dim3A_76 = vector.broadcast %broadcast_in_dim3A_75 : f32 to vector<1024x128xf32>
    %slice3A_77 = vector.extract_strided_slice %get3A_3 {offsets = [0, 256], sizes = [1024, 128], strides = [1, 1]} : vector<1024x384xf32> to vector<1024x128xf32>
    %get3A_78 = arith.constant 0 : index
    %get3A_79 = arith.constant 0 : index
    %get3A_80 = vector.load %arg5[%get3A_78, %get3A_79] : memref<512x128xf32, #tpu.memory_space<vmem>>, vector<128x128xf32>
    %dot_general3A_81 = arith.constant dense<0.000000e+00> : vector<1024x128xf32>
    %dot_general3A_82 = tpu.matmul %slice3A_77, %get3A_80, %dot_general3A_81 {dimension_numbers = #tpu.dot_dimension_numbers<[1], [0], [0], [1], [0, 0, 1, 1], [], []>, transpose_lhs_hint = false} : vector<1024x128xf32>, vector<128x128xf32>, vector<1024x128xf32> -> vector<1024x128xf32>
    %add3A_83 = arith.addf %broadcast_in_dim3A_76, %dot_general3A_82 : vector<1024x128xf32>
    %slice3A_84 = vector.extract_strided_slice %get3A_8 {offsets = [0, 256], sizes = [1024, 128], strides = [1, 1]} : vector<1024x384xf32> to vector<1024x128xf32>
    %get3A_85 = arith.constant 128 : index
    %get3A_86 = arith.constant 0 : index
    %get3A_87 = vector.load %arg5[%get3A_85, %get3A_86] : memref<512x128xf32, #tpu.memory_space<vmem>>, vector<128x128xf32>
    %dot_general3A_88 = arith.constant dense<0.000000e+00> : vector<1024x128xf32>
    %dot_general3A_89 = tpu.matmul %slice3A_84, %get3A_87, %dot_general3A_88 {dimension_numbers = #tpu.dot_dimension_numbers<[1], [0], [0], [1], [0, 0, 1, 1], [], []>, transpose_lhs_hint = false} : vector<1024x128xf32>, vector<128x128xf32>, vector<1024x128xf32> -> vector<1024x128xf32>
    %add3A_90 = arith.addf %add3A_83, %dot_general3A_89 : vector<1024x128xf32>
    %slice3A_91 = vector.extract_strided_slice %get3A_13 {offsets = [0, 256], sizes = [1024, 128], strides = [1, 1]} : vector<1024x384xf32> to vector<1024x128xf32>
    %get3A_92 = arith.constant 256 : index
    %get3A_93 = arith.constant 0 : index
    %get3A_94 = vector.load %arg5[%get3A_92, %get3A_93] : memref<512x128xf32, #tpu.memory_space<vmem>>, vector<128x128xf32>
    %dot_general3A_95 = arith.constant dense<0.000000e+00> : vector<1024x128xf32>
    %dot_general3A_96 = tpu.matmul %slice3A_91, %get3A_94, %dot_general3A_95 {dimension_numbers = #tpu.dot_dimension_numbers<[1], [0], [0], [1], [0, 0, 1, 1], [], []>, transpose_lhs_hint = false} : vector<1024x128xf32>, vector<128x128xf32>, vector<1024x128xf32> -> vector<1024x128xf32>
    %add3A_97 = arith.addf %add3A_90, %dot_general3A_96 : vector<1024x128xf32>
    %slice3A_98 = vector.extract_strided_slice %get3A_18 {offsets = [0, 256], sizes = [1024, 128], strides = [1, 1]} : vector<1024x384xf32> to vector<1024x128xf32>
    %get3A_99 = arith.constant 384 : index
    %get3A_100 = arith.constant 0 : index
    %get3A_101 = vector.load %arg5[%get3A_99, %get3A_100] : memref<512x128xf32, #tpu.memory_space<vmem>>, vector<128x128xf32>
    %dot_general3A_102 = arith.constant dense<0.000000e+00> : vector<1024x128xf32>
    %dot_general3A_103 = tpu.matmul %slice3A_98, %get3A_101, %dot_general3A_102 {dimension_numbers = #tpu.dot_dimension_numbers<[1], [0], [0], [1], [0, 0, 1, 1], [], []>, transpose_lhs_hint = false} : vector<1024x128xf32>, vector<128x128xf32>, vector<1024x128xf32> -> vector<1024x128xf32>
    %add3A_104 = arith.addf %add3A_97, %dot_general3A_103 : vector<1024x128xf32>
    %get3A_105 = arith.constant 0 : index
    %get3A_106 = arith.constant 0 : index
    %get3A_107 = vector.load %arg6[%get3A_105, %get3A_106] : memref<8x128xf32, #tpu.memory_space<vmem>>, vector<1x128xf32>
    %mul3A = vector.broadcast %get3A_107 : vector<1x128xf32> to vector<1024x128xf32>
    %mul3A_108 = arith.mulf %add3A_44, %mul3A : vector<1024x128xf32>
    %reduce_sum3A = arith.constant dense<0.000000e+00> : vector<1024xf32>
    %reduce_sum3A_109 = vector.multi_reduction <add>, %mul3A_108, %reduce_sum3A [1] : vector<1024x128xf32> to vector<1024xf32>
    %broadcast_in_dim3A_110 = vector.shape_cast %reduce_sum3A_109 : vector<1024xf32> to vector<1024x1xf32>
    %mul3A_111 = vector.broadcast %get3A_107 : vector<1x128xf32> to vector<1024x128xf32>
    %mul3A_112 = arith.mulf %add3A_74, %mul3A_111 : vector<1024x128xf32>
    %reduce_sum3A_113 = arith.constant dense<0.000000e+00> : vector<1024xf32>
    %reduce_sum3A_114 = vector.multi_reduction <add>, %mul3A_112, %reduce_sum3A_113 [1] : vector<1024x128xf32> to vector<1024xf32>
    %broadcast_in_dim3A_115 = vector.shape_cast %reduce_sum3A_114 : vector<1024xf32> to vector<1024x1xf32>
    %mul3A_116 = vector.broadcast %get3A_107 : vector<1x128xf32> to vector<1024x128xf32>
    %mul3A_117 = arith.mulf %add3A_104, %mul3A_116 : vector<1024x128xf32>
    %reduce_sum3A_118 = arith.constant dense<0.000000e+00> : vector<1024xf32>
    %reduce_sum3A_119 = vector.multi_reduction <add>, %mul3A_117, %reduce_sum3A_118 [1] : vector<1024x128xf32> to vector<1024xf32>
    %broadcast_in_dim3A_120 = vector.shape_cast %reduce_sum3A_119 : vector<1024xf32> to vector<1024x1xf32>
    %mul3A_121 = arith.mulf %broadcast_in_dim3A_110, %broadcast_in_dim3A_110 : vector<1024x1xf32>
    %mul3A_122 = arith.mulf %broadcast_in_dim3A_115, %broadcast_in_dim3A_115 : vector<1024x1xf32>
    %add3A_123 = arith.addf %mul3A_121, %mul3A_122 : vector<1024x1xf32>
    %mul3A_124 = arith.mulf %broadcast_in_dim3A_120, %broadcast_in_dim3A_120 : vector<1024x1xf32>
    %add3A_125 = arith.addf %add3A_123, %mul3A_124 : vector<1024x1xf32>
    %sqrt3A = math.sqrt %add3A_125 : vector<1024x1xf32>
    %max3A = arith.constant 9.99999996E-13 : f32
    %max3A_126 = vector.broadcast %max3A : f32 to vector<1024x1xf32>
    %max3A_127 = arith.maximumf %sqrt3A, %max3A_126 : vector<1024x1xf32>
    %div3A = arith.constant 1.000000e+00 : f32
    %div3A_128 = vector.broadcast %div3A : f32 to vector<1024x1xf32>
    %div3A_129 = arith.divf %div3A_128, %max3A_127 : vector<1024x1xf32>
    %mul3A_130 = arith.mulf %broadcast_in_dim3A_110, %div3A_129 : vector<1024x1xf32>
    %mul3A_131 = arith.mulf %broadcast_in_dim3A_115, %div3A_129 : vector<1024x1xf32>
    %mul3A_132 = arith.mulf %broadcast_in_dim3A_120, %div3A_129 : vector<1024x1xf32>
    %mul3A_133 = vector.broadcast %mul3A_130 : vector<1024x1xf32> to vector<1024x128xf32>
    %mul3A_134 = arith.mulf %add3A_44, %mul3A_133 : vector<1024x128xf32>
    %mul3A_135 = vector.broadcast %mul3A_131 : vector<1024x1xf32> to vector<1024x128xf32>
    %mul3A_136 = arith.mulf %add3A_74, %mul3A_135 : vector<1024x128xf32>
    %add3A_137 = arith.addf %mul3A_134, %mul3A_136 : vector<1024x128xf32>
    %mul3A_138 = vector.broadcast %mul3A_132 : vector<1024x1xf32> to vector<1024x128xf32>
    %mul3A_139 = arith.mulf %add3A_104, %mul3A_138 : vector<1024x128xf32>
    %add3A_140 = arith.addf %add3A_137, %mul3A_139 : vector<1024x128xf32>
    %min3A = arith.constant 0.000000e+00 : f32
    %min3A_141 = vector.broadcast %min3A : f32 to vector<1024x128xf32>
    %min3A_142 = arith.minimumf %add3A_140, %min3A_141 : vector<1024x128xf32>
    %mul3A_143 = arith.constant -8.000000e-01 : f32
    %mul3A_144 = vector.broadcast %mul3A_143 : f32 to vector<1024x128xf32>
    %mul3A_145 = arith.mulf %mul3A_144, %min3A_142 : vector<1024x128xf32>
    %mul3A_146 = vector.broadcast %mul3A_130 : vector<1024x1xf32> to vector<1024x128xf32>
    %mul3A_147 = arith.mulf %mul3A_145, %mul3A_146 : vector<1024x128xf32>
    %add3A_148 = arith.addf %add3A_44, %mul3A_147 : vector<1024x128xf32>
    %reduce_sum3A_149 = arith.constant dense<0.000000e+00> : vector<128xf32>
    %reduce_sum3A_150 = vector.multi_reduction <add>, %add3A_148, %reduce_sum3A_149 [0] : vector<1024x128xf32> to vector<128xf32>
    %broadcast_in_dim3A_151 = vector.shape_cast %reduce_sum3A_150 : vector<128xf32> to vector<1x128xf32>
    %mul3A_152 = arith.constant 9.765625E-4 : f32
    %mul3A_153 = vector.broadcast %mul3A_152 : f32 to vector<1x128xf32>
    %mul3A_154 = arith.mulf %broadcast_in_dim3A_151, %mul3A_153 : vector<1x128xf32>
    %mul3A_155 = vector.broadcast %mul3A_131 : vector<1024x1xf32> to vector<1024x128xf32>
    %mul3A_156 = arith.mulf %mul3A_145, %mul3A_155 : vector<1024x128xf32>
    %add3A_157 = arith.addf %add3A_74, %mul3A_156 : vector<1024x128xf32>
    %reduce_sum3A_158 = arith.constant dense<0.000000e+00> : vector<128xf32>
    %reduce_sum3A_159 = vector.multi_reduction <add>, %add3A_157, %reduce_sum3A_158 [0] : vector<1024x128xf32> to vector<128xf32>
    %broadcast_in_dim3A_160 = vector.shape_cast %reduce_sum3A_159 : vector<128xf32> to vector<1x128xf32>
    %mul3A_161 = arith.constant 9.765625E-4 : f32
    %mul3A_162 = vector.broadcast %mul3A_161 : f32 to vector<1x128xf32>
    %mul3A_163 = arith.mulf %broadcast_in_dim3A_160, %mul3A_162 : vector<1x128xf32>
    %mul3A_164 = vector.broadcast %mul3A_132 : vector<1024x1xf32> to vector<1024x128xf32>
    %mul3A_165 = arith.mulf %mul3A_145, %mul3A_164 : vector<1024x128xf32>
    %add3A_166 = arith.addf %add3A_104, %mul3A_165 : vector<1024x128xf32>
    %reduce_sum3A_167 = arith.constant dense<0.000000e+00> : vector<128xf32>
    %reduce_sum3A_168 = vector.multi_reduction <add>, %add3A_166, %reduce_sum3A_167 [0] : vector<1024x128xf32> to vector<128xf32>
    %broadcast_in_dim3A_169 = vector.shape_cast %reduce_sum3A_168 : vector<128xf32> to vector<1x128xf32>
    %mul3A_170 = arith.constant 9.765625E-4 : f32
    %mul3A_171 = vector.broadcast %mul3A_170 : f32 to vector<1x128xf32>
    %mul3A_172 = arith.mulf %broadcast_in_dim3A_169, %mul3A_171 : vector<1x128xf32>
    %mul3A_173 = arith.mulf %mul3A_154, %mul3A_154 : vector<1x128xf32>
    %mul3A_174 = arith.mulf %mul3A_163, %mul3A_163 : vector<1x128xf32>
    %add3A_175 = arith.addf %mul3A_173, %mul3A_174 : vector<1x128xf32>
    %mul3A_176 = arith.mulf %mul3A_172, %mul3A_172 : vector<1x128xf32>
    %add3A_177 = arith.addf %add3A_175, %mul3A_176 : vector<1x128xf32>
    %sqrt3A_178 = math.sqrt %add3A_177 : vector<1x128xf32>
    %max3A_179 = arith.constant 9.99999996E-13 : f32
    %max3A_180 = vector.broadcast %max3A_179 : f32 to vector<1x128xf32>
    %max3A_181 = arith.maximumf %sqrt3A_178, %max3A_180 : vector<1x128xf32>
    %div3A_182 = arith.divf %mul3A_154, %max3A_181 : vector<1x128xf32>
    %max3A_183 = arith.constant 9.99999996E-13 : f32
    %max3A_184 = vector.broadcast %max3A_183 : f32 to vector<1x128xf32>
    %max3A_185 = arith.maximumf %sqrt3A_178, %max3A_184 : vector<1x128xf32>
    %div3A_186 = arith.divf %mul3A_163, %max3A_185 : vector<1x128xf32>
    %max3A_187 = arith.constant 9.99999996E-13 : f32
    %max3A_188 = vector.broadcast %max3A_187 : f32 to vector<1x128xf32>
    %max3A_189 = arith.maximumf %sqrt3A_178, %max3A_188 : vector<1x128xf32>
    %div3A_190 = arith.divf %mul3A_172, %max3A_189 : vector<1x128xf32>
    %mul3A_191 = arith.mulf %sqrt3A_178, %sqrt3A_178 : vector<1x128xf32>
    %reduce_sum3A_192 = arith.constant dense<0.000000e+00> : vector<1xf32>
    %reduce_sum3A_193 = vector.multi_reduction <add>, %mul3A_191, %reduce_sum3A_192 [1] : vector<1x128xf32> to vector<1xf32>
    %broadcast_in_dim3A_194 = vector.shape_cast %reduce_sum3A_193 : vector<1xf32> to vector<1x1xf32>
    %sqrt3A_195 = math.sqrt %broadcast_in_dim3A_194 : vector<1x1xf32>
    %mul3A_196 = arith.mulf %div3A_182, %sqrt3A_178 : vector<1x128xf32>
    %max3A_197 = arith.constant 9.99999996E-13 : f32
    %max3A_198 = vector.broadcast %max3A_197 : f32 to vector<1x1xf32>
    %max3A_199 = arith.maximumf %sqrt3A_195, %max3A_198 : vector<1x1xf32>
    %div3A_200 = vector.broadcast %max3A_199 : vector<1x1xf32> to vector<1x128xf32>
    %div3A_201 = arith.divf %mul3A_196, %div3A_200 : vector<1x128xf32>
    %mul3A_202 = arith.mulf %div3A_186, %sqrt3A_178 : vector<1x128xf32>
    %max3A_203 = arith.constant 9.99999996E-13 : f32
    %max3A_204 = vector.broadcast %max3A_203 : f32 to vector<1x1xf32>
    %max3A_205 = arith.maximumf %sqrt3A_195, %max3A_204 : vector<1x1xf32>
    %div3A_206 = vector.broadcast %max3A_205 : vector<1x1xf32> to vector<1x128xf32>
    %div3A_207 = arith.divf %mul3A_202, %div3A_206 : vector<1x128xf32>
    %mul3A_208 = arith.mulf %div3A_190, %sqrt3A_178 : vector<1x128xf32>
    %max3A_209 = arith.constant 9.99999996E-13 : f32
    %max3A_210 = vector.broadcast %max3A_209 : f32 to vector<1x1xf32>
    %max3A_211 = arith.maximumf %sqrt3A_195, %max3A_210 : vector<1x1xf32>
    %div3A_212 = vector.broadcast %max3A_211 : vector<1x1xf32> to vector<1x128xf32>
    %div3A_213 = arith.divf %mul3A_208, %div3A_212 : vector<1x128xf32>
    %concatenate3A = tpu.concatenate %div3A_201, %div3A_207, %div3A_213 in 1 : vector<1x128xf32>, vector<1x128xf32>, vector<1x128xf32> -> vector<1x384xf32>
    %swap3A = arith.constant 0 : index
    %swap3A_214 = arith.constant 0 : index
    %swap3A_215 = arith.constant 0 : index
    %swap3A_216 = vector.load %arg8[%swap3A, %swap3A_214, %swap3A_215] : memref<1x1x384xf32, #tpu.memory_space<vmem>>, vector<1x1x384xf32>
    %swap3A_217 = vector.shape_cast %swap3A_216 : vector<1x1x384xf32> to vector<1x384xf32>
    %swap3A_218 = vector.shape_cast %concatenate3A : vector<1x384xf32> to vector<1x1x384xf32>
    tpu.vector_store %arg8[%swap3A, %swap3A_214, %swap3A_215], %swap3A_218 {strides = array<i32>} : memref<1x1x384xf32, #tpu.memory_space<vmem>>, vector<1x1x384xf32>,
    %reduce_sum3A_219 = arith.constant dense<0.000000e+00> : vector<1xf32>
    %reduce_sum3A_220 = vector.multi_reduction <add>, %sqrt3A_178, %reduce_sum3A_219 [1] : vector<1x128xf32> to vector<1xf32>
    %broadcast_in_dim3A_221 = vector.shape_cast %reduce_sum3A_220 : vector<1xf32> to vector<1x1xf32>
    %div3A_222 = arith.constant 1.280000e+02 : f32
    %div3A_223 = vector.broadcast %div3A_222 : f32 to vector<1x1xf32>
    %div3A_224 = arith.divf %broadcast_in_dim3A_221, %div3A_223 : vector<1x1xf32>
    %mul3A_225 = arith.constant 6.400000e+02 : f32
    %mul3A_226 = vector.broadcast %mul3A_225 : f32 to vector<1x1xf32>
    %mul3A_227 = arith.mulf %div3A_224, %mul3A_226 : vector<1x1xf32>
    %broadcast_in_dim3A_228 = vector.shape_cast %mul3A_227 : vector<1x1xf32> to vector<1x1xf32>
    %broadcast_in_dim3A_229 = vector.broadcast %broadcast_in_dim3A_228 : vector<1x1xf32> to vector<1x128xf32>
    %swap3A_230 = arith.constant 0 : index
    %swap3A_231 = arith.constant 0 : index
    %swap3A_232 = arith.constant 0 : index
    %swap3A_233 = vector.load %arg9[%swap3A_230, %swap3A_231, %swap3A_232] : memref<1x1x128xf32, #tpu.memory_space<vmem>>, vector<1x1x128xf32>
    %swap3A_234 = vector.shape_cast %swap3A_233 : vector<1x1x128xf32> to vector<1x128xf32>
    %swap3A_235 = vector.shape_cast %broadcast_in_dim3A_229 : vector<1x128xf32> to vector<1x1x128xf32>
    tpu.vector_store %arg9[%swap3A_230, %swap3A_231, %swap3A_232], %swap3A_235 {strides = array<i32>} : memref<1x1x128xf32, #tpu.memory_space<vmem>>, vector<1x1x128xf32>,
    %get3A_236 = arith.constant 0 : index
    %get3A_237 = arith.constant 0 : index
    %get3A_238 = vector.load %arg7[%get3A_236, %get3A_237] : memref<128x128xf32, #tpu.memory_space<vmem>>, vector<128x128xf32>
    %dot_general3A_239 = arith.constant dense<0.000000e+00> : vector<1x128xf32>
    %dot_general3A_240 = tpu.matmul %mul3A_154, %get3A_238, %dot_general3A_239 {dimension_numbers = #tpu.dot_dimension_numbers<[1], [0], [0], [1], [0, 0, 1, 1], [], []>, transpose_lhs_hint = false} : vector<1x128xf32>, vector<128x128xf32>, vector<1x128xf32> -> vector<1x128xf32>
    %get3A_241 = arith.constant 0 : index
    %get3A_242 = arith.constant 0 : index
    %get3A_243 = vector.load %arg7[%get3A_241, %get3A_242] : memref<128x128xf32, #tpu.memory_space<vmem>>, vector<128x128xf32>
    %dot_general3A_244 = arith.constant dense<0.000000e+00> : vector<1x128xf32>
    %dot_general3A_245 = tpu.matmul %mul3A_163, %get3A_243, %dot_general3A_244 {dimension_numbers = #tpu.dot_dimension_numbers<[1], [0], [0], [1], [0, 0, 1, 1], [], []>, transpose_lhs_hint = false} : vector<1x128xf32>, vector<128x128xf32>, vector<1x128xf32> -> vector<1x128xf32>
    %get3A_246 = arith.constant 0 : index
    %get3A_247 = arith.constant 0 : index
    %get3A_248 = vector.load %arg7[%get3A_246, %get3A_247] : memref<128x128xf32, #tpu.memory_space<vmem>>, vector<128x128xf32>
    %dot_general3A_249 = arith.constant dense<0.000000e+00> : vector<1x128xf32>
    %dot_general3A_250 = tpu.matmul %mul3A_172, %get3A_248, %dot_general3A_249 {dimension_numbers = #tpu.dot_dimension_numbers<[1], [0], [0], [1], [0, 0, 1, 1], [], []>, transpose_lhs_hint = false} : vector<1x128xf32>, vector<128x128xf32>, vector<1x128xf32> -> vector<1x128xf32>
    %mul3A_251 = arith.mulf %dot_general3A_240, %dot_general3A_240 : vector<1x128xf32>
    %mul3A_252 = arith.mulf %dot_general3A_245, %dot_general3A_245 : vector<1x128xf32>
    %add3A_253 = arith.addf %mul3A_251, %mul3A_252 : vector<1x128xf32>
    %mul3A_254 = arith.mulf %dot_general3A_250, %dot_general3A_250 : vector<1x128xf32>
    %add3A_255 = arith.addf %add3A_253, %mul3A_254 : vector<1x128xf32>
    %sqrt3A_256 = math.sqrt %add3A_255 : vector<1x128xf32>
    %max3A_257 = arith.constant 9.99999996E-13 : f32
    %max3A_258 = vector.broadcast %max3A_257 : f32 to vector<1x128xf32>
    %max3A_259 = arith.maximumf %sqrt3A_256, %max3A_258 : vector<1x128xf32>
    %div3A_260 = arith.divf %dot_general3A_240, %max3A_259 : vector<1x128xf32>
    %max3A_261 = arith.constant 9.99999996E-13 : f32
    %max3A_262 = vector.broadcast %max3A_261 : f32 to vector<1x128xf32>
    %max3A_263 = arith.maximumf %sqrt3A_256, %max3A_262 : vector<1x128xf32>
    %div3A_264 = arith.divf %dot_general3A_245, %max3A_263 : vector<1x128xf32>
    %max3A_265 = arith.constant 9.99999996E-13 : f32
    %max3A_266 = vector.broadcast %max3A_265 : f32 to vector<1x128xf32>
    %max3A_267 = arith.maximumf %sqrt3A_256, %max3A_266 : vector<1x128xf32>
    %div3A_268 = arith.divf %dot_general3A_250, %max3A_267 : vector<1x128xf32>
    %mul3A_269 = arith.mulf %sqrt3A_256, %sqrt3A_256 : vector<1x128xf32>
    %reduce_sum3A_270 = arith.constant dense<0.000000e+00> : vector<1xf32>
    %reduce_sum3A_271 = vector.multi_reduction <add>, %mul3A_269, %reduce_sum3A_270 [1] : vector<1x128xf32> to vector<1xf32>
    %broadcast_in_dim3A_272 = vector.shape_cast %reduce_sum3A_271 : vector<1xf32> to vector<1x1xf32>
    %sqrt3A_273 = math.sqrt %broadcast_in_dim3A_272 : vector<1x1xf32>
    %mul3A_274 = arith.mulf %div3A_260, %sqrt3A_256 : vector<1x128xf32>
    %max3A_275 = arith.constant 9.99999996E-13 : f32
    %max3A_276 = vector.broadcast %max3A_275 : f32 to vector<1x1xf32>
    %max3A_277 = arith.maximumf %sqrt3A_273, %max3A_276 : vector<1x1xf32>
    %div3A_278 = vector.broadcast %max3A_277 : vector<1x1xf32> to vector<1x128xf32>
    %div3A_279 = arith.divf %mul3A_274, %div3A_278 : vector<1x128xf32>
    %mul3A_280 = arith.mulf %div3A_264, %sqrt3A_256 : vector<1x128xf32>
    %max3A_281 = arith.constant 9.99999996E-13 : f32
    %max3A_282 = vector.broadcast %max3A_281 : f32 to vector<1x1xf32>
    %max3A_283 = arith.maximumf %sqrt3A_273, %max3A_282 : vector<1x1xf32>
    %div3A_284 = vector.broadcast %max3A_283 : vector<1x1xf32> to vector<1x128xf32>
    %div3A_285 = arith.divf %mul3A_280, %div3A_284 : vector<1x128xf32>
    %mul3A_286 = arith.mulf %div3A_268, %sqrt3A_256 : vector<1x128xf32>
    %max3A_287 = arith.constant 9.99999996E-13 : f32
    %max3A_288 = vector.broadcast %max3A_287 : f32 to vector<1x1xf32>
    %max3A_289 = arith.maximumf %sqrt3A_273, %max3A_288 : vector<1x1xf32>
    %div3A_290 = vector.broadcast %max3A_289 : vector<1x1xf32> to vector<1x128xf32>
    %div3A_291 = arith.divf %mul3A_286, %div3A_290 : vector<1x128xf32>
    %mul3A_292 = arith.mulf %div3A_279, %div3A_201 : vector<1x128xf32>
    %mul3A_293 = arith.mulf %div3A_285, %div3A_207 : vector<1x128xf32>
    %add3A_294 = arith.addf %mul3A_292, %mul3A_293 : vector<1x128xf32>
    %mul3A_295 = arith.mulf %div3A_291, %div3A_213 : vector<1x128xf32>
    %add3A_296 = arith.addf %add3A_294, %mul3A_295 : vector<1x128xf32>
    %swap3A_297 = arith.constant 0 : index
    %swap3A_298 = arith.constant 0 : index
    %swap3A_299 = arith.constant 0 : index
    %swap3A_300 = vector.load %arg10[%swap3A_297, %swap3A_298, %swap3A_299] : memref<1x1x128xf32, #tpu.memory_space<vmem>>, vector<1x1x128xf32>
    %swap3A_301 = vector.shape_cast %swap3A_300 : vector<1x1x128xf32> to vector<1x128xf32>
    %swap3A_302 = vector.shape_cast %add3A_296 : vector<1x128xf32> to vector<1x1x128xf32>
    tpu.vector_store %arg10[%swap3A_297, %swap3A_298, %swap3A_299], %swap3A_302 {strides = array<i32>} : memref<1x1x128xf32, #tpu.memory_space<vmem>>, vector<1x1x128xf32>,
    return
  }
  func.func @transform_0(%arg0: i32) -> (i32, i32, i32) {
    %c0_i32 = arith.constant 0 : i32
    %c0_i32_0 = arith.constant 0 : i32
    %c0_i32_1 = arith.constant 0 : i32
    return %arg0, %c0_i32, %c0_i32_0 : i32, i32, i32
  }
  func.func @transform_1(%arg0: i32) -> (i32, i32, i32) {
    %c0_i32 = arith.constant 0 : i32
    %c0_i32_0 = arith.constant 0 : i32
    %c0_i32_1 = arith.constant 0 : i32
    return %arg0, %c0_i32, %c0_i32_0 : i32, i32, i32
  }
  func.func @transform_2(%arg0: i32) -> (i32, i32, i32) {
    %c0_i32 = arith.constant 0 : i32
    %c0_i32_0 = arith.constant 0 : i32
    %c0_i32_1 = arith.constant 0 : i32
    return %arg0, %c0_i32, %c0_i32_0 : i32, i32, i32
  }
  func.func @transform_3(%arg0: i32) -> (i32, i32, i32) {
    %c0_i32 = arith.constant 0 : i32
    %c0_i32_0 = arith.constant 0 : i32
    %c0_i32_1 = arith.constant 0 : i32
    return %arg0, %c0_i32, %c0_i32_0 : i32, i32, i32
  }
  func.func @transform_4(%arg0: i32) -> (i32, i32) {
    %c0_i32 = arith.constant 0 : i32
    %c0_i32_0 = arith.constant 0 : i32
    %c0_i32_1 = arith.constant 0 : i32
    return %c0_i32, %c0_i32_0 : i32, i32
  }
  func.func @transform_5(%arg0: i32) -> (i32, i32) {
    %c0_i32 = arith.constant 0 : i32
    %c0_i32_0 = arith.constant 0 : i32
    %c0_i32_1 = arith.constant 0 : i32
    return %c0_i32, %c0_i32_0 : i32, i32
  }
  func.func @transform_6(%arg0: i32) -> (i32, i32) {
    %c0_i32 = arith.constant 0 : i32
    %c0_i32_0 = arith.constant 0 : i32
    %c0_i32_1 = arith.constant 0 : i32
    return %c0_i32, %c0_i32_0 : i32, i32
  }
  func.func @transform_7(%arg0: i32) -> (i32, i32, i32) {
    %c0_i32 = arith.constant 0 : i32
    %c0_i32_0 = arith.constant 0 : i32
    %c0_i32_1 = arith.constant 0 : i32
    return %arg0, %c0_i32, %c0_i32_0 : i32, i32, i32
  }
  func.func @transform_8(%arg0: i32) -> (i32, i32, i32) {
    %c0_i32 = arith.constant 0 : i32
    %c0_i32_0 = arith.constant 0 : i32
    %c0_i32_1 = arith.constant 0 : i32
    return %arg0, %c0_i32, %c0_i32_0 : i32, i32, i32
  }
  func.func @transform_9(%arg0: i32) -> (i32, i32, i32) {
    %c0_i32 = arith.constant 0 : i32
    %c0_i32_0 = arith.constant 0 : i32
    %c0_i32_1 = arith.constant 0 : i32
    return %arg0, %c0_i32, %c0_i32_0 : i32, i32, i32
  }
}

</mosaic_0001>

<sc_bundles>
// kernel: kernel.16.cloned.1.call-start
scs
__scs_entry_jumppad:
0x0: {  	(pc) =	sbr.rel $0x88, $3  }
0x1: {  	(tag) =	ssettag $0x0;
	lr =	simm.s32 $0x1  }
0x2: {  	[smem:$0x3F8D] =	sst lr;
	_ =	strace $0xD0000000  }
0x3: {  	_ = 	snop  }
0x4: {  	_ = 	snop  }
0x5: {  	_ = 	snop  }
0x6: {  	_ = 	snop  }
0x7: {  	_ = 	snop  }
__scs_overlays_trampoline_lowered:
0x8: {  	[smem:$0x3F9C] =	sst s0  }
0x9: {  	[smem:$0x3F9D] =	sst s1  }
0xa: {  	[smem:$0x3F9E] =	sst s2  }
0xb: {  	[smem:$0x3F9F] =	sst s3  }
0xc: {  	[smem:$0x3FA0] =	sst s4  }
0xd: {  	[smem:$0x3FA1] =	sst s5  }
0xe: {  	[smem:$0x3FA2] =	sst s6  }
0xf: {  	[smem:$0x3FA3] =	sst s7  }
0x10: {  	[smem:$0x3FA4] =	sst s8  }
0x11: {  	[smem:$0x3FA5] =	sst s9;
	s0 =	simm.s32 @!p0 $0x0  }
0x12: {  	s1 =	sld [smem:$0x3F8B];
	s0 =	simm.s32 @p0 $0x1  }
0x13: {  	[smem:$0x3FA6] =	sst s0;
	s0 =	simm.s32 @!p1 $0x0  }
0x14: {  	s2 =	sld [smem:$0x3F8A];
	s0 =	simm.s32 @p1 $0x1  }
0x15: {  	[smem:$0x3FA7] =	sst s0;
	s0 =	simm.s32 @!p2 $0x0  }
0x16: {  	s3 =	sld [smem:$0x3FDB];
	s0 =	simm.s32 @p2 $0x1  }
0x17: {  	s4 =	simm.s32 $0x1BF5;
	[smem:$0x3FA9] =	sst s0  }
0x18: {  	s0 =	sld [smem:$0x3F8C];
	_ =	swait.ge [sflag:s4], $0x0  }
0x19: {  	s7 =	sld [smem:$0x3F8D]  }
0x1a: {  	s8 =	sadd.s32 $0xFFFFE003, lr  }
0x1b: {  	s9 =	sadd.s32 $0xFFFFFEF7, lr;
	s5 =	simm.s32 $0xFFFFFFFF;
	p2 =	slt.u32 s8, $0xFFFFF086  }
0x1c: {  	p1 =	slt.u32 s9, $0xF7A;
	s5 =	simm.s32 @!p2 $0x0  }
0x1d: {  	s5 =	simm.s32 @p1 $0x1;
	p0 =	seq.s32 s7, s2  }
0x1e: {  	s7 =	smul.u32 @!p0 $0xF7A, s2;
	p2 =	seq.s32 @!p0 s5, $0x0  }
0x1f: {  	s9 =	smul.u32 $0xF7A, s1;
	s8 =	simm.s32 @!p0 $0x1BF5;
	p2 =	por !p2, p0  }
0x20: {  	[sflag:s8] =	ssyncset.s32 @!p0 $0xFFFFF086;
	s6 =	sadd.s32 @!p0 s3, s7;
	s7 =	simm.s32 @!p0 $0x108  }
0x21: {  	s3 =	sadd.s32 s3, s9;
	s6 =	sadd.s32 @!p0 $0x88, s6;
	s7 =	simm.s32 @p2 $0x1082  }
0x22: {  	[simem:s7], [sflag:s8] =	dma.local @!p0 [hbm:s6], $0xF7A  }
0x23: {  	s9 =	sor.u32 $0xD0000000, s2;
	s6 =	simm.s32 $0x108;
	_ =	swait.ge @!p0 [sflag:s8], $0x0  }
0x24: {  	s3 =	sadd.s32 $0x88, s3;
	s6 =	simm.s32 @!p1 $0x1082;
	[sflag:s4] =	ssyncset.s32 $0xFFFFF086  }
0x25: {  	[simem:s6], [sflag:s4] =	dma.local [hbm:s3], $0xF7A  }
0x26: {  	[smem:$0x3F8D] =	sst s1;
	(tag) =	ssettag s2;
	_ =	strace s9  }
0x27: {  	s1 =	sld [smem:$0x3F9D]  }
0x28: {  	s2 =	sld [smem:$0x3F9E]  }
0x29: {  	s4 =	sld [smem:$0x3FA0]  }
0x2a: {  	p0 =	seq.s32 s5, $0x0;
	s5 =	sld [smem:$0x3FA1]  }
0x2b: {  	s6 =	sld [smem:$0x3FA2]  }
0x2c: {  	s7 =	sld [smem:$0x3FA3]  }
0x2d: {  	s3 =	simm.s32 $0x108;
	s8 =	sld [smem:$0x3FA4]  }
0x2e: {  	s3 =	simm.s32 @!p0 $0x1082;
	s9 =	sld [smem:$0x3FA5]  }
0x2f: {  	lr =	sadd.s32 s0, s3;
	s0 =	sld [smem:$0x3F9C]  }
0x30: {  	s3 =	sld [smem:$0x3F9F]  }
0x31: {  	[smem:$0x3FA8] =	sst s10  }
0x32: {  	s10 =	sld [smem:$0x3FA6];
	_ =	sdelay $0x3  }
0x33: {  	p0 =	seq.s32 s10, $0x1;
	s10 =	sld [smem:$0x3FA8];
	_ =	sdelay $0x3  }
0x34: {  	[smem:$0x3FA8] =	sst s10  }
0x35: {  	s10 =	sld [smem:$0x3FA7];
	_ =	sdelay $0x3  }
0x36: {  	p1 =	seq.s32 s10, $0x1;
	s10 =	sld [smem:$0x3FA8];
	_ =	sdelay $0x3  }
0x37: {  	[smem:$0x3FA8] =	sst s10  }
0x38: {  	s10 =	sld [smem:$0x3FA9]  }
0x39: {  	_ = 	snop;
	(pc) =	sbr.ind lr, $3  }
0x3a: {  	_ = 	snop  }
0x3b: {  	_ = 	snop  }
0x3c: {  	p2 =	seq.s32 s10, $0x1;
	s10 =	sld [smem:$0x3FA8]  }
0x3d: {  	_ =	shalt  }
0x3e: {  	_ =	shalt  }
0x3f: {  	_ =	shalt  }
0x40: {  	_ =	shalt  }
0x41: {  	_ =	shalt  }
0x42: {  	_ =	shalt  }
0x43: {  	_ =	shalt  }
0x44: {  	_ =	shalt  }
0x45: {  	_ =	shalt  }
0x46: {  	_ =	shalt  }
0x47: {  	_ =	shalt  }
0x48: {  	_ =	shalt  }
0x49: {  	_ =	shalt  }
0x4a: {  	_ =	shalt  }
0x4b: {  	_ =	shalt  }
0x4c: {  	_ =	shalt  }
0x4d: {  	_ =	shalt  }
0x4e: {  	_ =	shalt  }
0x4f: {  	_ =	shalt  }
0x50: {  	_ =	shalt  }
0x51: {  	_ =	shalt  }
0x52: {  	_ =	shalt  }
0x53: {  	_ =	shalt  }
0x54: {  	_ =	shalt  }
0x55: {  	_ =	shalt  }
0x56: {  	_ =	shalt  }
0x57: {  	_ =	shalt  }
0x58: {  	_ =	shalt  }
0x59: {  	_ =	shalt  }
0x5a: {  	_ =	shalt  }
0x5b: {  	_ =	shalt  }
0x5c: {  	_ =	shalt  }
0x5d: {  	_ =	shalt  }
0x5e: {  	_ =	shalt  }
0x5f: {  	_ =	shalt  }
0x60: {  	_ =	shalt  }
0x61: {  	_ =	shalt  }
0x62: {  	_ =	shalt  }
0x63: {  	_ =	shalt  }
0x64: {  	_ =	shalt  }
0x65: {  	_ =	shalt  }
0x66: {  	_ =	shalt  }
0x67: {  	_ =	shalt  }
0x68: {  	_ =	shalt  }
0x69: {  	_ =	shalt  }
0x6a: {  	_ =	shalt  }
0x6b: {  	_ =	shalt  }
0x6c: {  	_ =	shalt  }
0x6d: {  	_ =	shalt  }
0x6e: {  	_ =	shalt  }
0x6f: {  	_ =	shalt  }
0x70: {  	_ =	shalt  }
0x71: {  	_ =	shalt  }
0x72: {  	_ =	shalt  }
0x73: {  	_ =	shalt  }
0x74: {  	_ =	shalt  }
0x75: {  	_ =	shalt  }
0x76: {  	_ =	shalt  }
0x77: {  	_ =	shalt  }
0x78: {  	_ =	shalt  }
0x79: {  	_ =	shalt  }
0x7a: {  	_ =	shalt  }
0x7b: {  	_ =	shalt  }
0x7c: {  	_ =	shalt  }
0x7d: {  	_ =	shalt  }
0x7e: {  	_ =	shalt  }
0x7f: {  	_ =	shalt  }
0x80: {  	_ =	shalt  }
0x81: {  	_ =	shalt  }
0x82: {  	_ =	shalt  }
0x83: {  	_ =	shalt  }
0x84: {  	_ =	shalt  }
0x85: {  	_ =	shalt  }
0x86: {  	_ =	shalt  }
0x87: {  	_ =	shalt  }
.Lfunc_end0:
.L_simem_size_0:
called_computation_lowered:
.L_overlay_start_0:
0x88: {  	s2 =	sld [smem:$0x3FD9]  }
0x89: {  	s3 =	sld [smem:$0x3FFE];
	_ =	sdelay $0x1  }
0x8a: {  	s1 =	srdreg.scid  }
0x8b: {  	s0 =	sand.u32 $0x1, s1  }
0x8c: {  	s16 =	sshll.u32 s0, $0xA;
	s2 =	sadd.s32 s3, s2  }
0x8d: {  	s2 =	sadd.s32 s2, s16  }
0x8e: {  	[smem:$0x3FB4] =	sst s2  }
0x8f: {  	_ = 	snop  }
0x90: {  	(tm) =	ssettm $0x1  }
0x91: {  	s17 =	sld [smem:$0x3FFB];
	_ =	sdelay $0x3  }
0x92: {  	_ =	strace s17  }
0x93: {  	s2 =	sld [smem:$0x3FFC];
	_ =	sdelay $0x3  }
0x94: {  	_ =	strace s2  }
0x95: {  	s2 =	sld [smem:$0x3FFD];
	_ =	sdelay $0x3  }
0x96: {  	_ =	strace s2  }
0x97: {  	_ =	strace $0x8FFFFFFF  }
0x98: {  	s18 =	sld [smem:$0x3FDB];
	_ =	sdelay $0x1  }
0x99: {  	s19 =	simm.s32 $_scs_section_size  }
0x9a: {  	s4 =	simm.s32 $_size__tile_overlayer_lowered;
	s5 =	simm.s32 $_tile_overlayer_lowered  }
0x9b: {  	s22 =	simm.s32 $0x1BFF;
	s21 =	sshll.u32 s5, $0x1;
	s2 =	sadd.s32 s19, s18  }
0x9c: {  	s6 =	simm.s32 $0x0;
	s20 =	sshll.u32 s4, $0x1;
	s4 =	sadd.s32 s21, s2  }
0x9d: {  	[timem:s6], [sflag:s22] =	dma.local [hbm:s4], s20  }
0x9e: {  	_ =	swait.ge [sflag:s22], s20  }
0x9f: {  	s3 =	ssub.s32 $0x0, s20;
	[sflag:s22] =	ssyncset.done $0x0  }
0xa0: {  	[sflag:s22] =	ssyncadd.s32 s3;
	_ =	sdelay $0x1  }
0xa1: {  	s23 =	simm.s32 $0x1B8B  }
0xa2: {  	_ =	swait.ge [sflag:s23], $0x1  }
0xa3: {  	[sflag:s23] =	ssyncset.done $0x0  }
0xa4: {  	s25 =	simm.s32 $0x1B8E;
	s24 =	sld [smem:$0x3FFE];
	[sflag:s23] =	ssyncadd.s32 $0xFFFFFFFF  }
0xa5: {  	s26 =	simm.s32 $execute0_lowered;
	[smem:$0x3FD2] =	sst s25  }
0xa6: {  	s4 =	sshll.u32 s26, $0x1;
	_ =	strace $0x80000046;
	[dreg:$0x1] =	wrdreg $0xFFFFFFFF  }
0xa7: {  	s28 =	simm.s32 $_size_execute0_lowered;
	s2 =	sadd.s32 s2, s4;
	[dreg:$0x0] =	wrdreg $0x0  }
0xa8: {  	s4 =	sshll.u32 s28, $0x1;
	[dreg:$0x2] =	wrdreg s2  }
0xa9: {  	[dreg:$0x3] =	wrdreg s4  }
0xaa: {  	[dreg:$0x4] =	wrdreg $0xC0  }
0xab: {  	_ =	task [dreg:s6], $0x5FFFF  }
0xac: {  	[dreg:$0x1] =	wrdreg $0xFFFFFFFF  }
0xad: {  	[dreg:$0x0] =	wrdreg $0x60  }
0xae: {  	[dreg:$0x2] =	wrdreg s24  }
0xaf: {  	[dreg:$0x3] =	wrdreg $0x9  }
0xb0: {  	_ =	task.clear_ibuf [dreg:s6], $0x4FFFF;
	_ =	strace $0x90000046  }
0xb1: {  	s29 =	simm.s32 $0x9;
	_ =	strace $0x80000048  }
0xb2: {  	_ =	swait.ge [sflag:s29], $0x1  }
0xb3: {  	[sflag:s29] =	ssyncadd.s32 $0xFFFFFFFF  }
0xb4: {  	_ =	strace $0x90000048  }
0xb5: {  	_ =	sfence  }
0xb6: {  	s30 =	sld [smem:$0x0];
	_ =	sdelay $0x2  }
0xb7: {  	s31 =	sshll.u32 s1, $0xD;
	s1 =	sshrl.u32 s1, $0x2  }
0xb8: {  	s3 =	sand.u32 $0x4000, s31;
	s1 =	sadd.s32 s1, s30  }
0xb9: {  	s0 =	sor.u32 s3, s0;
	s1 =	sshll.u32 s1, $0x11  }
0xba: {  	s0 =	sor.u32 s1, s0  }
0xbb: {  	s0 =	sadd.s32 $0x8F2B, s0  }
0xbc: {  	[sflag:s0] =	ssyncadd.remote.s32 $0x1  }
0xbd: {  	_ =	sfence.sel $0xFFFF  }
0xbe: {  	[dreg:$0x0] =	wrdreg $0xFFFFFFFF;
	(pc) =	sbr.abs _section_cstart, $3  }
0xbf: {  	[dreg:$0x1] =	wrdreg $0xFFFFFFFF  }
0xc0: {  	_ =	task.clear_ibuf [dreg:s6], $0x2FFFF;
	_ =	strace $0x9FFFFFFF  }
0xc1: {  	(tm) =	ssettm $0x7FFFFFFF  }
tec
execute0_lowered:
.L_overlay_start_1:
0x0: {  	(tag) =	ssettag $0x1  }
0x1: {  	s4 =	rddreg [dreg:$0x0]  }
0x2: {  	s0 =	rddreg [dreg:$0x1]  }
0x3: {  	s2 =	simm.s32 $0x0;
	s3 =	srdreg.scid;
	s1 =	stileid.u32  }
0x4: {  	s10 =	simm.s32 $0x1;
	s11 =	simm.s32 $0x0;
	[smem:$0x7FF] =	sst s2  }
0x5: {  	s5 =	sand.u32 $0x1, s3;
	s3 =	sadd.s32 $0x5E00, s4;
	s6 =	sshll.u32 s1, $0xB  }
0x6: {  	s31 =	sshll.u32 s1, $0xF;
	_ =	strace $0x80000047;
	s7 =	sshll.u32 s5, $0xA  }
0x7: {  	s8 =	ssub.s32 $0x2, s5;
	s5 =	sshll.u32 s5, $0xE;
	s6 =	sor.u32 s7, s6  }
0x8: {  	s7 =	sadd.s32 s31, s4;
	s9 =	sshrl.u32 s8, $0x1;
	s6 =	sshrl.u32 s6, $0x3  }
0x9: {  	s8 =	ssub.s32 s8, s9;
	s5 =	sadd.s32 s5, s7;
	s7 =	simm.s32 $0x2  }
0xa: {  	s9 =	simm.s32 $0x80;
	s6 =	sadd.s32 s6, s4;
	s4 =	smax.u32 s8, $0x1  }
0xb: {  	s5 =	sadd.s32 $0xDE00, s5;
	s8 =	simm.s32 $0x40;
	s6 =	sadd.s32 $0x4E00, s6  }
.LBB2_1:
0xc: {  	s12 =	sadd.s32 $0x0, s6  }
0xd: {  	[tilespmem:s2], [sflag:$0x2] =	stream.linear.gather [hbm4b:s12+s2], $0x40, $0x38;
	[tilespmem:$0x2080] =	vst v63  }
0xe: {  	_ =	swait.ge [sflag:s7], $0x40  }
0xf: {  	[sflag:s7] =	ssyncset.done $0x0  }
0x10: {  	[sflag:s7] =	ssyncadd.s32 $0xFFFFFFC0  }
0x11: {  	[tilespmem:s9], [sflag:$0x1] =	stream.indirect.gather [hbm4b:s3+s8], $0x80, s2, s8, $0xb8;
	[tilespmem:$0x2080] =	vst v63  }
0x12: {  	_ =	swait.ge [sflag:s10], $0x2000  }
0x13: {  	[sflag:s10] =	ssyncset.done $0x0  }
0x14: {  	[sflag:s10] =	ssyncadd.s32 $0xFFFFE000  }
0x15: {  	[hbm4b:s5+s2] =	stream.linear.scatter [tilespmem:s9], [sflag:$0x2], $0x2000, $0x38;
	[tilespmem:$0x2080] =	vst v63  }
0x16: {  	s13 =	simm.s32 $0x8;
	_ =	swait.ge [sflag:s7], $0x2000  }
0x17: {  	s14 =	simm.s32 $0x10;
	s12 =	sadd.s32 $0x400, s5;
	[sflag:s7] =	ssyncset.done $0x0  }
.LBB2_2:
0x18: {  	s15 =	sadd.s32 s13, s6  }
0x19: {  	[sflag:s7] =	ssyncadd.s32 $0xFFFFE000;
	s13 =	smov.u32 s14;
	s16 =	sadd.s32 $0x8, s14  }
0x1a: {  	[tilespmem:s2], [sflag:$0x2] =	stream.linear.gather [hbm4b:s15+s2], $0x40, $0x38;
	[tilespmem:$0x2080] =	vst v63  }
0x1b: {  	p0 =	sne.s32 s14, $0x78;
	_ =	swait.ge [sflag:s7], $0x40  }
0x1c: {  	[sflag:s7] =	ssyncset.done $0x0  }
0x1d: {  	[sflag:s7] =	ssyncadd.s32 $0xFFFFFFC0  }
0x1e: {  	[tilespmem:s9], [sflag:$0x1] =	stream.indirect.gather [hbm4b:s3+s8], $0x80, s2, s8, $0xb8;
	[tilespmem:$0x2080] =	vst v63  }
0x1f: {  	_ =	swait.ge [sflag:s10], $0x2000  }
.Ltmp0:
0x20: {  	[sflag:s10] =	ssyncset.done $0x0;
	(pc) =	sbr.rel @p0 .LBB2_2-.Ltmp0, $4  }
0x21: {  	[sflag:s10] =	ssyncadd.s32 $0xFFFFE000  }
0x22: {  	[hbm4b:s12+s2] =	stream.linear.scatter [tilespmem:s9], [sflag:$0x2], $0x2000, $0x38;
	[tilespmem:$0x2080] =	vst v63  }
0x23: {  	_ =	swait.ge [sflag:s7], $0x2000  }
0x24: {  	s14 =	smov.u32 s16;
	s12 =	sadd.s32 $0x400, s12;
	[sflag:s7] =	ssyncset.done $0x0  }
0x25: {  	s13 =	sadd.s32 s13, s6;
	[sflag:s7] =	ssyncadd.s32 $0xFFFFE000  }
0x26: {  	[tilespmem:s2], [sflag:$0x2] =	stream.linear.gather [hbm4b:s13+s2], $0x40, $0x38;
	[tilespmem:$0x2080] =	vst v63  }
0x27: {  	_ =	swait.ge [sflag:s7], $0x40  }
0x28: {  	[sflag:s7] =	ssyncset.done $0x0  }
0x29: {  	[sflag:s7] =	ssyncadd.s32 $0xFFFFFFC0  }
0x2a: {  	[tilespmem:s9], [sflag:$0x1] =	stream.indirect.gather [hbm4b:s3+s8], $0x80, s2, s8, $0xb8;
	[tilespmem:$0x2080] =	vst v63  }
0x2b: {  	s11 =	sadd.s32 $0x1, s11;
	_ =	swait.ge [sflag:s10], $0x2000  }
0x2c: {  	p0 =	sne.s32 s11, s4;
	[sflag:s10] =	ssyncset.done $0x0  }
.Ltmp1:
0x2d: {  	[sflag:s10] =	ssyncadd.s32 $0xFFFFE000;
	(pc) =	sbr.rel @p0 .LBB2_1-.Ltmp1, $4  }
0x2e: {  	[hbm4b:s12+s2] =	stream.linear.scatter [tilespmem:s9], [sflag:$0x2], $0x2000, $0x38;
	[tilespmem:$0x2080] =	vst v63  }
0x2f: {  	_ =	swait.ge [sflag:s7], $0x2000  }
0x30: {  	[sflag:s7] =	ssyncset.done $0x0  }
0x31: {  	[sflag:s7] =	ssyncadd.s32 $0xFFFFE000  }
0x32: {  	_ =	sfence.sel $0x180000  }
0x33: {  	[bflag:$0x0] =	sbarrier.arrive $0xFFFF  }
0x34: {  	p0 =	sne.s32 s1, $0x0;
	_ =	strace $0x90000047  }
0x35: {  	s0 =	sadd.s32 @!p0 $0x100000, s0;
	[bflag:$0x2] =	sbarrier.arrive $0xFFFF  }
0x36: {  	[sflag:s0] =	ssyncadd.tile.s32 @!p0 $0x1;
	_ =	shalt  }
.Lfunc_end2:
_tile_overlayer_lowered:
.L_overlay_start_2:
0x37: {  	(tag) =	ssettag $0x2  }
0x38: {  	s0 =	rddreg [dreg:$0x0];
	s2 =	stileid.u32  }
0x39: {  	s1 =	rddreg [dreg:$0x1];
	p0 =	sne.s32 s2, $0x0  }
0x3a: {  	s3 =	rddreg [dreg:$0x2];
	[bflag:$0x3] =	sbarrier.arrive $0xFFFF;
	s2 =	simm.s32 @!p0 $0x1C02  }
0x3b: {  	[timem:s3], [sflag:s2] =	dma.local @!p0 [hbm:s0], s1  }
0x3c: {  	s0 =	simm.s32 @!p0 $0x2  }
0x3d: {  	_ =	swait.ge @!p0 [sflag:s0], s1  }
0x3e: {  	s1 =	ssub.s32 @!p0 $0x0, s1;
	[sflag:s0] =	ssyncset.done @!p0 $0x0  }
0x3f: {  	[sflag:s0] =	ssyncadd.s32 @!p0 s1  }
0x40: {  	[bflag:$0x3] =	sbarrier.arrive $0xFFFF  }
0x41: {  	_ =	shalt  }

// kernel: kernel.19.cloned.1.call-start
scs
__scs_entry_jumppad:
0x0: {  	(pc) =	sbr.rel $0x88, $3  }
0x1: {  	(tag) =	ssettag $0x0;
	lr =	simm.s32 $0x1  }
0x2: {  	[smem:$0x3F8D] =	sst lr;
	_ =	strace $0xD0000000  }
0x3: {  	_ = 	snop  }
0x4: {  	_ = 	snop  }
0x5: {  	_ = 	snop  }
0x6: {  	_ = 	snop  }
0x7: {  	_ = 	snop  }
__scs_overlays_trampoline_lowered:
0x8: {  	[smem:$0x3F9C] =	sst s0  }
0x9: {  	[smem:$0x3F9D] =	sst s1  }
0xa: {  	[smem:$0x3F9E] =	sst s2  }
0xb: {  	[smem:$0x3F9F] =	sst s3  }
0xc: {  	[smem:$0x3FA0] =	sst s4  }
0xd: {  	[smem:$0x3FA1] =	sst s5  }
0xe: {  	[smem:$0x3FA2] =	sst s6  }
0xf: {  	[smem:$0x3FA3] =	sst s7  }
0x10: {  	[smem:$0x3FA4] =	sst s8  }
0x11: {  	[smem:$0x3FA5] =	sst s9;
	s0 =	simm.s32 @!p0 $0x0  }
0x12: {  	s1 =	sld [smem:$0x3F8B];
	s0 =	simm.s32 @p0 $0x1  }
0x13: {  	[smem:$0x3FA6] =	sst s0;
	s0 =	simm.s32 @!p1 $0x0  }
0x14: {  	s2 =	sld [smem:$0x3F8A];
	s0 =	simm.s32 @p1 $0x1  }
0x15: {  	[smem:$0x3FA7] =	sst s0;
	s0 =	simm.s32 @!p2 $0x0  }
0x16: {  	s3 =	sld [smem:$0x3FDB];
	s0 =	simm.s32 @p2 $0x1  }
0x17: {  	s4 =	simm.s32 $0x1BF5;
	[smem:$0x3FA9] =	sst s0  }
0x18: {  	s0 =	sld [smem:$0x3F8C];
	_ =	swait.ge [sflag:s4], $0x0  }
0x19: {  	s7 =	sld [smem:$0x3F8D]  }
0x1a: {  	s8 =	sadd.s32 $0xFFFFE003, lr  }
0x1b: {  	s9 =	sadd.s32 $0xFFFFFEF7, lr;
	s5 =	simm.s32 $0xFFFFFFFF;
	p2 =	slt.u32 s8, $0xFFFFF086  }
0x1c: {  	p1 =	slt.u32 s9, $0xF7A;
	s5 =	simm.s32 @!p2 $0x0  }
0x1d: {  	s5 =	simm.s32 @p1 $0x1;
	p0 =	seq.s32 s7, s2  }
0x1e: {  	s7 =	smul.u32 @!p0 $0xF7A, s2;
	p2 =	seq.s32 @!p0 s5, $0x0  }
0x1f: {  	s9 =	smul.u32 $0xF7A, s1;
	s8 =	simm.s32 @!p0 $0x1BF5;
	p2 =	por !p2, p0  }
0x20: {  	[sflag:s8] =	ssyncset.s32 @!p0 $0xFFFFF086;
	s6 =	sadd.s32 @!p0 s3, s7;
	s7 =	simm.s32 @!p0 $0x108  }
0x21: {  	s3 =	sadd.s32 s3, s9;
	s6 =	sadd.s32 @!p0 $0x88, s6;
	s7 =	simm.s32 @p2 $0x1082  }
0x22: {  	[simem:s7], [sflag:s8] =	dma.local @!p0 [hbm:s6], $0xF7A  }
0x23: {  	s9 =	sor.u32 $0xD0000000, s2;
	s6 =	simm.s32 $0x108;
	_ =	swait.ge @!p0 [sflag:s8], $0x0  }
0x24: {  	s3 =	sadd.s32 $0x88, s3;
	s6 =	simm.s32 @!p1 $0x1082;
	[sflag:s4] =	ssyncset.s32 $0xFFFFF086  }
0x25: {  	[simem:s6], [sflag:s4] =	dma.local [hbm:s3], $0xF7A  }
0x26: {  	[smem:$0x3F8D] =	sst s1;
	(tag) =	ssettag s2;
	_ =	strace s9  }
0x27: {  	s1 =	sld [smem:$0x3F9D]  }
0x28: {  	s2 =	sld [smem:$0x3F9E]  }
0x29: {  	s4 =	sld [smem:$0x3FA0]  }
0x2a: {  	p0 =	seq.s32 s5, $0x0;
	s5 =	sld [smem:$0x3FA1]  }
0x2b: {  	s6 =	sld [smem:$0x3FA2]  }
0x2c: {  	s7 =	sld [smem:$0x3FA3]  }
0x2d: {  	s3 =	simm.s32 $0x108;
	s8 =	sld [smem:$0x3FA4]  }
0x2e: {  	s3 =	simm.s32 @!p0 $0x1082;
	s9 =	sld [smem:$0x3FA5]  }
0x2f: {  	lr =	sadd.s32 s0, s3;
	s0 =	sld [smem:$0x3F9C]  }
0x30: {  	s3 =	sld [smem:$0x3F9F]  }
0x31: {  	[smem:$0x3FA8] =	sst s10  }
0x32: {  	s10 =	sld [smem:$0x3FA6];
	_ =	sdelay $0x3  }
0x33: {  	p0 =	seq.s32 s10, $0x1;
	s10 =	sld [smem:$0x3FA8];
	_ =	sdelay $0x3  }
0x34: {  	[smem:$0x3FA8] =	sst s10  }
0x35: {  	s10 =	sld [smem:$0x3FA7];
	_ =	sdelay $0x3  }
0x36: {  	p1 =	seq.s32 s10, $0x1;
	s10 =	sld [smem:$0x3FA8];
	_ =	sdelay $0x3  }
0x37: {  	[smem:$0x3FA8] =	sst s10  }
0x38: {  	s10 =	sld [smem:$0x3FA9]  }
0x39: {  	_ = 	snop;
	(pc) =	sbr.ind lr, $3  }
0x3a: {  	_ = 	snop  }
0x3b: {  	_ = 	snop  }
0x3c: {  	p2 =	seq.s32 s10, $0x1;
	s10 =	sld [smem:$0x3FA8]  }
0x3d: {  	_ =	shalt  }
0x3e: {  	_ =	shalt  }
0x3f: {  	_ =	shalt  }
0x40: {  	_ =	shalt  }
0x41: {  	_ =	shalt  }
0x42: {  	_ =	shalt  }
0x43: {  	_ =	shalt  }
0x44: {  	_ =	shalt  }
0x45: {  	_ =	shalt  }
0x46: {  	_ =	shalt  }
0x47: {  	_ =	shalt  }
0x48: {  	_ =	shalt  }
0x49: {  	_ =	shalt  }
0x4a: {  	_ =	shalt  }
0x4b: {  	_ =	shalt  }
0x4c: {  	_ =	shalt  }
0x4d: {  	_ =	shalt  }
0x4e: {  	_ =	shalt  }
0x4f: {  	_ =	shalt  }
0x50: {  	_ =	shalt  }
0x51: {  	_ =	shalt  }
0x52: {  	_ =	shalt  }
0x53: {  	_ =	shalt  }
0x54: {  	_ =	shalt  }
0x55: {  	_ =	shalt  }
0x56: {  	_ =	shalt  }
0x57: {  	_ =	shalt  }
0x58: {  	_ =	shalt  }
0x59: {  	_ =	shalt  }
0x5a: {  	_ =	shalt  }
0x5b: {  	_ =	shalt  }
0x5c: {  	_ =	shalt  }
0x5d: {  	_ =	shalt  }
0x5e: {  	_ =	shalt  }
0x5f: {  	_ =	shalt  }
0x60: {  	_ =	shalt  }
0x61: {  	_ =	shalt  }
0x62: {  	_ =	shalt  }
0x63: {  	_ =	shalt  }
0x64: {  	_ =	shalt  }
0x65: {  	_ =	shalt  }
0x66: {  	_ =	shalt  }
0x67: {  	_ =	shalt  }
0x68: {  	_ =	shalt  }
0x69: {  	_ =	shalt  }
0x6a: {  	_ =	shalt  }
0x6b: {  	_ =	shalt  }
0x6c: {  	_ =	shalt  }
0x6d: {  	_ =	shalt  }
0x6e: {  	_ =	shalt  }
0x6f: {  	_ =	shalt  }
0x70: {  	_ =	shalt  }
0x71: {  	_ =	shalt  }
0x72: {  	_ =	shalt  }
0x73: {  	_ =	shalt  }
0x74: {  	_ =	shalt  }
0x75: {  	_ =	shalt  }
0x76: {  	_ =	shalt  }
0x77: {  	_ =	shalt  }
0x78: {  	_ =	shalt  }
0x79: {  	_ =	shalt  }
0x7a: {  	_ =	shalt  }
0x7b: {  	_ =	shalt  }
0x7c: {  	_ =	shalt  }
0x7d: {  	_ =	shalt  }
0x7e: {  	_ =	shalt  }
0x7f: {  	_ =	shalt  }
0x80: {  	_ =	shalt  }
0x81: {  	_ =	shalt  }
0x82: {  	_ =	shalt  }
0x83: {  	_ =	shalt  }
0x84: {  	_ =	shalt  }
0x85: {  	_ =	shalt  }
0x86: {  	_ =	shalt  }
0x87: {  	_ =	shalt  }
.Lfunc_end0:
.L_simem_size_0:
called_computation.1_lowered:
.L_overlay_start_0:
0x88: {  	s2 =	sld [smem:$0x3FD9]  }
0x89: {  	s3 =	sld [smem:$0x3FFE];
	_ =	sdelay $0x1  }
0x8a: {  	s1 =	srdreg.scid  }
0x8b: {  	s0 =	sand.u32 $0x1, s1  }
0x8c: {  	s16 =	sshll.u32 s0, $0xA;
	s2 =	sadd.s32 s3, s2  }
0x8d: {  	s2 =	sadd.s32 s2, s16  }
0x8e: {  	[smem:$0x3FB4] =	sst s2  }
0x8f: {  	_ = 	snop  }
0x90: {  	(tm) =	ssettm $0x1  }
0x91: {  	s17 =	sld [smem:$0x3FFB];
	_ =	sdelay $0x3  }
0x92: {  	_ =	strace s17  }
0x93: {  	s2 =	sld [smem:$0x3FFC];
	_ =	sdelay $0x3  }
0x94: {  	_ =	strace s2  }
0x95: {  	s2 =	sld [smem:$0x3FFD];
	_ =	sdelay $0x3  }
0x96: {  	_ =	strace s2  }
0x97: {  	_ =	strace $0x8FFFFFFF  }
0x98: {  	s18 =	sld [smem:$0x3FDB];
	_ =	sdelay $0x1  }
0x99: {  	s19 =	simm.s32 $_scs_section_size  }
0x9a: {  	s4 =	simm.s32 $_size__tile_overlayer_lowered;
	s5 =	simm.s32 $_tile_overlayer_lowered  }
0x9b: {  	s22 =	simm.s32 $0x1BFF;
	s21 =	sshll.u32 s5, $0x1;
	s2 =	sadd.s32 s19, s18  }
0x9c: {  	s6 =	simm.s32 $0x0;
	s20 =	sshll.u32 s4, $0x1;
	s4 =	sadd.s32 s21, s2  }
0x9d: {  	[timem:s6], [sflag:s22] =	dma.local [hbm:s4], s20  }
0x9e: {  	_ =	swait.ge [sflag:s22], s20  }
0x9f: {  	s3 =	ssub.s32 $0x0, s20;
	[sflag:s22] =	ssyncset.done $0x0  }
0xa0: {  	[sflag:s22] =	ssyncadd.s32 s3;
	_ =	sdelay $0x1  }
0xa1: {  	s23 =	simm.s32 $0x1B8B  }
0xa2: {  	_ =	swait.ge [sflag:s23], $0x1  }
0xa3: {  	[sflag:s23] =	ssyncset.done $0x0  }
0xa4: {  	s25 =	simm.s32 $0x1B8E;
	s24 =	sld [smem:$0x3FFE];
	[sflag:s23] =	ssyncadd.s32 $0xFFFFFFFF  }
0xa5: {  	s26 =	simm.s32 $execute0_lowered;
	[smem:$0x3FD2] =	sst s25  }
0xa6: {  	s4 =	sshll.u32 s26, $0x1;
	_ =	strace $0x80000049;
	[dreg:$0x1] =	wrdreg $0xFFFFFFFF  }
0xa7: {  	s28 =	simm.s32 $_size_execute0_lowered;
	s2 =	sadd.s32 s2, s4;
	[dreg:$0x0] =	wrdreg $0x0  }
0xa8: {  	s4 =	sshll.u32 s28, $0x1;
	[dreg:$0x2] =	wrdreg s2  }
0xa9: {  	[dreg:$0x3] =	wrdreg s4  }
0xaa: {  	[dreg:$0x4] =	wrdreg $0xC0  }
0xab: {  	_ =	task [dreg:s6], $0x5FFFF  }
0xac: {  	[dreg:$0x1] =	wrdreg $0xFFFFFFFF  }
0xad: {  	[dreg:$0x0] =	wrdreg $0x60  }
0xae: {  	[dreg:$0x2] =	wrdreg s24  }
0xaf: {  	[dreg:$0x3] =	wrdreg $0x9  }
0xb0: {  	_ =	task.clear_ibuf [dreg:s6], $0x4FFFF;
	_ =	strace $0x90000049  }
0xb1: {  	s29 =	simm.s32 $0x9;
	_ =	strace $0x8000004B  }
0xb2: {  	_ =	swait.ge [sflag:s29], $0x1  }
0xb3: {  	[sflag:s29] =	ssyncadd.s32 $0xFFFFFFFF  }
0xb4: {  	_ =	strace $0x9000004B  }
0xb5: {  	_ =	sfence  }
0xb6: {  	s30 =	sld [smem:$0x0];
	_ =	sdelay $0x2  }
0xb7: {  	s31 =	sshll.u32 s1, $0xD;
	s1 =	sshrl.u32 s1, $0x2  }
0xb8: {  	s3 =	sand.u32 $0x4000, s31;
	s1 =	sadd.s32 s1, s30  }
0xb9: {  	s0 =	sor.u32 s3, s0;
	s1 =	sshll.u32 s1, $0x11  }
0xba: {  	s0 =	sor.u32 s1, s0  }
0xbb: {  	s0 =	sadd.s32 $0x8F2B, s0  }
0xbc: {  	[sflag:s0] =	ssyncadd.remote.s32 $0x1  }
0xbd: {  	_ =	sfence.sel $0xFFFF  }
0xbe: {  	[dreg:$0x0] =	wrdreg $0xFFFFFFFF;
	(pc) =	sbr.abs _section_cstart, $3  }
0xbf: {  	[dreg:$0x1] =	wrdreg $0xFFFFFFFF  }
0xc0: {  	_ =	task.clear_ibuf [dreg:s6], $0x2FFFF;
	_ =	strace $0x9FFFFFFF  }
0xc1: {  	(tm) =	ssettm $0x7FFFFFFF  }
tec
execute0_lowered:
.L_overlay_start_1:
0x0: {  	(tag) =	ssettag $0x1  }
0x1: {  	s0 =	rddreg [dreg:$0x0];
	s2 =	simm.s32 $0x0  }
0x2: {  	s25 =	simm.s32 $0x900;
	[smem:$0x7FF] =	sst s2  }
0x3: {  	s26 =	simm.s32 $0xD00;
	_ =	strace $0x8000004A;
	[dreg:$0x3] =	wrdreg s25  }
0x4: {  	s6 =	simm.s32 $0x1900;
	[dreg:$0x4] =	wrdreg s26  }
0x5: {  	s7 =	simm.s32 $0x2100;
	[dreg:$0x6] =	wrdreg s6  }
0x6: {  	s8 =	simm.s32 $0x2500;
	[dreg:$0x7] =	wrdreg s7  }
0x7: {  	s9 =	simm.s32 $0x2D00;
	[dreg:$0x8] =	wrdreg s8  }
0x8: {  	s10 =	simm.s32 $0x3100;
	[dreg:$0x9] =	wrdreg s9  }
0x9: {  	s11 =	simm.s32 $0x3900;
	[dreg:$0xa] =	wrdreg s10  }
0xa: {  	s12 =	simm.s32 $0x3D00;
	[dreg:$0xb] =	wrdreg s11  }
0xb: {  	s13 =	simm.s32 $0x4500;
	[dreg:$0xc] =	wrdreg s12  }
0xc: {  	s14 =	simm.s32 $0x4900;
	[dreg:$0xd] =	wrdreg s13  }
0xd: {  	s15 =	simm.s32 $0x5100;
	[dreg:$0xe] =	wrdreg s14  }
0xe: {  	s16 =	simm.s32 $0x5500;
	[dreg:$0xf] =	wrdreg s15  }
0xf: {  	s17 =	simm.s32 $0x5D00;
	[dreg:$0x10] =	wrdreg s16  }
0x10: {  	s18 =	simm.s32 $0x6100;
	[dreg:$0x11] =	wrdreg s17  }
0x11: {  	s19 =	simm.s32 $0x6900;
	[dreg:$0x12] =	wrdreg s18  }
0x12: {  	s20 =	simm.s32 $0x6D00;
	[dreg:$0x13] =	wrdreg s19  }
0x13: {  	s21 =	simm.s32 $0x7500;
	[dreg:$0x14] =	wrdreg s20  }
0x14: {  	s22 =	simm.s32 $0x7900;
	[dreg:$0x15] =	wrdreg s21  }
0x15: {  	s23 =	simm.s32 $0x8100;
	[dreg:$0x16] =	wrdreg s22  }
0x16: {  	s24 =	simm.s32 $0x8500;
	[dreg:$0x17] =	wrdreg s23  }
0x17: {  	[dreg:$0x18] =	wrdreg s24;
	s25 =	simm.s32 $0x8D00  }
0x18: {  	s26 =	simm.s32 $0x9100;
	[dreg:$0x19] =	wrdreg s25  }
0x19: {  	s5 =	stileid.u32;
	s6 =	simm.s32 $0x9D00;
	[dreg:$0x1a] =	wrdreg s26  }
0x1a: {  	s1 =	srdreg.scid;
	s7 =	simm.s32 $0xA500;
	[dreg:$0x1c] =	wrdreg s6  }
0x1b: {  	s28 =	simm.s32 $0x17500;
	s8 =	simm.s32 $0xA900;
	[dreg:$0x1d] =	wrdreg s7  }
0x1c: {  	s29 =	simm.s32 $0x17D00;
	s9 =	simm.s32 $0xB100;
	[dreg:$0x1e] =	wrdreg s8  }
0x1d: {  	s30 =	simm.s32 $0x1;
	s10 =	simm.s32 $0xB500;
	[dreg:$0x1f] =	wrdreg s9  }
0x1e: {  	s31 =	simm.s32 $0x0;
	s11 =	simm.s32 $0xBD00;
	[smem:$0x7EE] =	sst s10  }
0x1f: {  	s3 =	sshll.u32 s5, $0x8;
	s13 =	simm.s32 $0xC100;
	[smem:$0x7EF] =	sst s11  }
0x20: {  	s1 =	sand.u32 $0x1, s1;
	s14 =	simm.s32 $0xC900;
	[smem:$0x7F0] =	sst s13  }
0x21: {  	s3 =	sadd.s32 s3, s0;
	s15 =	simm.s32 $0xCD00;
	[smem:$0x7F1] =	sst s14  }
0x22: {  	s4 =	sshll.u32 s1, $0x7;
	s17 =	simm.s32 $0xD500;
	[smem:$0x7F2] =	sst s15  }
0x23: {  	s12 =	smul.u32 $0x18000, s5;
	s18 =	simm.s32 $0xD900;
	[smem:$0x7F3] =	sst s17  }
0x24: {  	s16 =	ssub.s32 $0x2, s1;
	s19 =	simm.s32 $0xE100;
	[smem:$0x7F4] =	sst s18  }
0x25: {  	s20 =	simm.s32 $0xE500;
	s1 =	smul.u32 $0xC000, s1;
	[smem:$0x7F5] =	sst s19  }
0x26: {  	s21 =	simm.s32 $0xED00;
	s22 =	simm.s32 $0xF100;
	[smem:$0x7F6] =	sst s20  }
0x27: {  	s23 =	simm.s32 $0xF900;
	s3 =	sadd.s32 s4, s3;
	[smem:$0x7F8] =	sst s21  }
0x28: {  	s4 =	simm.s32 $0x1500;
	s7 =	sshrl.u32 s16, $0x1;
	[smem:$0x7F9] =	sst s22  }
0x29: {  	[smem:$0x7FB] =	sst s23;
	s25 =	simm.s32 $0xFD00;
	s26 =	simm.s32 $0x10500  }
0x2a: {  	s8 =	simm.s32 $0x100;
	s9 =	simm.s32 $0x10900;
	s10 =	simm.s32 $0x11100  }
0x2b: {  	s11 =	simm.s32 $0x11500;
	s13 =	simm.s32 $0x12100;
	s14 =	simm.s32 $0x12900  }
0x2c: {  	s15 =	simm.s32 $0x12D00;
	s17 =	simm.s32 $0x13900;
	s18 =	simm.s32 $0x14100  }
0x2d: {  	s19 =	simm.s32 $0x14500;
	s20 =	simm.s32 $0x14D00;
	s21 =	simm.s32 $0x15100  }
0x2e: {  	s22 =	simm.s32 $0x15900;
	s23 =	simm.s32 $0x15D00;
	s3 =	sadd.s32 $0x4E00, s3  }
0x2f: {  	[dreg:$0x5] =	wrdreg s4;
	s4 =	simm.s32 $0x9900;
	s6 =	sadd.s32 s12, s0  }
0x30: {  	s5 =	ssub.s32 s16, s7;
	s7 =	simm.s32 $0x2;
	[smem:$0x7FC] =	sst s25  }
0x31: {  	[smem:$0x7FD] =	sst s26;
	s12 =	simm.s32 $0x11D00;
	s16 =	simm.s32 $0x13500  }
0x32: {  	s25 =	simm.s32 $0x16900;
	s26 =	simm.s32 $0x17100;
	[dreg:$0x2] =	wrdreg s3  }
0x33: {  	v2 =	vlaneseq.u32;
	[dreg:$0x1b] =	wrdreg s4;
	s5 =	smax.u32 s5, $0x1;
	s1 =	sadd.s32 s1, s6  }
0x34: {  	vm0 =	vmmov $0xffff;
	vm1 =	vmmov $0xff;
	v1 =	vshrl.u32 v2, $0x3;
	s3 =	sadd.s32 $0x5E00, s0;
	[smem:$0x7F7] =	sst s5;
	s24 =	sadd.s32 $0x1DE00, s1  }
0x35: {  	v0 =	vand.u32 $0x7, v2;
	v2 =	vor.u32 $0x8, v2;
	v1 =	vmul.u32 $0x8, v1;
	s4 =	sadd.s32 $0x5F00, s0;
	[smem:$0x7FA] =	sst s24;
	s24 =	simm.s32 $0x16500  }
.LBB2_1:
0x36: {  	s6 =	sld [smem:$0x7FA];
	s1 =	simm.s32 $0x0  }
.LBB2_2:
0x37: {  	s5 =	rddreg [dreg:$0x2]  }
0x38: {  	s5 =	sadd.s32 s1, s5  }
0x39: {  	[tilespmem:s2], [sflag:$0x2] =	stream.linear.gather [hbm4b:s5+s2], $0x100, $0x38;
	[tilespmem:$0x18100] =	vst v63  }
0x3a: {  	_ =	swait.ge [sflag:s7], $0x100  }
0x3b: {  	[sflag:s7] =	ssyncset.done $0x0  }
0x3c: {  	[sflag:s7] =	ssyncadd.s32 $0xFFFFFF00  }
0x3d: {  	v3 =	vld [tilespmem:$0x0];
	_ =	sdelay $0x4  }
0x3e: {  	v4 =	vshrl.u32 v3, $0x3  }
0x3f: {  	v4 =	vmul.u32 $0x18, v4  }
0x40: {  	v3 =	vand.u32 $0x7, v3  }
0x41: {  	v3 =	vor.u32 v3, v4  }
0x42: {  	v4 =	vperm.xlane v3, v0;
	_ =	sdelay $0x1  }
0x43: {  	v4 =	vadd.s32 v1, v4;
	_ =	sdelay $0x1  }
0x44: {  	v3 =	vperm.xlane v3, v2;
	_ =	sdelay $0x1  }
0x45: {  	v3 =	vadd.s32 v1, v3  }
0x46: {  	[tilespmem:s8], [sflag:$0x1] =	stream.indirect_vreg.gather [hbm4b:s3+s2], $0x80, v4, vm0, $0xb8;
	[tilespmem:$0x18100] =	vst v63  }
0x47: {  	s5 =	rddreg [dreg:$0x3]  }
0x48: {  	[tilespmem:s5], [sflag:$0x1] =	stream.indirect_vreg.gather [hbm4b:s4+s2], $0x80, v4, vm1, $0xb8;
	[tilespmem:$0x18100] =	vst v63  }
0x49: {  	s0 =	rddreg [dreg:$0x4]  }
0x4a: {  	[tilespmem:s0], [sflag:$0x1] =	stream.indirect_vreg.gather [hbm4b:s3+s2], $0x80, v3, vm0, $0xb8;
	[tilespmem:$0x18100] =	vst v63  }
0x4b: {  	s5 =	rddreg [dreg:$0x5]  }
0x4c: {  	[tilespmem:s5], [sflag:$0x1] =	stream.indirect_vreg.gather [hbm4b:s4+s2], $0x80, v3, vm1, $0xb8;
	[tilespmem:$0x18100] =	vst v63  }
0x4d: {  	v3 =	vld [tilespmem:$0x10];
	_ =	sdelay $0x4  }
0x4e: {  	v49 =	vshrl.u32 v3, $0x3  }
0x4f: {  	v4 =	vmul.u32 $0x18, v49  }
0x50: {  	v3 =	vand.u32 $0x7, v3  }
0x51: {  	v3 =	vor.u32 v3, v4  }
0x52: {  	v4 =	vperm.xlane v3, v0;
	_ =	sdelay $0x1  }
0x53: {  	v4 =	vadd.s32 v1, v4;
	_ =	sdelay $0x1  }
0x54: {  	v3 =	vperm.xlane v3, v2;
	_ =	sdelay $0x1  }
0x55: {  	s0 =	rddreg [dreg:$0x6];
	v3 =	vadd.s32 v1, v3  }
0x56: {  	[tilespmem:s0], [sflag:$0x1] =	stream.indirect_vreg.gather [hbm4b:s3+s2], $0x80, v4, vm0, $0xb8;
	[tilespmem:$0x18100] =	vst v63  }
0x57: {  	s5 =	rddreg [dreg:$0x7]  }
0x58: {  	[tilespmem:s5], [sflag:$0x1] =	stream.indirect_vreg.gather [hbm4b:s4+s2], $0x80, v4, vm1, $0xb8;
	[tilespmem:$0x18100] =	vst v63  }
0x59: {  	s0 =	rddreg [dreg:$0x8]  }
0x5a: {  	[tilespmem:s0], [sflag:$0x1] =	stream.indirect_vreg.gather [hbm4b:s3+s2], $0x80, v3, vm0, $0xb8;
	[tilespmem:$0x18100] =	vst v63  }
0x5b: {  	s5 =	rddreg [dreg:$0x9]  }
0x5c: {  	[tilespmem:s5], [sflag:$0x1] =	stream.indirect_vreg.gather [hbm4b:s4+s2], $0x80, v3, vm1, $0xb8;
	[tilespmem:$0x18100] =	vst v63  }
0x5d: {  	v3 =	vld [tilespmem:$0x20];
	_ =	sdelay $0x4  }
0x5e: {  	v50 =	vshrl.u32 v3, $0x3  }
0x5f: {  	v4 =	vmul.u32 $0x18, v50  }
0x60: {  	v3 =	vand.u32 $0x7, v3  }
0x61: {  	v3 =	vor.u32 v3, v4  }
0x62: {  	v4 =	vperm.xlane v3, v0;
	_ =	sdelay $0x1  }
0x63: {  	v4 =	vadd.s32 v1, v4;
	_ =	sdelay $0x1  }
0x64: {  	v3 =	vperm.xlane v3, v2;
	_ =	sdelay $0x1  }
0x65: {  	s0 =	rddreg [dreg:$0xa];
	v3 =	vadd.s32 v1, v3  }
0x66: {  	[tilespmem:s0], [sflag:$0x1] =	stream.indirect_vreg.gather [hbm4b:s3+s2], $0x80, v4, vm0, $0xb8;
	[tilespmem:$0x18100] =	vst v63  }
0x67: {  	s5 =	rddreg [dreg:$0xb]  }
0x68: {  	[tilespmem:s5], [sflag:$0x1] =	stream.indirect_vreg.gather [hbm4b:s4+s2], $0x80, v4, vm1, $0xb8;
	[tilespmem:$0x18100] =	vst v63  }
0x69: {  	s0 =	rddreg [dreg:$0xc]  }
0x6a: {  	[tilespmem:s0], [sflag:$0x1] =	stream.indirect_vreg.gather [hbm4b:s3+s2], $0x80, v3, vm0, $0xb8;
	[tilespmem:$0x18100] =	vst v63  }
0x6b: {  	s5 =	rddreg [dreg:$0xd]  }
0x6c: {  	[tilespmem:s5], [sflag:$0x1] =	stream.indirect_vreg.gather [hbm4b:s4+s2], $0x80, v3, vm1, $0xb8;
	[tilespmem:$0x18100] =	vst v63  }
0x6d: {  	v3 =	vld [tilespmem:$0x30];
	_ =	sdelay $0x4  }
0x6e: {  	v51 =	vshrl.u32 v3, $0x3  }
0x6f: {  	v4 =	vmul.u32 $0x18, v51  }
0x70: {  	v3 =	vand.u32 $0x7, v3  }
0x71: {  	v3 =	vor.u32 v3, v4  }
0x72: {  	v4 =	vperm.xlane v3, v0;
	_ =	sdelay $0x1  }
0x73: {  	v4 =	vadd.s32 v1, v4;
	_ =	sdelay $0x1  }
0x74: {  	v3 =	vperm.xlane v3, v2;
	_ =	sdelay $0x1  }
0x75: {  	s0 =	rddreg [dreg:$0xe];
	v3 =	vadd.s32 v1, v3  }
0x76: {  	[tilespmem:s0], [sflag:$0x1] =	stream.indirect_vreg.gather [hbm4b:s3+s2], $0x80, v4, vm0, $0xb8;
	[tilespmem:$0x18100] =	vst v63  }
0x77: {  	s5 =	rddreg [dreg:$0xf]  }
0x78: {  	[tilespmem:s5], [sflag:$0x1] =	stream.indirect_vreg.gather [hbm4b:s4+s2], $0x80, v4, vm1, $0xb8;
	[tilespmem:$0x18100] =	vst v63  }
0x79: {  	s0 =	rddreg [dreg:$0x10]  }
0x7a: {  	[tilespmem:s0], [sflag:$0x1] =	stream.indirect_vreg.gather [hbm4b:s3+s2], $0x80, v3, vm0, $0xb8;
	[tilespmem:$0x18100] =	vst v63  }
0x7b: {  	s5 =	rddreg [dreg:$0x11]  }
0x7c: {  	[tilespmem:s5], [sflag:$0x1] =	stream.indirect_vreg.gather [hbm4b:s4+s2], $0x80, v3, vm1, $0xb8;
	[tilespmem:$0x18100] =	vst v63  }
0x7d: {  	v3 =	vld [tilespmem:$0x40];
	_ =	sdelay $0x4  }
0x7e: {  	v52 =	vshrl.u32 v3, $0x3  }
0x7f: {  	v4 =	vmul.u32 $0x18, v52  }
0x80: {  	v3 =	vand.u32 $0x7, v3  }
0x81: {  	v3 =	vor.u32 v3, v4  }
0x82: {  	v4 =	vperm.xlane v3, v0;
	_ =	sdelay $0x1  }
0x83: {  	v4 =	vadd.s32 v1, v4;
	_ =	sdelay $0x1  }
0x84: {  	v3 =	vperm.xlane v3, v2;
	_ =	sdelay $0x1  }
0x85: {  	s0 =	rddreg [dreg:$0x12];
	v3 =	vadd.s32 v1, v3  }
0x86: {  	[tilespmem:s0], [sflag:$0x1] =	stream.indirect_vreg.gather [hbm4b:s3+s2], $0x80, v4, vm0, $0xb8;
	[tilespmem:$0x18100] =	vst v63  }
0x87: {  	s5 =	rddreg [dreg:$0x13]  }
0x88: {  	[tilespmem:s5], [sflag:$0x1] =	stream.indirect_vreg.gather [hbm4b:s4+s2], $0x80, v4, vm1, $0xb8;
	[tilespmem:$0x18100] =	vst v63  }
0x89: {  	s0 =	rddreg [dreg:$0x14]  }
0x8a: {  	[tilespmem:s0], [sflag:$0x1] =	stream.indirect_vreg.gather [hbm4b:s3+s2], $0x80, v3, vm0, $0xb8;
	[tilespmem:$0x18100] =	vst v63  }
0x8b: {  	s5 =	rddreg [dreg:$0x15]  }
0x8c: {  	[tilespmem:s5], [sflag:$0x1] =	stream.indirect_vreg.gather [hbm4b:s4+s2], $0x80, v3, vm1, $0xb8;
	[tilespmem:$0x18100] =	vst v63  }
0x8d: {  	v3 =	vld [tilespmem:$0x50];
	_ =	sdelay $0x4  }
0x8e: {  	v53 =	vshrl.u32 v3, $0x3  }
0x8f: {  	v4 =	vmul.u32 $0x18, v53  }
0x90: {  	v3 =	vand.u32 $0x7, v3  }
0x91: {  	v3 =	vor.u32 v3, v4  }
0x92: {  	v4 =	vperm.xlane v3, v0;
	_ =	sdelay $0x1  }
0x93: {  	v4 =	vadd.s32 v1, v4;
	_ =	sdelay $0x1  }
0x94: {  	v3 =	vperm.xlane v3, v2;
	_ =	sdelay $0x1  }
0x95: {  	s0 =	rddreg [dreg:$0x16];
	v3 =	vadd.s32 v1, v3  }
0x96: {  	[tilespmem:s0], [sflag:$0x1] =	stream.indirect_vreg.gather [hbm4b:s3+s2], $0x80, v4, vm0, $0xb8;
	[tilespmem:$0x18100] =	vst v63  }
0x97: {  	s5 =	rddreg [dreg:$0x17]  }
0x98: {  	[tilespmem:s5], [sflag:$0x1] =	stream.indirect_vreg.gather [hbm4b:s4+s2], $0x80, v4, vm1, $0xb8;
	[tilespmem:$0x18100] =	vst v63  }
0x99: {  	s0 =	rddreg [dreg:$0x18]  }
0x9a: {  	[tilespmem:s0], [sflag:$0x1] =	stream.indirect_vreg.gather [hbm4b:s3+s2], $0x80, v3, vm0, $0xb8;
	[tilespmem:$0x18100] =	vst v63  }
0x9b: {  	s5 =	rddreg [dreg:$0x19]  }
0x9c: {  	[tilespmem:s5], [sflag:$0x1] =	stream.indirect_vreg.gather [hbm4b:s4+s2], $0x80, v3, vm1, $0xb8;
	[tilespmem:$0x18100] =	vst v63  }
0x9d: {  	v3 =	vld [tilespmem:$0x60];
	_ =	sdelay $0x4  }
0x9e: {  	v54 =	vshrl.u32 v3, $0x3  }
0x9f: {  	v4 =	vmul.u32 $0x18, v54  }
0xa0: {  	v3 =	vand.u32 $0x7, v3  }
0xa1: {  	v3 =	vor.u32 v3, v4  }
0xa2: {  	v4 =	vperm.xlane v3, v0;
	_ =	sdelay $0x1  }
0xa3: {  	v4 =	vadd.s32 v1, v4;
	_ =	sdelay $0x1  }
0xa4: {  	v3 =	vperm.xlane v3, v2;
	_ =	sdelay $0x1  }
0xa5: {  	s0 =	rddreg [dreg:$0x1a];
	v3 =	vadd.s32 v1, v3  }
0xa6: {  	[tilespmem:s0], [sflag:$0x1] =	stream.indirect_vreg.gather [hbm4b:s3+s2], $0x80, v4, vm0, $0xb8;
	[tilespmem:$0x18100] =	vst v63  }
0xa7: {  	s5 =	rddreg [dreg:$0x1b]  }
0xa8: {  	[tilespmem:s5], [sflag:$0x1] =	stream.indirect_vreg.gather [hbm4b:s4+s2], $0x80, v4, vm1, $0xb8;
	[tilespmem:$0x18100] =	vst v63  }
0xa9: {  	s0 =	rddreg [dreg:$0x1c]  }
0xaa: {  	[tilespmem:s0], [sflag:$0x1] =	stream.indirect_vreg.gather [hbm4b:s3+s2], $0x80, v3, vm0, $0xb8;
	[tilespmem:$0x18100] =	vst v63  }
0xab: {  	s5 =	rddreg [dreg:$0x1d]  }
0xac: {  	[tilespmem:s5], [sflag:$0x1] =	stream.indirect_vreg.gather [hbm4b:s4+s2], $0x80, v3, vm1, $0xb8;
	[tilespmem:$0x18100] =	vst v63  }
0xad: {  	v3 =	vld [tilespmem:$0x70];
	_ =	sdelay $0x4  }
0xae: {  	v55 =	vshrl.u32 v3, $0x3  }
0xaf: {  	v4 =	vmul.u32 $0x18, v55  }
0xb0: {  	v3 =	vand.u32 $0x7, v3  }
0xb1: {  	v3 =	vor.u32 v3, v4  }
0xb2: {  	v4 =	vperm.xlane v3, v0;
	_ =	sdelay $0x1  }
0xb3: {  	v4 =	vadd.s32 v1, v4;
	_ =	sdelay $0x1  }
0xb4: {  	v3 =	vperm.xlane v3, v2  }
0xb5: {  	s0 =	rddreg [dreg:$0x1e]  }
0xb6: {  	s5 =	rddreg [dreg:$0x1f];
	v3 =	vadd.s32 v1, v3  }
0xb7: {  	[tilespmem:s0], [sflag:$0x1] =	stream.indirect_vreg.gather [hbm4b:s3+s2], $0x80, v4, vm0, $0xb8;
	[tilespmem:$0x18100] =	vst v63  }
0xb8: {  	s0 =	sld [smem:$0x7EE]  }
0xb9: {  	[tilespmem:s5], [sflag:$0x1] =	stream.indirect_vreg.gather [hbm4b:s4+s2], $0x80, v4, vm1, $0xb8;
	[tilespmem:$0x18100] =	vst v63  }
0xba: {  	s5 =	sld [smem:$0x7EF]  }
0xbb: {  	[tilespmem:s0], [sflag:$0x1] =	stream.indirect_vreg.gather [hbm4b:s3+s2], $0x80, v3, vm0, $0xb8;
	[tilespmem:$0x18100] =	vst v63  }
0xbc: {  	_ = 	snop  }
0xbd: {  	[tilespmem:s5], [sflag:$0x1] =	stream.indirect_vreg.gather [hbm4b:s4+s2], $0x80, v3, vm1, $0xb8;
	[tilespmem:$0x18100] =	vst v63  }
0xbe: {  	v3 =	vld [tilespmem:$0x80];
	_ =	sdelay $0x4  }
0xbf: {  	v56 =	vshrl.u32 v3, $0x3  }
0xc0: {  	v4 =	vmul.u32 $0x18, v56  }
0xc1: {  	v3 =	vand.u32 $0x7, v3  }
0xc2: {  	v3 =	vor.u32 v3, v4  }
0xc3: {  	v4 =	vperm.xlane v3, v0;
	_ =	sdelay $0x1  }
0xc4: {  	v4 =	vadd.s32 v1, v4;
	_ =	sdelay $0x1  }
0xc5: {  	s0 =	sld [smem:$0x7F0];
	v3 =	vperm.xlane v3, v2;
	_ =	sdelay $0x1  }
0xc6: {  	s5 =	sld [smem:$0x7F1];
	v3 =	vadd.s32 v1, v3  }
0xc7: {  	[tilespmem:s0], [sflag:$0x1] =	stream.indirect_vreg.gather [hbm4b:s3+s2], $0x80, v4, vm0, $0xb8;
	[tilespmem:$0x18100] =	vst v63  }
0xc8: {  	s0 =	sld [smem:$0x7F2]  }
0xc9: {  	[tilespmem:s5], [sflag:$0x1] =	stream.indirect_vreg.gather [hbm4b:s4+s2], $0x80, v4, vm1, $0xb8;
	[tilespmem:$0x18100] =	vst v63  }
0xca: {  	s5 =	sld [smem:$0x7F3]  }
0xcb: {  	[tilespmem:s0], [sflag:$0x1] =	stream.indirect_vreg.gather [hbm4b:s3+s2], $0x80, v3, vm0, $0xb8;
	[tilespmem:$0x18100] =	vst v63  }
0xcc: {  	_ = 	snop  }
0xcd: {  	[tilespmem:s5], [sflag:$0x1] =	stream.indirect_vreg.gather [hbm4b:s4+s2], $0x80, v3, vm1, $0xb8;
	[tilespmem:$0x18100] =	vst v63  }
0xce: {  	v3 =	vld [tilespmem:$0x90];
	_ =	sdelay $0x4  }
0xcf: {  	v57 =	vshrl.u32 v3, $0x3  }
0xd0: {  	v4 =	vmul.u32 $0x18, v57  }
0xd1: {  	v3 =	vand.u32 $0x7, v3  }
0xd2: {  	v3 =	vor.u32 v3, v4  }
0xd3: {  	v4 =	vperm.xlane v3, v0;
	_ =	sdelay $0x1  }
0xd4: {  	v4 =	vadd.s32 v1, v4;
	_ =	sdelay $0x1  }
0xd5: {  	s0 =	sld [smem:$0x7F4];
	v3 =	vperm.xlane v3, v2;
	_ =	sdelay $0x1  }
0xd6: {  	s5 =	sld [smem:$0x7F5];
	v3 =	vadd.s32 v1, v3  }
0xd7: {  	[tilespmem:s0], [sflag:$0x1] =	stream.indirect_vreg.gather [hbm4b:s3+s2], $0x80, v4, vm0, $0xb8;
	[tilespmem:$0x18100] =	vst v63  }
0xd8: {  	s0 =	sld [smem:$0x7F6]  }
0xd9: {  	[tilespmem:s5], [sflag:$0x1] =	stream.indirect_vreg.gather [hbm4b:s4+s2], $0x80, v4, vm1, $0xb8;
	[tilespmem:$0x18100] =	vst v63  }
0xda: {  	s5 =	sld [smem:$0x7F8]  }
0xdb: {  	[tilespmem:s0], [sflag:$0x1] =	stream.indirect_vreg.gather [hbm4b:s3+s2], $0x80, v3, vm0, $0xb8;
	[tilespmem:$0x18100] =	vst v63  }
0xdc: {  	_ = 	snop  }
0xdd: {  	[tilespmem:s5], [sflag:$0x1] =	stream.indirect_vreg.gather [hbm4b:s4+s2], $0x80, v3, vm1, $0xb8;
	[tilespmem:$0x18100] =	vst v63  }
0xde: {  	v3 =	vld [tilespmem:$0xA0];
	_ =	sdelay $0x4  }
0xdf: {  	v58 =	vshrl.u32 v3, $0x3  }
0xe0: {  	v4 =	vmul.u32 $0x18, v58  }
0xe1: {  	v3 =	vand.u32 $0x7, v3  }
0xe2: {  	v3 =	vor.u32 v3, v4  }
0xe3: {  	v4 =	vperm.xlane v3, v0;
	_ =	sdelay $0x1  }
0xe4: {  	v4 =	vadd.s32 v1, v4;
	_ =	sdelay $0x1  }
0xe5: {  	s0 =	sld [smem:$0x7F9];
	v3 =	vperm.xlane v3, v2;
	_ =	sdelay $0x1  }
0xe6: {  	s5 =	sld [smem:$0x7FB];
	v3 =	vadd.s32 v1, v3  }
0xe7: {  	[tilespmem:s0], [sflag:$0x1] =	stream.indirect_vreg.gather [hbm4b:s3+s2], $0x80, v4, vm0, $0xb8;
	[tilespmem:$0x18100] =	vst v63  }
0xe8: {  	s0 =	sld [smem:$0x7FC]  }
0xe9: {  	[tilespmem:s5], [sflag:$0x1] =	stream.indirect_vreg.gather [hbm4b:s4+s2], $0x80, v4, vm1, $0xb8;
	[tilespmem:$0x18100] =	vst v63  }
0xea: {  	s5 =	sld [smem:$0x7FD]  }
0xeb: {  	[tilespmem:s0], [sflag:$0x1] =	stream.indirect_vreg.gather [hbm4b:s3+s2], $0x80, v3, vm0, $0xb8;
	[tilespmem:$0x18100] =	vst v63  }
0xec: {  	_ = 	snop  }
0xed: {  	[tilespmem:s5], [sflag:$0x1] =	stream.indirect_vreg.gather [hbm4b:s4+s2], $0x80, v3, vm1, $0xb8;
	[tilespmem:$0x18100] =	vst v63  }
0xee: {  	v3 =	vld [tilespmem:$0xB0];
	_ =	sdelay $0x4  }
0xef: {  	v59 =	vshrl.u32 v3, $0x3  }
0xf0: {  	v4 =	vmul.u32 $0x18, v59  }
0xf1: {  	v3 =	vand.u32 $0x7, v3  }
0xf2: {  	v3 =	vor.u32 v3, v4  }
0xf3: {  	v4 =	vperm.xlane v3, v0;
	_ =	sdelay $0x1  }
0xf4: {  	v4 =	vadd.s32 v1, v4;
	_ =	sdelay $0x1  }
0xf5: {  	v3 =	vperm.xlane v3, v2;
	_ =	sdelay $0x1  }
0xf6: {  	v3 =	vadd.s32 v1, v3  }
0xf7: {  	[tilespmem:s9], [sflag:$0x1] =	stream.indirect_vreg.gather [hbm4b:s3+s2], $0x80, v4, vm0, $0xb8;
	[tilespmem:$0x18100] =	vst v63  }
0xf8: {  	_ = 	snop  }
0xf9: {  	[tilespmem:s10], [sflag:$0x1] =	stream.indirect_vreg.gather [hbm4b:s4+s2], $0x80, v4, vm1, $0xb8;
	[tilespmem:$0x18100] =	vst v63  }
0xfa: {  	_ = 	snop  }
0xfb: {  	[tilespmem:s11], [sflag:$0x1] =	stream.indirect_vreg.gather [hbm4b:s3+s2], $0x80, v3, vm0, $0xb8;
	[tilespmem:$0x18100] =	vst v63  }
0xfc: {  	_ = 	snop  }
0xfd: {  	[tilespmem:s12], [sflag:$0x1] =	stream.indirect_vreg.gather [hbm4b:s4+s2], $0x80, v3, vm1, $0xb8;
	[tilespmem:$0x18100] =	vst v63  }
0xfe: {  	v3 =	vld [tilespmem:$0xC0];
	_ =	sdelay $0x4  }
0xff: {  	v60 =	vshrl.u32 v3, $0x3  }
0x100: {  	v4 =	vmul.u32 $0x18, v60  }
0x101: {  	v3 =	vand.u32 $0x7, v3  }
0x102: {  	v3 =	vor.u32 v3, v4  }
0x103: {  	v4 =	vperm.xlane v3, v0;
	_ =	sdelay $0x1  }
0x104: {  	v4 =	vadd.s32 v1, v4;
	_ =	sdelay $0x1  }
0x105: {  	v3 =	vperm.xlane v3, v2;
	_ =	sdelay $0x1  }
0x106: {  	v3 =	vadd.s32 v1, v3  }
0x107: {  	[tilespmem:s13], [sflag:$0x1] =	stream.indirect_vreg.gather [hbm4b:s3+s2], $0x80, v4, vm0, $0xb8;
	[tilespmem:$0x18100] =	vst v63  }
0x108: {  	_ = 	snop  }
0x109: {  	[tilespmem:s14], [sflag:$0x1] =	stream.indirect_vreg.gather [hbm4b:s4+s2], $0x80, v4, vm1, $0xb8;
	[tilespmem:$0x18100] =	vst v63  }
0x10a: {  	_ = 	snop  }
0x10b: {  	[tilespmem:s15], [sflag:$0x1] =	stream.indirect_vreg.gather [hbm4b:s3+s2], $0x80, v3, vm0, $0xb8;
	[tilespmem:$0x18100] =	vst v63  }
0x10c: {  	_ = 	snop  }
0x10d: {  	[tilespmem:s16], [sflag:$0x1] =	stream.indirect_vreg.gather [hbm4b:s4+s2], $0x80, v3, vm1, $0xb8;
	[tilespmem:$0x18100] =	vst v63  }
0x10e: {  	v3 =	vld [tilespmem:$0xD0];
	_ =	sdelay $0x4  }
0x10f: {  	v61 =	vshrl.u32 v3, $0x3  }
0x110: {  	v4 =	vmul.u32 $0x18, v61  }
0x111: {  	v3 =	vand.u32 $0x7, v3  }
0x112: {  	v3 =	vor.u32 v3, v4  }
0x113: {  	v4 =	vperm.xlane v3, v0;
	_ =	sdelay $0x1  }
0x114: {  	v4 =	vadd.s32 v1, v4;
	_ =	sdelay $0x1  }
0x115: {  	v3 =	vperm.xlane v3, v2;
	_ =	sdelay $0x1  }
0x116: {  	v3 =	vadd.s32 v1, v3  }
0x117: {  	[tilespmem:s17], [sflag:$0x1] =	stream.indirect_vreg.gather [hbm4b:s3+s2], $0x80, v4, vm0, $0xb8;
	[tilespmem:$0x18100] =	vst v63  }
0x118: {  	_ = 	snop  }
0x119: {  	[tilespmem:s18], [sflag:$0x1] =	stream.indirect_vreg.gather [hbm4b:s4+s2], $0x80, v4, vm1, $0xb8;
	[tilespmem:$0x18100] =	vst v63  }
0x11a: {  	_ = 	snop  }
0x11b: {  	[tilespmem:s19], [sflag:$0x1] =	stream.indirect_vreg.gather [hbm4b:s3+s2], $0x80, v3, vm0, $0xb8;
	[tilespmem:$0x18100] =	vst v63  }
0x11c: {  	_ = 	snop  }
0x11d: {  	[tilespmem:s20], [sflag:$0x1] =	stream.indirect_vreg.gather [hbm4b:s4+s2], $0x80, v3, vm1, $0xb8;
	[tilespmem:$0x18100] =	vst v63  }
0x11e: {  	v3 =	vld [tilespmem:$0xE0];
	_ =	sdelay $0x4  }
0x11f: {  	v62 =	vshrl.u32 v3, $0x3  }
0x120: {  	v4 =	vmul.u32 $0x18, v62  }
0x121: {  	v3 =	vand.u32 $0x7, v3  }
0x122: {  	v3 =	vor.u32 v3, v4  }
0x123: {  	v4 =	vperm.xlane v3, v0;
	_ =	sdelay $0x1  }
0x124: {  	v4 =	vadd.s32 v1, v4;
	_ =	sdelay $0x1  }
0x125: {  	v3 =	vperm.xlane v3, v2;
	_ =	sdelay $0x1  }
0x126: {  	v3 =	vadd.s32 v1, v3  }
0x127: {  	[tilespmem:s21], [sflag:$0x1] =	stream.indirect_vreg.gather [hbm4b:s3+s2], $0x80, v4, vm0, $0xb8;
	[tilespmem:$0x18100] =	vst v63  }
0x128: {  	_ = 	snop  }
0x129: {  	[tilespmem:s22], [sflag:$0x1] =	stream.indirect_vreg.gather [hbm4b:s4+s2], $0x80, v4, vm1, $0xb8;
	[tilespmem:$0x18100] =	vst v63  }
0x12a: {  	_ = 	snop  }
0x12b: {  	[tilespmem:s23], [sflag:$0x1] =	stream.indirect_vreg.gather [hbm4b:s3+s2], $0x80, v3, vm0, $0xb8;
	[tilespmem:$0x18100] =	vst v63  }
0x12c: {  	_ = 	snop  }
0x12d: {  	[tilespmem:s24], [sflag:$0x1] =	stream.indirect_vreg.gather [hbm4b:s4+s2], $0x80, v3, vm1, $0xb8;
	[tilespmem:$0x18100] =	vst v63  }
0x12e: {  	v3 =	vld [tilespmem:$0xF0];
	_ =	sdelay $0x4  }
0x12f: {  	v63 =	vshrl.u32 v3, $0x3  }
0x130: {  	v4 =	vmul.u32 $0x18, v63  }
0x131: {  	v3 =	vand.u32 $0x7, v3  }
0x132: {  	v3 =	vor.u32 v3, v4  }
0x133: {  	v4 =	vperm.xlane v3, v0;
	_ =	sdelay $0x1  }
0x134: {  	v4 =	vadd.s32 v1, v4;
	_ =	sdelay $0x1  }
0x135: {  	v3 =	vperm.xlane v3, v2;
	_ =	sdelay $0x1  }
0x136: {  	v3 =	vadd.s32 v1, v3  }
0x137: {  	[tilespmem:s25], [sflag:$0x1] =	stream.indirect_vreg.gather [hbm4b:s3+s2], $0x80, v4, vm0, $0xb8;
	[tilespmem:$0x18100] =	vst v63  }
0x138: {  	_ = 	snop  }
0x139: {  	[tilespmem:s26], [sflag:$0x1] =	stream.indirect_vreg.gather [hbm4b:s4+s2], $0x80, v4, vm1, $0xb8;
	[tilespmem:$0x18100] =	vst v63  }
0x13a: {  	_ = 	snop  }
0x13b: {  	[tilespmem:s28], [sflag:$0x1] =	stream.indirect_vreg.gather [hbm4b:s3+s2], $0x80, v3, vm0, $0xb8;
	[tilespmem:$0x18100] =	vst v63  }
0x13c: {  	_ = 	snop  }
0x13d: {  	[tilespmem:s29], [sflag:$0x1] =	stream.indirect_vreg.gather [hbm4b:s4+s2], $0x80, v3, vm1, $0xb8;
	[tilespmem:$0x18100] =	vst v63  }
0x13e: {  	_ =	swait.ge [sflag:s30], $0x18000  }
0x13f: {  	p0 =	sne.s32 s1, $0x60;
	[sflag:s30] =	ssyncset.done $0x0  }
.Ltmp0:
0x140: {  	[sflag:s30] =	ssyncadd.s32 $0xFFFE8000;
	(pc) =	sbr.rel @p0 .LBB2_2-.Ltmp0, $4  }
0x141: {  	[hbm4b:s6+s2] =	stream.linear.scatter [tilespmem:s8], [sflag:$0x2], $0x18000, $0x38;
	[tilespmem:$0x18100] =	vst v63  }
0x142: {  	_ =	swait.ge [sflag:s7], $0x18000  }
0x143: {  	[sflag:s7] =	ssyncset.done $0x0  }
0x144: {  	s1 =	sadd.s32 $0x20, s1;
	s6 =	sadd.s32 $0x3000, s6;
	[sflag:s7] =	ssyncadd.s32 $0xFFFE8000  }
0x145: {  	s0 =	sld [smem:$0x7F7];
	_ =	sdelay $0x1  }
0x146: {  	s31 =	sadd.s32 $0x1, s31  }
0x147: {  	p0 =	sne.s32 s31, s0  }
.Ltmp1:
0x148: {  	_ = 	snop;
	(pc) =	sbr.rel @p0 .LBB2_1-.Ltmp1, $1  }
0x149: {  	_ =	sdelay $0x3  }
0x14a: {  	_ =	sfence.sel $0x180000  }
0x14b: {  	[bflag:$0x0] =	sbarrier.arrive $0xFFFF  }
0x14c: {  	_ =	strace $0x9000004A  }
0x14d: {  	s0 =	stileid.u32;
	[bflag:$0x2] =	sbarrier.arrive $0xFFFF  }
0x14e: {  	p0 =	sne.s32 s0, $0x0;
	s0 =	rddreg [dreg:$0x1]  }
0x14f: {  	s0 =	sadd.s32 @!p0 $0x100000, s0  }
0x150: {  	[sflag:s0] =	ssyncadd.tile.s32 @!p0 $0x1;
	_ =	shalt  }
.Lfunc_end2:
_tile_overlayer_lowered:
.L_overlay_start_2:
0x151: {  	(tag) =	ssettag $0x2  }
0x152: {  	s0 =	rddreg [dreg:$0x0];
	s2 =	stileid.u32  }
0x153: {  	s1 =	rddreg [dreg:$0x1];
	p0 =	sne.s32 s2, $0x0  }
0x154: {  	s3 =	rddreg [dreg:$0x2];
	[bflag:$0x3] =	sbarrier.arrive $0xFFFF;
	s2 =	simm.s32 @!p0 $0x1C02  }
0x155: {  	[timem:s3], [sflag:s2] =	dma.local @!p0 [hbm:s0], s1  }
0x156: {  	s0 =	simm.s32 @!p0 $0x2  }
0x157: {  	_ =	swait.ge @!p0 [sflag:s0], s1  }
0x158: {  	s1 =	ssub.s32 @!p0 $0x0, s1;
	[sflag:s0] =	ssyncset.done @!p0 $0x0  }
0x159: {  	[sflag:s0] =	ssyncadd.s32 @!p0 s1  }
0x15a: {  	[bflag:$0x3] =	sbarrier.arrive $0xFFFF  }
0x15b: {  	_ =	shalt  }

// kernel: kernel.22.cloned.1.call-start
scs
__scs_entry_jumppad:
0x0: {  	(pc) =	sbr.rel $0x88, $3  }
0x1: {  	(tag) =	ssettag $0x0;
	lr =	simm.s32 $0x1  }
0x2: {  	[smem:$0x3F8D] =	sst lr;
	_ =	strace $0xD0000000  }
0x3: {  	_ = 	snop  }
0x4: {  	_ = 	snop  }
0x5: {  	_ = 	snop  }
0x6: {  	_ = 	snop  }
0x7: {  	_ = 	snop  }
__scs_overlays_trampoline_lowered:
0x8: {  	[smem:$0x3F9C] =	sst s0  }
0x9: {  	[smem:$0x3F9D] =	sst s1  }
0xa: {  	[smem:$0x3F9E] =	sst s2  }
0xb: {  	[smem:$0x3F9F] =	sst s3  }
0xc: {  	[smem:$0x3FA0] =	sst s4  }
0xd: {  	[smem:$0x3FA1] =	sst s5  }
0xe: {  	[smem:$0x3FA2] =	sst s6  }
0xf: {  	[smem:$0x3FA3] =	sst s7  }
0x10: {  	[smem:$0x3FA4] =	sst s8  }
0x11: {  	[smem:$0x3FA5] =	sst s9;
	s0 =	simm.s32 @!p0 $0x0  }
0x12: {  	s1 =	sld [smem:$0x3F8B];
	s0 =	simm.s32 @p0 $0x1  }
0x13: {  	[smem:$0x3FA6] =	sst s0;
	s0 =	simm.s32 @!p1 $0x0  }
0x14: {  	s2 =	sld [smem:$0x3F8A];
	s0 =	simm.s32 @p1 $0x1  }
0x15: {  	[smem:$0x3FA7] =	sst s0;
	s0 =	simm.s32 @!p2 $0x0  }
0x16: {  	s3 =	sld [smem:$0x3FDB];
	s0 =	simm.s32 @p2 $0x1  }
0x17: {  	s4 =	simm.s32 $0x1BF5;
	[smem:$0x3FA9] =	sst s0  }
0x18: {  	s0 =	sld [smem:$0x3F8C];
	_ =	swait.ge [sflag:s4], $0x0  }
0x19: {  	s7 =	sld [smem:$0x3F8D]  }
0x1a: {  	s8 =	sadd.s32 $0xFFFFE003, lr  }
0x1b: {  	s9 =	sadd.s32 $0xFFFFFEF7, lr;
	s5 =	simm.s32 $0xFFFFFFFF;
	p2 =	slt.u32 s8, $0xFFFFF086  }
0x1c: {  	p1 =	slt.u32 s9, $0xF7A;
	s5 =	simm.s32 @!p2 $0x0  }
0x1d: {  	s5 =	simm.s32 @p1 $0x1;
	p0 =	seq.s32 s7, s2  }
0x1e: {  	s7 =	smul.u32 @!p0 $0xF7A, s2;
	p2 =	seq.s32 @!p0 s5, $0x0  }
0x1f: {  	s9 =	smul.u32 $0xF7A, s1;
	s8 =	simm.s32 @!p0 $0x1BF5;
	p2 =	por !p2, p0  }
0x20: {  	[sflag:s8] =	ssyncset.s32 @!p0 $0xFFFFF086;
	s6 =	sadd.s32 @!p0 s3, s7;
	s7 =	simm.s32 @!p0 $0x108  }
0x21: {  	s3 =	sadd.s32 s3, s9;
	s6 =	sadd.s32 @!p0 $0x88, s6;
	s7 =	simm.s32 @p2 $0x1082  }
0x22: {  	[simem:s7], [sflag:s8] =	dma.local @!p0 [hbm:s6], $0xF7A  }
0x23: {  	s9 =	sor.u32 $0xD0000000, s2;
	s6 =	simm.s32 $0x108;
	_ =	swait.ge @!p0 [sflag:s8], $0x0  }
0x24: {  	s3 =	sadd.s32 $0x88, s3;
	s6 =	simm.s32 @!p1 $0x1082;
	[sflag:s4] =	ssyncset.s32 $0xFFFFF086  }
0x25: {  	[simem:s6], [sflag:s4] =	dma.local [hbm:s3], $0xF7A  }
0x26: {  	[smem:$0x3F8D] =	sst s1;
	(tag) =	ssettag s2;
	_ =	strace s9  }
0x27: {  	s1 =	sld [smem:$0x3F9D]  }
0x28: {  	s2 =	sld [smem:$0x3F9E]  }
0x29: {  	s4 =	sld [smem:$0x3FA0]  }
0x2a: {  	p0 =	seq.s32 s5, $0x0;
	s5 =	sld [smem:$0x3FA1]  }
0x2b: {  	s6 =	sld [smem:$0x3FA2]  }
0x2c: {  	s7 =	sld [smem:$0x3FA3]  }
0x2d: {  	s3 =	simm.s32 $0x108;
	s8 =	sld [smem:$0x3FA4]  }
0x2e: {  	s3 =	simm.s32 @!p0 $0x1082;
	s9 =	sld [smem:$0x3FA5]  }
0x2f: {  	lr =	sadd.s32 s0, s3;
	s0 =	sld [smem:$0x3F9C]  }
0x30: {  	s3 =	sld [smem:$0x3F9F]  }
0x31: {  	[smem:$0x3FA8] =	sst s10  }
0x32: {  	s10 =	sld [smem:$0x3FA6];
	_ =	sdelay $0x3  }
0x33: {  	p0 =	seq.s32 s10, $0x1;
	s10 =	sld [smem:$0x3FA8];
	_ =	sdelay $0x3  }
0x34: {  	[smem:$0x3FA8] =	sst s10  }
0x35: {  	s10 =	sld [smem:$0x3FA7];
	_ =	sdelay $0x3  }
0x36: {  	p1 =	seq.s32 s10, $0x1;
	s10 =	sld [smem:$0x3FA8];
	_ =	sdelay $0x3  }
0x37: {  	[smem:$0x3FA8] =	sst s10  }
0x38: {  	s10 =	sld [smem:$0x3FA9]  }
0x39: {  	_ = 	snop;
	(pc) =	sbr.ind lr, $3  }
0x3a: {  	_ = 	snop  }
0x3b: {  	_ = 	snop  }
0x3c: {  	p2 =	seq.s32 s10, $0x1;
	s10 =	sld [smem:$0x3FA8]  }
0x3d: {  	_ =	shalt  }
0x3e: {  	_ =	shalt  }
0x3f: {  	_ =	shalt  }
0x40: {  	_ =	shalt  }
0x41: {  	_ =	shalt  }
0x42: {  	_ =	shalt  }
0x43: {  	_ =	shalt  }
0x44: {  	_ =	shalt  }
0x45: {  	_ =	shalt  }
0x46: {  	_ =	shalt  }
0x47: {  	_ =	shalt  }
0x48: {  	_ =	shalt  }
0x49: {  	_ =	shalt  }
0x4a: {  	_ =	shalt  }
0x4b: {  	_ =	shalt  }
0x4c: {  	_ =	shalt  }
0x4d: {  	_ =	shalt  }
0x4e: {  	_ =	shalt  }
0x4f: {  	_ =	shalt  }
0x50: {  	_ =	shalt  }
0x51: {  	_ =	shalt  }
0x52: {  	_ =	shalt  }
0x53: {  	_ =	shalt  }
0x54: {  	_ =	shalt  }
0x55: {  	_ =	shalt  }
0x56: {  	_ =	shalt  }
0x57: {  	_ =	shalt  }
0x58: {  	_ =	shalt  }
0x59: {  	_ =	shalt  }
0x5a: {  	_ =	shalt  }
0x5b: {  	_ =	shalt  }
0x5c: {  	_ =	shalt  }
0x5d: {  	_ =	shalt  }
0x5e: {  	_ =	shalt  }
0x5f: {  	_ =	shalt  }
0x60: {  	_ =	shalt  }
0x61: {  	_ =	shalt  }
0x62: {  	_ =	shalt  }
0x63: {  	_ =	shalt  }
0x64: {  	_ =	shalt  }
0x65: {  	_ =	shalt  }
0x66: {  	_ =	shalt  }
0x67: {  	_ =	shalt  }
0x68: {  	_ =	shalt  }
0x69: {  	_ =	shalt  }
0x6a: {  	_ =	shalt  }
0x6b: {  	_ =	shalt  }
0x6c: {  	_ =	shalt  }
0x6d: {  	_ =	shalt  }
0x6e: {  	_ =	shalt  }
0x6f: {  	_ =	shalt  }
0x70: {  	_ =	shalt  }
0x71: {  	_ =	shalt  }
0x72: {  	_ =	shalt  }
0x73: {  	_ =	shalt  }
0x74: {  	_ =	shalt  }
0x75: {  	_ =	shalt  }
0x76: {  	_ =	shalt  }
0x77: {  	_ =	shalt  }
0x78: {  	_ =	shalt  }
0x79: {  	_ =	shalt  }
0x7a: {  	_ =	shalt  }
0x7b: {  	_ =	shalt  }
0x7c: {  	_ =	shalt  }
0x7d: {  	_ =	shalt  }
0x7e: {  	_ =	shalt  }
0x7f: {  	_ =	shalt  }
0x80: {  	_ =	shalt  }
0x81: {  	_ =	shalt  }
0x82: {  	_ =	shalt  }
0x83: {  	_ =	shalt  }
0x84: {  	_ =	shalt  }
0x85: {  	_ =	shalt  }
0x86: {  	_ =	shalt  }
0x87: {  	_ =	shalt  }
.Lfunc_end0:
.L_simem_size_0:
called_computation.2_lowered:
.L_overlay_start_0:
0x88: {  	s2 =	sld [smem:$0x3FD9]  }
0x89: {  	s3 =	sld [smem:$0x3FFE];
	_ =	sdelay $0x1  }
0x8a: {  	s1 =	srdreg.scid  }
0x8b: {  	s0 =	sand.u32 $0x1, s1  }
0x8c: {  	s16 =	sshll.u32 s0, $0xA;
	s2 =	sadd.s32 s3, s2  }
0x8d: {  	s2 =	sadd.s32 s2, s16  }
0x8e: {  	[smem:$0x3FB4] =	sst s2  }
0x8f: {  	_ = 	snop  }
0x90: {  	(tm) =	ssettm $0x1  }
0x91: {  	s17 =	sld [smem:$0x3FFB];
	_ =	sdelay $0x3  }
0x92: {  	_ =	strace s17  }
0x93: {  	s2 =	sld [smem:$0x3FFC];
	_ =	sdelay $0x3  }
0x94: {  	_ =	strace s2  }
0x95: {  	s2 =	sld [smem:$0x3FFD];
	_ =	sdelay $0x3  }
0x96: {  	_ =	strace s2  }
0x97: {  	_ =	strace $0x8FFFFFFF  }
0x98: {  	s18 =	sld [smem:$0x3FDB];
	_ =	sdelay $0x1  }
0x99: {  	s19 =	simm.s32 $_scs_section_size  }
0x9a: {  	s4 =	simm.s32 $_size__tile_overlayer_lowered;
	s5 =	simm.s32 $_tile_overlayer_lowered  }
0x9b: {  	s22 =	simm.s32 $0x1BFF;
	s21 =	sshll.u32 s5, $0x1;
	s2 =	sadd.s32 s19, s18  }
0x9c: {  	s6 =	simm.s32 $0x0;
	s20 =	sshll.u32 s4, $0x1;
	s4 =	sadd.s32 s21, s2  }
0x9d: {  	[timem:s6], [sflag:s22] =	dma.local [hbm:s4], s20  }
0x9e: {  	_ =	swait.ge [sflag:s22], s20  }
0x9f: {  	s3 =	ssub.s32 $0x0, s20;
	[sflag:s22] =	ssyncset.done $0x0  }
0xa0: {  	[sflag:s22] =	ssyncadd.s32 s3;
	_ =	sdelay $0x1  }
0xa1: {  	s23 =	simm.s32 $0x1B8B  }
0xa2: {  	_ =	swait.ge [sflag:s23], $0x1  }
0xa3: {  	[sflag:s23] =	ssyncset.done $0x0  }
0xa4: {  	s25 =	simm.s32 $0x1B8E;
	s24 =	sld [smem:$0x3FFE];
	[sflag:s23] =	ssyncadd.s32 $0xFFFFFFFF  }
0xa5: {  	s26 =	simm.s32 $execute0_lowered;
	[smem:$0x3FD2] =	sst s25  }
0xa6: {  	s4 =	sshll.u32 s26, $0x1;
	_ =	strace $0x8000004C;
	[dreg:$0x1] =	wrdreg $0xFFFFFFFF  }
0xa7: {  	s28 =	simm.s32 $_size_execute0_lowered;
	s2 =	sadd.s32 s2, s4;
	[dreg:$0x0] =	wrdreg $0x0  }
0xa8: {  	s4 =	sshll.u32 s28, $0x1;
	[dreg:$0x2] =	wrdreg s2  }
0xa9: {  	[dreg:$0x3] =	wrdreg s4  }
0xaa: {  	[dreg:$0x4] =	wrdreg $0xC0  }
0xab: {  	_ =	task [dreg:s6], $0x5FFFF  }
0xac: {  	[dreg:$0x1] =	wrdreg $0xFFFFFFFF  }
0xad: {  	[dreg:$0x0] =	wrdreg $0x60  }
0xae: {  	[dreg:$0x2] =	wrdreg s24  }
0xaf: {  	[dreg:$0x3] =	wrdreg $0x9  }
0xb0: {  	_ =	task.clear_ibuf [dreg:s6], $0x4FFFF;
	_ =	strace $0x9000004C  }
0xb1: {  	s29 =	simm.s32 $0x9;
	_ =	strace $0x8000004E  }
0xb2: {  	_ =	swait.ge [sflag:s29], $0x1  }
0xb3: {  	[sflag:s29] =	ssyncadd.s32 $0xFFFFFFFF  }
0xb4: {  	_ =	strace $0x9000004E  }
0xb5: {  	_ =	sfence  }
0xb6: {  	s30 =	sld [smem:$0x0];
	_ =	sdelay $0x2  }
0xb7: {  	s31 =	sshll.u32 s1, $0xD;
	s1 =	sshrl.u32 s1, $0x2  }
0xb8: {  	s3 =	sand.u32 $0x4000, s31;
	s1 =	sadd.s32 s1, s30  }
0xb9: {  	s0 =	sor.u32 s3, s0;
	s1 =	sshll.u32 s1, $0x11  }
0xba: {  	s0 =	sor.u32 s1, s0  }
0xbb: {  	s0 =	sadd.s32 $0x8F2B, s0  }
0xbc: {  	[sflag:s0] =	ssyncadd.remote.s32 $0x1  }
0xbd: {  	_ =	sfence.sel $0xFFFF  }
0xbe: {  	[dreg:$0x0] =	wrdreg $0xFFFFFFFF;
	(pc) =	sbr.abs _section_cstart, $3  }
0xbf: {  	[dreg:$0x1] =	wrdreg $0xFFFFFFFF  }
0xc0: {  	_ =	task.clear_ibuf [dreg:s6], $0x2FFFF;
	_ =	strace $0x9FFFFFFF  }
0xc1: {  	(tm) =	ssettm $0x7FFFFFFF  }
tec
execute0_lowered:
.L_overlay_start_1:
0x0: {  	(tag) =	ssettag $0x1  }
0x1: {  	s0 =	rddreg [dreg:$0x0];
	s2 =	simm.s32 $0x0  }
0x2: {  	s25 =	simm.s32 $0x900;
	[smem:$0x7FF] =	sst s2  }
0x3: {  	s26 =	simm.s32 $0xD00;
	_ =	strace $0x8000004D;
	[dreg:$0x3] =	wrdreg s25  }
0x4: {  	s6 =	simm.s32 $0x1900;
	[dreg:$0x4] =	wrdreg s26  }
0x5: {  	s7 =	simm.s32 $0x2100;
	[dreg:$0x6] =	wrdreg s6  }
0x6: {  	s8 =	simm.s32 $0x2500;
	[dreg:$0x7] =	wrdreg s7  }
0x7: {  	s9 =	simm.s32 $0x2D00;
	[dreg:$0x8] =	wrdreg s8  }
0x8: {  	s10 =	simm.s32 $0x3100;
	[dreg:$0x9] =	wrdreg s9  }
0x9: {  	s11 =	simm.s32 $0x3900;
	[dreg:$0xa] =	wrdreg s10  }
0xa: {  	s12 =	simm.s32 $0x3D00;
	[dreg:$0xb] =	wrdreg s11  }
0xb: {  	s13 =	simm.s32 $0x4500;
	[dreg:$0xc] =	wrdreg s12  }
0xc: {  	s14 =	simm.s32 $0x4900;
	[dreg:$0xd] =	wrdreg s13  }
0xd: {  	s15 =	simm.s32 $0x5100;
	[dreg:$0xe] =	wrdreg s14  }
0xe: {  	s16 =	simm.s32 $0x5500;
	[dreg:$0xf] =	wrdreg s15  }
0xf: {  	s17 =	simm.s32 $0x5D00;
	[dreg:$0x10] =	wrdreg s16  }
0x10: {  	s18 =	simm.s32 $0x6100;
	[dreg:$0x11] =	wrdreg s17  }
0x11: {  	s19 =	simm.s32 $0x6900;
	[dreg:$0x12] =	wrdreg s18  }
0x12: {  	s20 =	simm.s32 $0x6D00;
	[dreg:$0x13] =	wrdreg s19  }
0x13: {  	s21 =	simm.s32 $0x7500;
	[dreg:$0x14] =	wrdreg s20  }
0x14: {  	s22 =	simm.s32 $0x7900;
	[dreg:$0x15] =	wrdreg s21  }
0x15: {  	s23 =	simm.s32 $0x8100;
	[dreg:$0x16] =	wrdreg s22  }
0x16: {  	s24 =	simm.s32 $0x8500;
	[dreg:$0x17] =	wrdreg s23  }
0x17: {  	[dreg:$0x18] =	wrdreg s24;
	s25 =	simm.s32 $0x8D00  }
0x18: {  	s26 =	simm.s32 $0x9100;
	[dreg:$0x19] =	wrdreg s25  }
0x19: {  	s5 =	stileid.u32;
	s6 =	simm.s32 $0x9D00;
	[dreg:$0x1a] =	wrdreg s26  }
0x1a: {  	s1 =	srdreg.scid;
	s7 =	simm.s32 $0xA500;
	[dreg:$0x1c] =	wrdreg s6  }
0x1b: {  	s28 =	simm.s32 $0x17500;
	s8 =	simm.s32 $0xA900;
	[dreg:$0x1d] =	wrdreg s7  }
0x1c: {  	s29 =	simm.s32 $0x17D00;
	s9 =	simm.s32 $0xB100;
	[dreg:$0x1e] =	wrdreg s8  }
0x1d: {  	s30 =	simm.s32 $0x1;
	s10 =	simm.s32 $0xB500;
	[dreg:$0x1f] =	wrdreg s9  }
0x1e: {  	s31 =	simm.s32 $0x0;
	s11 =	simm.s32 $0xBD00;
	[smem:$0x7EE] =	sst s10  }
0x1f: {  	s3 =	sshll.u32 s5, $0x8;
	s13 =	simm.s32 $0xC100;
	[smem:$0x7EF] =	sst s11  }
0x20: {  	s1 =	sand.u32 $0x1, s1;
	s14 =	simm.s32 $0xC900;
	[smem:$0x7F0] =	sst s13  }
0x21: {  	s3 =	sadd.s32 s3, s0;
	s15 =	simm.s32 $0xCD00;
	[smem:$0x7F1] =	sst s14  }
0x22: {  	s4 =	sshll.u32 s1, $0x7;
	s17 =	simm.s32 $0xD500;
	[smem:$0x7F2] =	sst s15  }
0x23: {  	s12 =	smul.u32 $0x18000, s5;
	s18 =	simm.s32 $0xD900;
	[smem:$0x7F3] =	sst s17  }
0x24: {  	s16 =	ssub.s32 $0x2, s1;
	s19 =	simm.s32 $0xE100;
	[smem:$0x7F4] =	sst s18  }
0x25: {  	s20 =	simm.s32 $0xE500;
	s1 =	smul.u32 $0xC000, s1;
	[smem:$0x7F5] =	sst s19  }
0x26: {  	s21 =	simm.s32 $0xED00;
	s22 =	simm.s32 $0xF100;
	[smem:$0x7F6] =	sst s20  }
0x27: {  	s23 =	simm.s32 $0xF900;
	s3 =	sadd.s32 s4, s3;
	[smem:$0x7F8] =	sst s21  }
0x28: {  	s4 =	simm.s32 $0x1500;
	s7 =	sshrl.u32 s16, $0x1;
	[smem:$0x7F9] =	sst s22  }
0x29: {  	[smem:$0x7FB] =	sst s23;
	s25 =	simm.s32 $0xFD00;
	s26 =	simm.s32 $0x10500  }
0x2a: {  	s8 =	simm.s32 $0x100;
	s9 =	simm.s32 $0x10900;
	s10 =	simm.s32 $0x11100  }
0x2b: {  	s11 =	simm.s32 $0x11500;
	s13 =	simm.s32 $0x12100;
	s14 =	simm.s32 $0x12900  }
0x2c: {  	s15 =	simm.s32 $0x12D00;
	s17 =	simm.s32 $0x13900;
	s18 =	simm.s32 $0x14100  }
0x2d: {  	s19 =	simm.s32 $0x14500;
	s20 =	simm.s32 $0x14D00;
	s21 =	simm.s32 $0x15100  }
0x2e: {  	s22 =	simm.s32 $0x15900;
	s23 =	simm.s32 $0x15D00;
	s3 =	sadd.s32 $0x4E00, s3  }
0x2f: {  	[dreg:$0x5] =	wrdreg s4;
	s4 =	simm.s32 $0x9900;
	s6 =	sadd.s32 s12, s0  }
0x30: {  	s5 =	ssub.s32 s16, s7;
	s7 =	simm.s32 $0x2;
	[smem:$0x7FC] =	sst s25  }
0x31: {  	[smem:$0x7FD] =	sst s26;
	s12 =	simm.s32 $0x11D00;
	s16 =	simm.s32 $0x13500  }
0x32: {  	s25 =	simm.s32 $0x16900;
	s26 =	simm.s32 $0x17100;
	[dreg:$0x2] =	wrdreg s3  }
0x33: {  	v2 =	vlaneseq.u32;
	[dreg:$0x1b] =	wrdreg s4;
	s5 =	smax.u32 s5, $0x1;
	s1 =	sadd.s32 s1, s6  }
0x34: {  	vm0 =	vmmov $0xffff;
	vm1 =	vmmov $0xff;
	v1 =	vshrl.u32 v2, $0x3;
	s3 =	sadd.s32 $0x1DE00, s0;
	[smem:$0x7F7] =	sst s5;
	s24 =	sadd.s32 $0x35E00, s1  }
0x35: {  	v0 =	vand.u32 $0x7, v2;
	v2 =	vor.u32 $0x8, v2;
	v1 =	vmul.u32 $0x8, v1;
	s4 =	sadd.s32 $0x1DF00, s0;
	[smem:$0x7FA] =	sst s24;
	s24 =	simm.s32 $0x16500  }
.LBB2_1:
0x36: {  	s6 =	sld [smem:$0x7FA];
	s1 =	simm.s32 $0x0  }
.LBB2_2:
0x37: {  	s5 =	rddreg [dreg:$0x2]  }
0x38: {  	s5 =	sadd.s32 s1, s5  }
0x39: {  	[tilespmem:s2], [sflag:$0x2] =	stream.linear.gather [hbm4b:s5+s2], $0x100, $0x38;
	[tilespmem:$0x18100] =	vst v63  }
0x3a: {  	_ =	swait.ge [sflag:s7], $0x100  }
0x3b: {  	[sflag:s7] =	ssyncset.done $0x0  }
0x3c: {  	[sflag:s7] =	ssyncadd.s32 $0xFFFFFF00  }
0x3d: {  	v3 =	vld [tilespmem:$0x0];
	_ =	sdelay $0x4  }
0x3e: {  	v4 =	vshrl.u32 v3, $0x3  }
0x3f: {  	v4 =	vmul.u32 $0x18, v4  }
0x40: {  	v3 =	vand.u32 $0x7, v3  }
0x41: {  	v3 =	vor.u32 v3, v4  }
0x42: {  	v4 =	vperm.xlane v3, v0;
	_ =	sdelay $0x1  }
0x43: {  	v4 =	vadd.s32 v1, v4;
	_ =	sdelay $0x1  }
0x44: {  	v3 =	vperm.xlane v3, v2;
	_ =	sdelay $0x1  }
0x45: {  	v3 =	vadd.s32 v1, v3  }
0x46: {  	[tilespmem:s8], [sflag:$0x1] =	stream.indirect_vreg.gather [hbm4b:s3+s2], $0x80, v4, vm0, $0xb8;
	[tilespmem:$0x18100] =	vst v63  }
0x47: {  	s5 =	rddreg [dreg:$0x3]  }
0x48: {  	[tilespmem:s5], [sflag:$0x1] =	stream.indirect_vreg.gather [hbm4b:s4+s2], $0x80, v4, vm1, $0xb8;
	[tilespmem:$0x18100] =	vst v63  }
0x49: {  	s0 =	rddreg [dreg:$0x4]  }
0x4a: {  	[tilespmem:s0], [sflag:$0x1] =	stream.indirect_vreg.gather [hbm4b:s3+s2], $0x80, v3, vm0, $0xb8;
	[tilespmem:$0x18100] =	vst v63  }
0x4b: {  	s5 =	rddreg [dreg:$0x5]  }
0x4c: {  	[tilespmem:s5], [sflag:$0x1] =	stream.indirect_vreg.gather [hbm4b:s4+s2], $0x80, v3, vm1, $0xb8;
	[tilespmem:$0x18100] =	vst v63  }
0x4d: {  	v3 =	vld [tilespmem:$0x10];
	_ =	sdelay $0x4  }
0x4e: {  	v49 =	vshrl.u32 v3, $0x3  }
0x4f: {  	v4 =	vmul.u32 $0x18, v49  }
0x50: {  	v3 =	vand.u32 $0x7, v3  }
0x51: {  	v3 =	vor.u32 v3, v4  }
0x52: {  	v4 =	vperm.xlane v3, v0;
	_ =	sdelay $0x1  }
0x53: {  	v4 =	vadd.s32 v1, v4;
	_ =	sdelay $0x1  }
0x54: {  	v3 =	vperm.xlane v3, v2;
	_ =	sdelay $0x1  }
0x55: {  	s0 =	rddreg [dreg:$0x6];
	v3 =	vadd.s32 v1, v3  }
0x56: {  	[tilespmem:s0], [sflag:$0x1] =	stream.indirect_vreg.gather [hbm4b:s3+s2], $0x80, v4, vm0, $0xb8;
	[tilespmem:$0x18100] =	vst v63  }
0x57: {  	s5 =	rddreg [dreg:$0x7]  }
0x58: {  	[tilespmem:s5], [sflag:$0x1] =	stream.indirect_vreg.gather [hbm4b:s4+s2], $0x80, v4, vm1, $0xb8;
	[tilespmem:$0x18100] =	vst v63  }
0x59: {  	s0 =	rddreg [dreg:$0x8]  }
0x5a: {  	[tilespmem:s0], [sflag:$0x1] =	stream.indirect_vreg.gather [hbm4b:s3+s2], $0x80, v3, vm0, $0xb8;
	[tilespmem:$0x18100] =	vst v63  }
0x5b: {  	s5 =	rddreg [dreg:$0x9]  }
0x5c: {  	[tilespmem:s5], [sflag:$0x1] =	stream.indirect_vreg.gather [hbm4b:s4+s2], $0x80, v3, vm1, $0xb8;
	[tilespmem:$0x18100] =	vst v63  }
0x5d: {  	v3 =	vld [tilespmem:$0x20];
	_ =	sdelay $0x4  }
0x5e: {  	v50 =	vshrl.u32 v3, $0x3  }
0x5f: {  	v4 =	vmul.u32 $0x18, v50  }
0x60: {  	v3 =	vand.u32 $0x7, v3  }
0x61: {  	v3 =	vor.u32 v3, v4  }
0x62: {  	v4 =	vperm.xlane v3, v0;
	_ =	sdelay $0x1  }
0x63: {  	v4 =	vadd.s32 v1, v4;
	_ =	sdelay $0x1  }
0x64: {  	v3 =	vperm.xlane v3, v2;
	_ =	sdelay $0x1  }
0x65: {  	s0 =	rddreg [dreg:$0xa];
	v3 =	vadd.s32 v1, v3  }
0x66: {  	[tilespmem:s0], [sflag:$0x1] =	stream.indirect_vreg.gather [hbm4b:s3+s2], $0x80, v4, vm0, $0xb8;
	[tilespmem:$0x18100] =	vst v63  }
0x67: {  	s5 =	rddreg [dreg:$0xb]  }
0x68: {  	[tilespmem:s5], [sflag:$0x1] =	stream.indirect_vreg.gather [hbm4b:s4+s2], $0x80, v4, vm1, $0xb8;
	[tilespmem:$0x18100] =	vst v63  }
0x69: {  	s0 =	rddreg [dreg:$0xc]  }
0x6a: {  	[tilespmem:s0], [sflag:$0x1] =	stream.indirect_vreg.gather [hbm4b:s3+s2], $0x80, v3, vm0, $0xb8;
	[tilespmem:$0x18100] =	vst v63  }
0x6b: {  	s5 =	rddreg [dreg:$0xd]  }
0x6c: {  	[tilespmem:s5], [sflag:$0x1] =	stream.indirect_vreg.gather [hbm4b:s4+s2], $0x80, v3, vm1, $0xb8;
	[tilespmem:$0x18100] =	vst v63  }
0x6d: {  	v3 =	vld [tilespmem:$0x30];
	_ =	sdelay $0x4  }
0x6e: {  	v51 =	vshrl.u32 v3, $0x3  }
0x6f: {  	v4 =	vmul.u32 $0x18, v51  }
0x70: {  	v3 =	vand.u32 $0x7, v3  }
0x71: {  	v3 =	vor.u32 v3, v4  }
0x72: {  	v4 =	vperm.xlane v3, v0;
	_ =	sdelay $0x1  }
0x73: {  	v4 =	vadd.s32 v1, v4;
	_ =	sdelay $0x1  }
0x74: {  	v3 =	vperm.xlane v3, v2;
	_ =	sdelay $0x1  }
0x75: {  	s0 =	rddreg [dreg:$0xe];
	v3 =	vadd.s32 v1, v3  }
0x76: {  	[tilespmem:s0], [sflag:$0x1] =	stream.indirect_vreg.gather [hbm4b:s3+s2], $0x80, v4, vm0, $0xb8;
	[tilespmem:$0x18100] =	vst v63  }
0x77: {  	s5 =	rddreg [dreg:$0xf]  }
0x78: {  	[tilespmem:s5], [sflag:$0x1] =	stream.indirect_vreg.gather [hbm4b:s4+s2], $0x80, v4, vm1, $0xb8;
	[tilespmem:$0x18100] =	vst v63  }
0x79: {  	s0 =	rddreg [dreg:$0x10]  }
0x7a: {  	[tilespmem:s0], [sflag:$0x1] =	stream.indirect_vreg.gather [hbm4b:s3+s2], $0x80, v3, vm0, $0xb8;
	[tilespmem:$0x18100] =	vst v63  }
0x7b: {  	s5 =	rddreg [dreg:$0x11]  }
0x7c: {  	[tilespmem:s5], [sflag:$0x1] =	stream.indirect_vreg.gather [hbm4b:s4+s2], $0x80, v3, vm1, $0xb8;
	[tilespmem:$0x18100] =	vst v63  }
0x7d: {  	v3 =	vld [tilespmem:$0x40];
	_ =	sdelay $0x4  }
0x7e: {  	v52 =	vshrl.u32 v3, $0x3  }
0x7f: {  	v4 =	vmul.u32 $0x18, v52  }
0x80: {  	v3 =	vand.u32 $0x7, v3  }
0x81: {  	v3 =	vor.u32 v3, v4  }
0x82: {  	v4 =	vperm.xlane v3, v0;
	_ =	sdelay $0x1  }
0x83: {  	v4 =	vadd.s32 v1, v4;
	_ =	sdelay $0x1  }
0x84: {  	v3 =	vperm.xlane v3, v2;
	_ =	sdelay $0x1  }
0x85: {  	s0 =	rddreg [dreg:$0x12];
	v3 =	vadd.s32 v1, v3  }
0x86: {  	[tilespmem:s0], [sflag:$0x1] =	stream.indirect_vreg.gather [hbm4b:s3+s2], $0x80, v4, vm0, $0xb8;
	[tilespmem:$0x18100] =	vst v63  }
0x87: {  	s5 =	rddreg [dreg:$0x13]  }
0x88: {  	[tilespmem:s5], [sflag:$0x1] =	stream.indirect_vreg.gather [hbm4b:s4+s2], $0x80, v4, vm1, $0xb8;
	[tilespmem:$0x18100] =	vst v63  }
0x89: {  	s0 =	rddreg [dreg:$0x14]  }
0x8a: {  	[tilespmem:s0], [sflag:$0x1] =	stream.indirect_vreg.gather [hbm4b:s3+s2], $0x80, v3, vm0, $0xb8;
	[tilespmem:$0x18100] =	vst v63  }
0x8b: {  	s5 =	rddreg [dreg:$0x15]  }
0x8c: {  	[tilespmem:s5], [sflag:$0x1] =	stream.indirect_vreg.gather [hbm4b:s4+s2], $0x80, v3, vm1, $0xb8;
	[tilespmem:$0x18100] =	vst v63  }
0x8d: {  	v3 =	vld [tilespmem:$0x50];
	_ =	sdelay $0x4  }
0x8e: {  	v53 =	vshrl.u32 v3, $0x3  }
0x8f: {  	v4 =	vmul.u32 $0x18, v53  }
0x90: {  	v3 =	vand.u32 $0x7, v3  }
0x91: {  	v3 =	vor.u32 v3, v4  }
0x92: {  	v4 =	vperm.xlane v3, v0;
	_ =	sdelay $0x1  }
0x93: {  	v4 =	vadd.s32 v1, v4;
	_ =	sdelay $0x1  }
0x94: {  	v3 =	vperm.xlane v3, v2;
	_ =	sdelay $0x1  }
0x95: {  	s0 =	rddreg [dreg:$0x16];
	v3 =	vadd.s32 v1, v3  }
0x96: {  	[tilespmem:s0], [sflag:$0x1] =	stream.indirect_vreg.gather [hbm4b:s3+s2], $0x80, v4, vm0, $0xb8;
	[tilespmem:$0x18100] =	vst v63  }
0x97: {  	s5 =	rddreg [dreg:$0x17]  }
0x98: {  	[tilespmem:s5], [sflag:$0x1] =	stream.indirect_vreg.gather [hbm4b:s4+s2], $0x80, v4, vm1, $0xb8;
	[tilespmem:$0x18100] =	vst v63  }
0x99: {  	s0 =	rddreg [dreg:$0x18]  }
0x9a: {  	[tilespmem:s0], [sflag:$0x1] =	stream.indirect_vreg.gather [hbm4b:s3+s2], $0x80, v3, vm0, $0xb8;
	[tilespmem:$0x18100] =	vst v63  }
0x9b: {  	s5 =	rddreg [dreg:$0x19]  }
0x9c: {  	[tilespmem:s5], [sflag:$0x1] =	stream.indirect_vreg.gather [hbm4b:s4+s2], $0x80, v3, vm1, $0xb8;
	[tilespmem:$0x18100] =	vst v63  }
0x9d: {  	v3 =	vld [tilespmem:$0x60];
	_ =	sdelay $0x4  }
0x9e: {  	v54 =	vshrl.u32 v3, $0x3  }
0x9f: {  	v4 =	vmul.u32 $0x18, v54  }
0xa0: {  	v3 =	vand.u32 $0x7, v3  }
0xa1: {  	v3 =	vor.u32 v3, v4  }
0xa2: {  	v4 =	vperm.xlane v3, v0;
	_ =	sdelay $0x1  }
0xa3: {  	v4 =	vadd.s32 v1, v4;
	_ =	sdelay $0x1  }
0xa4: {  	v3 =	vperm.xlane v3, v2;
	_ =	sdelay $0x1  }
0xa5: {  	s0 =	rddreg [dreg:$0x1a];
	v3 =	vadd.s32 v1, v3  }
0xa6: {  	[tilespmem:s0], [sflag:$0x1] =	stream.indirect_vreg.gather [hbm4b:s3+s2], $0x80, v4, vm0, $0xb8;
	[tilespmem:$0x18100] =	vst v63  }
0xa7: {  	s5 =	rddreg [dreg:$0x1b]  }
0xa8: {  	[tilespmem:s5], [sflag:$0x1] =	stream.indirect_vreg.gather [hbm4b:s4+s2], $0x80, v4, vm1, $0xb8;
	[tilespmem:$0x18100] =	vst v63  }
0xa9: {  	s0 =	rddreg [dreg:$0x1c]  }
0xaa: {  	[tilespmem:s0], [sflag:$0x1] =	stream.indirect_vreg.gather [hbm4b:s3+s2], $0x80, v3, vm0, $0xb8;
	[tilespmem:$0x18100] =	vst v63  }
0xab: {  	s5 =	rddreg [dreg:$0x1d]  }
0xac: {  	[tilespmem:s5], [sflag:$0x1] =	stream.indirect_vreg.gather [hbm4b:s4+s2], $0x80, v3, vm1, $0xb8;
	[tilespmem:$0x18100] =	vst v63  }
0xad: {  	v3 =	vld [tilespmem:$0x70];
	_ =	sdelay $0x4  }
0xae: {  	v55 =	vshrl.u32 v3, $0x3  }
0xaf: {  	v4 =	vmul.u32 $0x18, v55  }
0xb0: {  	v3 =	vand.u32 $0x7, v3  }
0xb1: {  	v3 =	vor.u32 v3, v4  }
0xb2: {  	v4 =	vperm.xlane v3, v0;
	_ =	sdelay $0x1  }
0xb3: {  	v4 =	vadd.s32 v1, v4;
	_ =	sdelay $0x1  }
0xb4: {  	v3 =	vperm.xlane v3, v2  }
0xb5: {  	s0 =	rddreg [dreg:$0x1e]  }
0xb6: {  	s5 =	rddreg [dreg:$0x1f];
	v3 =	vadd.s32 v1, v3  }
0xb7: {  	[tilespmem:s0], [sflag:$0x1] =	stream.indirect_vreg.gather [hbm4b:s3+s2], $0x80, v4, vm0, $0xb8;
	[tilespmem:$0x18100] =	vst v63  }
0xb8: {  	s0 =	sld [smem:$0x7EE]  }
0xb9: {  	[tilespmem:s5], [sflag:$0x1] =	stream.indirect_vreg.gather [hbm4b:s4+s2], $0x80, v4, vm1, $0xb8;
	[tilespmem:$0x18100] =	vst v63  }
0xba: {  	s5 =	sld [smem:$0x7EF]  }
0xbb: {  	[tilespmem:s0], [sflag:$0x1] =	stream.indirect_vreg.gather [hbm4b:s3+s2], $0x80, v3, vm0, $0xb8;
	[tilespmem:$0x18100] =	vst v63  }
0xbc: {  	_ = 	snop  }
0xbd: {  	[tilespmem:s5], [sflag:$0x1] =	stream.indirect_vreg.gather [hbm4b:s4+s2], $0x80, v3, vm1, $0xb8;
	[tilespmem:$0x18100] =	vst v63  }
0xbe: {  	v3 =	vld [tilespmem:$0x80];
	_ =	sdelay $0x4  }
0xbf: {  	v56 =	vshrl.u32 v3, $0x3  }
0xc0: {  	v4 =	vmul.u32 $0x18, v56  }
0xc1: {  	v3 =	vand.u32 $0x7, v3  }
0xc2: {  	v3 =	vor.u32 v3, v4  }
0xc3: {  	v4 =	vperm.xlane v3, v0;
	_ =	sdelay $0x1  }
0xc4: {  	v4 =	vadd.s32 v1, v4;
	_ =	sdelay $0x1  }
0xc5: {  	s0 =	sld [smem:$0x7F0];
	v3 =	vperm.xlane v3, v2;
	_ =	sdelay $0x1  }
0xc6: {  	s5 =	sld [smem:$0x7F1];
	v3 =	vadd.s32 v1, v3  }
0xc7: {  	[tilespmem:s0], [sflag:$0x1] =	stream.indirect_vreg.gather [hbm4b:s3+s2], $0x80, v4, vm0, $0xb8;
	[tilespmem:$0x18100] =	vst v63  }
0xc8: {  	s0 =	sld [smem:$0x7F2]  }
0xc9: {  	[tilespmem:s5], [sflag:$0x1] =	stream.indirect_vreg.gather [hbm4b:s4+s2], $0x80, v4, vm1, $0xb8;
	[tilespmem:$0x18100] =	vst v63  }
0xca: {  	s5 =	sld [smem:$0x7F3]  }
0xcb: {  	[tilespmem:s0], [sflag:$0x1] =	stream.indirect_vreg.gather [hbm4b:s3+s2], $0x80, v3, vm0, $0xb8;
	[tilespmem:$0x18100] =	vst v63  }
0xcc: {  	_ = 	snop  }
0xcd: {  	[tilespmem:s5], [sflag:$0x1] =	stream.indirect_vreg.gather [hbm4b:s4+s2], $0x80, v3, vm1, $0xb8;
	[tilespmem:$0x18100] =	vst v63  }
0xce: {  	v3 =	vld [tilespmem:$0x90];
	_ =	sdelay $0x4  }
0xcf: {  	v57 =	vshrl.u32 v3, $0x3  }
0xd0: {  	v4 =	vmul.u32 $0x18, v57  }
0xd1: {  	v3 =	vand.u32 $0x7, v3  }
0xd2: {  	v3 =	vor.u32 v3, v4  }
0xd3: {  	v4 =	vperm.xlane v3, v0;
	_ =	sdelay $0x1  }
0xd4: {  	v4 =	vadd.s32 v1, v4;
	_ =	sdelay $0x1  }
0xd5: {  	s0 =	sld [smem:$0x7F4];
	v3 =	vperm.xlane v3, v2;
	_ =	sdelay $0x1  }
0xd6: {  	s5 =	sld [smem:$0x7F5];
	v3 =	vadd.s32 v1, v3  }
0xd7: {  	[tilespmem:s0], [sflag:$0x1] =	stream.indirect_vreg.gather [hbm4b:s3+s2], $0x80, v4, vm0, $0xb8;
	[tilespmem:$0x18100] =	vst v63  }
0xd8: {  	s0 =	sld [smem:$0x7F6]  }
0xd9: {  	[tilespmem:s5], [sflag:$0x1] =	stream.indirect_vreg.gather [hbm4b:s4+s2], $0x80, v4, vm1, $0xb8;
	[tilespmem:$0x18100] =	vst v63  }
0xda: {  	s5 =	sld [smem:$0x7F8]  }
0xdb: {  	[tilespmem:s0], [sflag:$0x1] =	stream.indirect_vreg.gather [hbm4b:s3+s2], $0x80, v3, vm0, $0xb8;
	[tilespmem:$0x18100] =	vst v63  }
0xdc: {  	_ = 	snop  }
0xdd: {  	[tilespmem:s5], [sflag:$0x1] =	stream.indirect_vreg.gather [hbm4b:s4+s2], $0x80, v3, vm1, $0xb8;
	[tilespmem:$0x18100] =	vst v63  }
0xde: {  	v3 =	vld [tilespmem:$0xA0];
	_ =	sdelay $0x4  }
0xdf: {  	v58 =	vshrl.u32 v3, $0x3  }
0xe0: {  	v4 =	vmul.u32 $0x18, v58  }
0xe1: {  	v3 =	vand.u32 $0x7, v3  }
0xe2: {  	v3 =	vor.u32 v3, v4  }
0xe3: {  	v4 =	vperm.xlane v3, v0;
	_ =	sdelay $0x1  }
0xe4: {  	v4 =	vadd.s32 v1, v4;
	_ =	sdelay $0x1  }
0xe5: {  	s0 =	sld [smem:$0x7F9];
	v3 =	vperm.xlane v3, v2;
	_ =	sdelay $0x1  }
0xe6: {  	s5 =	sld [smem:$0x7FB];
	v3 =	vadd.s32 v1, v3  }
0xe7: {  	[tilespmem:s0], [sflag:$0x1] =	stream.indirect_vreg.gather [hbm4b:s3+s2], $0x80, v4, vm0, $0xb8;
	[tilespmem:$0x18100] =	vst v63  }
0xe8: {  	s0 =	sld [smem:$0x7FC]  }
0xe9: {  	[tilespmem:s5], [sflag:$0x1] =	stream.indirect_vreg.gather [hbm4b:s4+s2], $0x80, v4, vm1, $0xb8;
	[tilespmem:$0x18100] =	vst v63  }
0xea: {  	s5 =	sld [smem:$0x7FD]  }
0xeb: {  	[tilespmem:s0], [sflag:$0x1] =	stream.indirect_vreg.gather [hbm4b:s3+s2], $0x80, v3, vm0, $0xb8;
	[tilespmem:$0x18100] =	vst v63  }
0xec: {  	_ = 	snop  }
0xed: {  	[tilespmem:s5], [sflag:$0x1] =	stream.indirect_vreg.gather [hbm4b:s4+s2], $0x80, v3, vm1, $0xb8;
	[tilespmem:$0x18100] =	vst v63  }
0xee: {  	v3 =	vld [tilespmem:$0xB0];
	_ =	sdelay $0x4  }
0xef: {  	v59 =	vshrl.u32 v3, $0x3  }
0xf0: {  	v4 =	vmul.u32 $0x18, v59  }
0xf1: {  	v3 =	vand.u32 $0x7, v3  }
0xf2: {  	v3 =	vor.u32 v3, v4  }
0xf3: {  	v4 =	vperm.xlane v3, v0;
	_ =	sdelay $0x1  }
0xf4: {  	v4 =	vadd.s32 v1, v4;
	_ =	sdelay $0x1  }
0xf5: {  	v3 =	vperm.xlane v3, v2;
	_ =	sdelay $0x1  }
0xf6: {  	v3 =	vadd.s32 v1, v3  }
0xf7: {  	[tilespmem:s9], [sflag:$0x1] =	stream.indirect_vreg.gather [hbm4b:s3+s2], $0x80, v4, vm0, $0xb8;
	[tilespmem:$0x18100] =	vst v63  }
0xf8: {  	_ = 	snop  }
0xf9: {  	[tilespmem:s10], [sflag:$0x1] =	stream.indirect_vreg.gather [hbm4b:s4+s2], $0x80, v4, vm1, $0xb8;
	[tilespmem:$0x18100] =	vst v63  }
0xfa: {  	_ = 	snop  }
0xfb: {  	[tilespmem:s11], [sflag:$0x1] =	stream.indirect_vreg.gather [hbm4b:s3+s2], $0x80, v3, vm0, $0xb8;
	[tilespmem:$0x18100] =	vst v63  }
0xfc: {  	_ = 	snop  }
0xfd: {  	[tilespmem:s12], [sflag:$0x1] =	stream.indirect_vreg.gather [hbm4b:s4+s2], $0x80, v3, vm1, $0xb8;
	[tilespmem:$0x18100] =	vst v63  }
0xfe: {  	v3 =	vld [tilespmem:$0xC0];
	_ =	sdelay $0x4  }
0xff: {  	v60 =	vshrl.u32 v3, $0x3  }
0x100: {  	v4 =	vmul.u32 $0x18, v60  }
0x101: {  	v3 =	vand.u32 $0x7, v3  }
0x102: {  	v3 =	vor.u32 v3, v4  }
0x103: {  	v4 =	vperm.xlane v3, v0;
	_ =	sdelay $0x1  }
0x104: {  	v4 =	vadd.s32 v1, v4;
	_ =	sdelay $0x1  }
0x105: {  	v3 =	vperm.xlane v3, v2;
	_ =	sdelay $0x1  }
0x106: {  	v3 =	vadd.s32 v1, v3  }
0x107: {  	[tilespmem:s13], [sflag:$0x1] =	stream.indirect_vreg.gather [hbm4b:s3+s2], $0x80, v4, vm0, $0xb8;
	[tilespmem:$0x18100] =	vst v63  }
0x108: {  	_ = 	snop  }
0x109: {  	[tilespmem:s14], [sflag:$0x1] =	stream.indirect_vreg.gather [hbm4b:s4+s2], $0x80, v4, vm1, $0xb8;
	[tilespmem:$0x18100] =	vst v63  }
0x10a: {  	_ = 	snop  }
0x10b: {  	[tilespmem:s15], [sflag:$0x1] =	stream.indirect_vreg.gather [hbm4b:s3+s2], $0x80, v3, vm0, $0xb8;
	[tilespmem:$0x18100] =	vst v63  }
0x10c: {  	_ = 	snop  }
0x10d: {  	[tilespmem:s16], [sflag:$0x1] =	stream.indirect_vreg.gather [hbm4b:s4+s2], $0x80, v3, vm1, $0xb8;
	[tilespmem:$0x18100] =	vst v63  }
0x10e: {  	v3 =	vld [tilespmem:$0xD0];
	_ =	sdelay $0x4  }
0x10f: {  	v61 =	vshrl.u32 v3, $0x3  }
0x110: {  	v4 =	vmul.u32 $0x18, v61  }
0x111: {  	v3 =	vand.u32 $0x7, v3  }
0x112: {  	v3 =	vor.u32 v3, v4  }
0x113: {  	v4 =	vperm.xlane v3, v0;
	_ =	sdelay $0x1  }
0x114: {  	v4 =	vadd.s32 v1, v4;
	_ =	sdelay $0x1  }
0x115: {  	v3 =	vperm.xlane v3, v2;
	_ =	sdelay $0x1  }
0x116: {  	v3 =	vadd.s32 v1, v3  }
0x117: {  	[tilespmem:s17], [sflag:$0x1] =	stream.indirect_vreg.gather [hbm4b:s3+s2], $0x80, v4, vm0, $0xb8;
	[tilespmem:$0x18100] =	vst v63  }
0x118: {  	_ = 	snop  }
0x119: {  	[tilespmem:s18], [sflag:$0x1] =	stream.indirect_vreg.gather [hbm4b:s4+s2], $0x80, v4, vm1, $0xb8;
	[tilespmem:$0x18100] =	vst v63  }
0x11a: {  	_ = 	snop  }
0x11b: {  	[tilespmem:s19], [sflag:$0x1] =	stream.indirect_vreg.gather [hbm4b:s3+s2], $0x80, v3, vm0, $0xb8;
	[tilespmem:$0x18100] =	vst v63  }
0x11c: {  	_ = 	snop  }
0x11d: {  	[tilespmem:s20], [sflag:$0x1] =	stream.indirect_vreg.gather [hbm4b:s4+s2], $0x80, v3, vm1, $0xb8;
	[tilespmem:$0x18100] =	vst v63  }
0x11e: {  	v3 =	vld [tilespmem:$0xE0];
	_ =	sdelay $0x4  }
0x11f: {  	v62 =	vshrl.u32 v3, $0x3  }
0x120: {  	v4 =	vmul.u32 $0x18, v62  }
0x121: {  	v3 =	vand.u32 $0x7, v3  }
0x122: {  	v3 =	vor.u32 v3, v4  }
0x123: {  	v4 =	vperm.xlane v3, v0;
	_ =	sdelay $0x1  }
0x124: {  	v4 =	vadd.s32 v1, v4;
	_ =	sdelay $0x1  }
0x125: {  	v3 =	vperm.xlane v3, v2;
	_ =	sdelay $0x1  }
0x126: {  	v3 =	vadd.s32 v1, v3  }
0x127: {  	[tilespmem:s21], [sflag:$0x1] =	stream.indirect_vreg.gather [hbm4b:s3+s2], $0x80, v4, vm0, $0xb8;
	[tilespmem:$0x18100] =	vst v63  }
0x128: {  	_ = 	snop  }
0x129: {  	[tilespmem:s22], [sflag:$0x1] =	stream.indirect_vreg.gather [hbm4b:s4+s2], $0x80, v4, vm1, $0xb8;
	[tilespmem:$0x18100] =	vst v63  }
0x12a: {  	_ = 	snop  }
0x12b: {  	[tilespmem:s23], [sflag:$0x1] =	stream.indirect_vreg.gather [hbm4b:s3+s2], $0x80, v3, vm0, $0xb8;
	[tilespmem:$0x18100] =	vst v63  }
0x12c: {  	_ = 	snop  }
0x12d: {  	[tilespmem:s24], [sflag:$0x1] =	stream.indirect_vreg.gather [hbm4b:s4+s2], $0x80, v3, vm1, $0xb8;
	[tilespmem:$0x18100] =	vst v63  }
0x12e: {  	v3 =	vld [tilespmem:$0xF0];
	_ =	sdelay $0x4  }
0x12f: {  	v63 =	vshrl.u32 v3, $0x3  }
0x130: {  	v4 =	vmul.u32 $0x18, v63  }
0x131: {  	v3 =	vand.u32 $0x7, v3  }
0x132: {  	v3 =	vor.u32 v3, v4  }
0x133: {  	v4 =	vperm.xlane v3, v0;
	_ =	sdelay $0x1  }
0x134: {  	v4 =	vadd.s32 v1, v4;
	_ =	sdelay $0x1  }
0x135: {  	v3 =	vperm.xlane v3, v2;
	_ =	sdelay $0x1  }
0x136: {  	v3 =	vadd.s32 v1, v3  }
0x137: {  	[tilespmem:s25], [sflag:$0x1] =	stream.indirect_vreg.gather [hbm4b:s3+s2], $0x80, v4, vm0, $0xb8;
	[tilespmem:$0x18100] =	vst v63  }
0x138: {  	_ = 	snop  }
0x139: {  	[tilespmem:s26], [sflag:$0x1] =	stream.indirect_vreg.gather [hbm4b:s4+s2], $0x80, v4, vm1, $0xb8;
	[tilespmem:$0x18100] =	vst v63  }
0x13a: {  	_ = 	snop  }
0x13b: {  	[tilespmem:s28], [sflag:$0x1] =	stream.indirect_vreg.gather [hbm4b:s3+s2], $0x80, v3, vm0, $0xb8;
	[tilespmem:$0x18100] =	vst v63  }
0x13c: {  	_ = 	snop  }
0x13d: {  	[tilespmem:s29], [sflag:$0x1] =	stream.indirect_vreg.gather [hbm4b:s4+s2], $0x80, v3, vm1, $0xb8;
	[tilespmem:$0x18100] =	vst v63  }
0x13e: {  	_ =	swait.ge [sflag:s30], $0x18000  }
0x13f: {  	p0 =	sne.s32 s1, $0x60;
	[sflag:s30] =	ssyncset.done $0x0  }
.Ltmp0:
0x140: {  	[sflag:s30] =	ssyncadd.s32 $0xFFFE8000;
	(pc) =	sbr.rel @p0 .LBB2_2-.Ltmp0, $4  }
0x141: {  	[hbm4b:s6+s2] =	stream.linear.scatter [tilespmem:s8], [sflag:$0x2], $0x18000, $0x38;
	[tilespmem:$0x18100] =	vst v63  }
0x142: {  	_ =	swait.ge [sflag:s7], $0x18000  }
0x143: {  	[sflag:s7] =	ssyncset.done $0x0  }
0x144: {  	s1 =	sadd.s32 $0x20, s1;
	s6 =	sadd.s32 $0x3000, s6;
	[sflag:s7] =	ssyncadd.s32 $0xFFFE8000  }
0x145: {  	s0 =	sld [smem:$0x7F7];
	_ =	sdelay $0x1  }
0x146: {  	s31 =	sadd.s32 $0x1, s31  }
0x147: {  	p0 =	sne.s32 s31, s0  }
.Ltmp1:
0x148: {  	_ = 	snop;
	(pc) =	sbr.rel @p0 .LBB2_1-.Ltmp1, $1  }
0x149: {  	_ =	sdelay $0x3  }
0x14a: {  	_ =	sfence.sel $0x180000  }
0x14b: {  	[bflag:$0x0] =	sbarrier.arrive $0xFFFF  }
0x14c: {  	_ =	strace $0x9000004D  }
0x14d: {  	s0 =	stileid.u32;
	[bflag:$0x2] =	sbarrier.arrive $0xFFFF  }
0x14e: {  	p0 =	sne.s32 s0, $0x0;
	s0 =	rddreg [dreg:$0x1]  }
0x14f: {  	s0 =	sadd.s32 @!p0 $0x100000, s0  }
0x150: {  	[sflag:s0] =	ssyncadd.tile.s32 @!p0 $0x1;
	_ =	shalt  }
.Lfunc_end2:
_tile_overlayer_lowered:
.L_overlay_start_2:
0x151: {  	(tag) =	ssettag $0x2  }
0x152: {  	s0 =	rddreg [dreg:$0x0];
	s2 =	stileid.u32  }
0x153: {  	s1 =	rddreg [dreg:$0x1];
	p0 =	sne.s32 s2, $0x0  }
0x154: {  	s3 =	rddreg [dreg:$0x2];
	[bflag:$0x3] =	sbarrier.arrive $0xFFFF;
	s2 =	simm.s32 @!p0 $0x1C02  }
0x155: {  	[timem:s3], [sflag:s2] =	dma.local @!p0 [hbm:s0], s1  }
0x156: {  	s0 =	simm.s32 @!p0 $0x2  }
0x157: {  	_ =	swait.ge @!p0 [sflag:s0], s1  }
0x158: {  	s1 =	ssub.s32 @!p0 $0x0, s1;
	[sflag:s0] =	ssyncset.done @!p0 $0x0  }
0x159: {  	[sflag:s0] =	ssyncadd.s32 @!p0 s1  }
0x15a: {  	[bflag:$0x3] =	sbarrier.arrive $0xFFFF  }
0x15b: {  	_ =	shalt  }

// kernel: kernel.25.cloned.1.call-start
scs
__scs_entry_jumppad:
0x0: {  	(pc) =	sbr.rel $0x88, $3  }
0x1: {  	(tag) =	ssettag $0x0;
	lr =	simm.s32 $0x1  }
0x2: {  	[smem:$0x3F8D] =	sst lr;
	_ =	strace $0xD0000000  }
0x3: {  	_ = 	snop  }
0x4: {  	_ = 	snop  }
0x5: {  	_ = 	snop  }
0x6: {  	_ = 	snop  }
0x7: {  	_ = 	snop  }
__scs_overlays_trampoline_lowered:
0x8: {  	[smem:$0x3F9C] =	sst s0  }
0x9: {  	[smem:$0x3F9D] =	sst s1  }
0xa: {  	[smem:$0x3F9E] =	sst s2  }
0xb: {  	[smem:$0x3F9F] =	sst s3  }
0xc: {  	[smem:$0x3FA0] =	sst s4  }
0xd: {  	[smem:$0x3FA1] =	sst s5  }
0xe: {  	[smem:$0x3FA2] =	sst s6  }
0xf: {  	[smem:$0x3FA3] =	sst s7  }
0x10: {  	[smem:$0x3FA4] =	sst s8  }
0x11: {  	[smem:$0x3FA5] =	sst s9;
	s0 =	simm.s32 @!p0 $0x0  }
0x12: {  	s1 =	sld [smem:$0x3F8B];
	s0 =	simm.s32 @p0 $0x1  }
0x13: {  	[smem:$0x3FA6] =	sst s0;
	s0 =	simm.s32 @!p1 $0x0  }
0x14: {  	s2 =	sld [smem:$0x3F8A];
	s0 =	simm.s32 @p1 $0x1  }
0x15: {  	[smem:$0x3FA7] =	sst s0;
	s0 =	simm.s32 @!p2 $0x0  }
0x16: {  	s3 =	sld [smem:$0x3FDB];
	s0 =	simm.s32 @p2 $0x1  }
0x17: {  	s4 =	simm.s32 $0x1BF5;
	[smem:$0x3FA9] =	sst s0  }
0x18: {  	s0 =	sld [smem:$0x3F8C];
	_ =	swait.ge [sflag:s4], $0x0  }
0x19: {  	s7 =	sld [smem:$0x3F8D]  }
0x1a: {  	s8 =	sadd.s32 $0xFFFFE003, lr  }
0x1b: {  	s9 =	sadd.s32 $0xFFFFFEF7, lr;
	s5 =	simm.s32 $0xFFFFFFFF;
	p2 =	slt.u32 s8, $0xFFFFF086  }
0x1c: {  	p1 =	slt.u32 s9, $0xF7A;
	s5 =	simm.s32 @!p2 $0x0  }
0x1d: {  	s5 =	simm.s32 @p1 $0x1;
	p0 =	seq.s32 s7, s2  }
0x1e: {  	s7 =	smul.u32 @!p0 $0xF7A, s2;
	p2 =	seq.s32 @!p0 s5, $0x0  }
0x1f: {  	s9 =	smul.u32 $0xF7A, s1;
	s8 =	simm.s32 @!p0 $0x1BF5;
	p2 =	por !p2, p0  }
0x20: {  	[sflag:s8] =	ssyncset.s32 @!p0 $0xFFFFF086;
	s6 =	sadd.s32 @!p0 s3, s7;
	s7 =	simm.s32 @!p0 $0x108  }
0x21: {  	s3 =	sadd.s32 s3, s9;
	s6 =	sadd.s32 @!p0 $0x88, s6;
	s7 =	simm.s32 @p2 $0x1082  }
0x22: {  	[simem:s7], [sflag:s8] =	dma.local @!p0 [hbm:s6], $0xF7A  }
0x23: {  	s9 =	sor.u32 $0xD0000000, s2;
	s6 =	simm.s32 $0x108;
	_ =	swait.ge @!p0 [sflag:s8], $0x0  }
0x24: {  	s3 =	sadd.s32 $0x88, s3;
	s6 =	simm.s32 @!p1 $0x1082;
	[sflag:s4] =	ssyncset.s32 $0xFFFFF086  }
0x25: {  	[simem:s6], [sflag:s4] =	dma.local [hbm:s3], $0xF7A  }
0x26: {  	[smem:$0x3F8D] =	sst s1;
	(tag) =	ssettag s2;
	_ =	strace s9  }
0x27: {  	s1 =	sld [smem:$0x3F9D]  }
0x28: {  	s2 =	sld [smem:$0x3F9E]  }
0x29: {  	s4 =	sld [smem:$0x3FA0]  }
0x2a: {  	p0 =	seq.s32 s5, $0x0;
	s5 =	sld [smem:$0x3FA1]  }
0x2b: {  	s6 =	sld [smem:$0x3FA2]  }
0x2c: {  	s7 =	sld [smem:$0x3FA3]  }
0x2d: {  	s3 =	simm.s32 $0x108;
	s8 =	sld [smem:$0x3FA4]  }
0x2e: {  	s3 =	simm.s32 @!p0 $0x1082;
	s9 =	sld [smem:$0x3FA5]  }
0x2f: {  	lr =	sadd.s32 s0, s3;
	s0 =	sld [smem:$0x3F9C]  }
0x30: {  	s3 =	sld [smem:$0x3F9F]  }
0x31: {  	[smem:$0x3FA8] =	sst s10  }
0x32: {  	s10 =	sld [smem:$0x3FA6];
	_ =	sdelay $0x3  }
0x33: {  	p0 =	seq.s32 s10, $0x1;
	s10 =	sld [smem:$0x3FA8];
	_ =	sdelay $0x3  }
0x34: {  	[smem:$0x3FA8] =	sst s10  }
0x35: {  	s10 =	sld [smem:$0x3FA7];
	_ =	sdelay $0x3  }
0x36: {  	p1 =	seq.s32 s10, $0x1;
	s10 =	sld [smem:$0x3FA8];
	_ =	sdelay $0x3  }
0x37: {  	[smem:$0x3FA8] =	sst s10  }
0x38: {  	s10 =	sld [smem:$0x3FA9]  }
0x39: {  	_ = 	snop;
	(pc) =	sbr.ind lr, $3  }
0x3a: {  	_ = 	snop  }
0x3b: {  	_ = 	snop  }
0x3c: {  	p2 =	seq.s32 s10, $0x1;
	s10 =	sld [smem:$0x3FA8]  }
0x3d: {  	_ =	shalt  }
0x3e: {  	_ =	shalt  }
0x3f: {  	_ =	shalt  }
0x40: {  	_ =	shalt  }
0x41: {  	_ =	shalt  }
0x42: {  	_ =	shalt  }
0x43: {  	_ =	shalt  }
0x44: {  	_ =	shalt  }
0x45: {  	_ =	shalt  }
0x46: {  	_ =	shalt  }
0x47: {  	_ =	shalt  }
0x48: {  	_ =	shalt  }
0x49: {  	_ =	shalt  }
0x4a: {  	_ =	shalt  }
0x4b: {  	_ =	shalt  }
0x4c: {  	_ =	shalt  }
0x4d: {  	_ =	shalt  }
0x4e: {  	_ =	shalt  }
0x4f: {  	_ =	shalt  }
0x50: {  	_ =	shalt  }
0x51: {  	_ =	shalt  }
0x52: {  	_ =	shalt  }
0x53: {  	_ =	shalt  }
0x54: {  	_ =	shalt  }
0x55: {  	_ =	shalt  }
0x56: {  	_ =	shalt  }
0x57: {  	_ =	shalt  }
0x58: {  	_ =	shalt  }
0x59: {  	_ =	shalt  }
0x5a: {  	_ =	shalt  }
0x5b: {  	_ =	shalt  }
0x5c: {  	_ =	shalt  }
0x5d: {  	_ =	shalt  }
0x5e: {  	_ =	shalt  }
0x5f: {  	_ =	shalt  }
0x60: {  	_ =	shalt  }
0x61: {  	_ =	shalt  }
0x62: {  	_ =	shalt  }
0x63: {  	_ =	shalt  }
0x64: {  	_ =	shalt  }
0x65: {  	_ =	shalt  }
0x66: {  	_ =	shalt  }
0x67: {  	_ =	shalt  }
0x68: {  	_ =	shalt  }
0x69: {  	_ =	shalt  }
0x6a: {  	_ =	shalt  }
0x6b: {  	_ =	shalt  }
0x6c: {  	_ =	shalt  }
0x6d: {  	_ =	shalt  }
0x6e: {  	_ =	shalt  }
0x6f: {  	_ =	shalt  }
0x70: {  	_ =	shalt  }
0x71: {  	_ =	shalt  }
0x72: {  	_ =	shalt  }
0x73: {  	_ =	shalt  }
0x74: {  	_ =	shalt  }
0x75: {  	_ =	shalt  }
0x76: {  	_ =	shalt  }
0x77: {  	_ =	shalt  }
0x78: {  	_ =	shalt  }
0x79: {  	_ =	shalt  }
0x7a: {  	_ =	shalt  }
0x7b: {  	_ =	shalt  }
0x7c: {  	_ =	shalt  }
0x7d: {  	_ =	shalt  }
0x7e: {  	_ =	shalt  }
0x7f: {  	_ =	shalt  }
0x80: {  	_ =	shalt  }
0x81: {  	_ =	shalt  }
0x82: {  	_ =	shalt  }
0x83: {  	_ =	shalt  }
0x84: {  	_ =	shalt  }
0x85: {  	_ =	shalt  }
0x86: {  	_ =	shalt  }
0x87: {  	_ =	shalt  }
.Lfunc_end0:
.L_simem_size_0:
called_computation.3_lowered:
.L_overlay_start_0:
0x88: {  	s2 =	sld [smem:$0x3FD9]  }
0x89: {  	s3 =	sld [smem:$0x3FFE];
	_ =	sdelay $0x1  }
0x8a: {  	s1 =	srdreg.scid  }
0x8b: {  	s0 =	sand.u32 $0x1, s1  }
0x8c: {  	s16 =	sshll.u32 s0, $0xA;
	s2 =	sadd.s32 s3, s2  }
0x8d: {  	s2 =	sadd.s32 s2, s16  }
0x8e: {  	[smem:$0x3FB4] =	sst s2  }
0x8f: {  	_ = 	snop  }
0x90: {  	(tm) =	ssettm $0x1  }
0x91: {  	s17 =	sld [smem:$0x3FFB];
	_ =	sdelay $0x3  }
0x92: {  	_ =	strace s17  }
0x93: {  	s2 =	sld [smem:$0x3FFC];
	_ =	sdelay $0x3  }
0x94: {  	_ =	strace s2  }
0x95: {  	s2 =	sld [smem:$0x3FFD];
	_ =	sdelay $0x3  }
0x96: {  	_ =	strace s2  }
0x97: {  	_ =	strace $0x8FFFFFFF  }
0x98: {  	s18 =	sld [smem:$0x3FDB];
	_ =	sdelay $0x1  }
0x99: {  	s19 =	simm.s32 $_scs_section_size  }
0x9a: {  	s4 =	simm.s32 $_size__tile_overlayer_lowered;
	s5 =	simm.s32 $_tile_overlayer_lowered  }
0x9b: {  	s22 =	simm.s32 $0x1BFF;
	s21 =	sshll.u32 s5, $0x1;
	s2 =	sadd.s32 s19, s18  }
0x9c: {  	s6 =	simm.s32 $0x0;
	s20 =	sshll.u32 s4, $0x1;
	s4 =	sadd.s32 s21, s2  }
0x9d: {  	[timem:s6], [sflag:s22] =	dma.local [hbm:s4], s20  }
0x9e: {  	_ =	swait.ge [sflag:s22], s20  }
0x9f: {  	s3 =	ssub.s32 $0x0, s20;
	[sflag:s22] =	ssyncset.done $0x0  }
0xa0: {  	[sflag:s22] =	ssyncadd.s32 s3;
	_ =	sdelay $0x1  }
0xa1: {  	s23 =	simm.s32 $0x1B8B  }
0xa2: {  	_ =	swait.ge [sflag:s23], $0x1  }
0xa3: {  	[sflag:s23] =	ssyncset.done $0x0  }
0xa4: {  	s25 =	simm.s32 $0x1B8E;
	s24 =	sld [smem:$0x3FFE];
	[sflag:s23] =	ssyncadd.s32 $0xFFFFFFFF  }
0xa5: {  	s26 =	simm.s32 $execute0_lowered;
	[smem:$0x3FD2] =	sst s25  }
0xa6: {  	s4 =	sshll.u32 s26, $0x1;
	_ =	strace $0x8000004F;
	[dreg:$0x1] =	wrdreg $0xFFFFFFFF  }
0xa7: {  	s28 =	simm.s32 $_size_execute0_lowered;
	s2 =	sadd.s32 s2, s4;
	[dreg:$0x0] =	wrdreg $0x0  }
0xa8: {  	s4 =	sshll.u32 s28, $0x1;
	[dreg:$0x2] =	wrdreg s2  }
0xa9: {  	[dreg:$0x3] =	wrdreg s4  }
0xaa: {  	[dreg:$0x4] =	wrdreg $0xC0  }
0xab: {  	_ =	task [dreg:s6], $0x5FFFF  }
0xac: {  	[dreg:$0x1] =	wrdreg $0xFFFFFFFF  }
0xad: {  	[dreg:$0x0] =	wrdreg $0x60  }
0xae: {  	[dreg:$0x2] =	wrdreg s24  }
0xaf: {  	[dreg:$0x3] =	wrdreg $0x9  }
0xb0: {  	_ =	task.clear_ibuf [dreg:s6], $0x4FFFF;
	_ =	strace $0x9000004F  }
0xb1: {  	s29 =	simm.s32 $0x9;
	_ =	strace $0x80000051  }
0xb2: {  	_ =	swait.ge [sflag:s29], $0x1  }
0xb3: {  	[sflag:s29] =	ssyncadd.s32 $0xFFFFFFFF  }
0xb4: {  	_ =	strace $0x90000051  }
0xb5: {  	_ =	sfence  }
0xb6: {  	s30 =	sld [smem:$0x0];
	_ =	sdelay $0x2  }
0xb7: {  	s31 =	sshll.u32 s1, $0xD;
	s1 =	sshrl.u32 s1, $0x2  }
0xb8: {  	s3 =	sand.u32 $0x4000, s31;
	s1 =	sadd.s32 s1, s30  }
0xb9: {  	s0 =	sor.u32 s3, s0;
	s1 =	sshll.u32 s1, $0x11  }
0xba: {  	s0 =	sor.u32 s1, s0  }
0xbb: {  	s0 =	sadd.s32 $0x8F2B, s0  }
0xbc: {  	[sflag:s0] =	ssyncadd.remote.s32 $0x1  }
0xbd: {  	_ =	sfence.sel $0xFFFF  }
0xbe: {  	[dreg:$0x0] =	wrdreg $0xFFFFFFFF;
	(pc) =	sbr.abs _section_cstart, $3  }
0xbf: {  	[dreg:$0x1] =	wrdreg $0xFFFFFFFF  }
0xc0: {  	_ =	task.clear_ibuf [dreg:s6], $0x2FFFF;
	_ =	strace $0x9FFFFFFF  }
0xc1: {  	(tm) =	ssettm $0x7FFFFFFF  }
tec
execute0_lowered:
.L_overlay_start_1:
0x0: {  	(tag) =	ssettag $0x1  }
0x1: {  	s0 =	rddreg [dreg:$0x0];
	s2 =	simm.s32 $0x0  }
0x2: {  	s25 =	simm.s32 $0x900;
	[smem:$0x7FF] =	sst s2  }
0x3: {  	s26 =	simm.s32 $0xD00;
	_ =	strace $0x80000050;
	[dreg:$0x3] =	wrdreg s25  }
0x4: {  	s6 =	simm.s32 $0x1900;
	[dreg:$0x4] =	wrdreg s26  }
0x5: {  	s7 =	simm.s32 $0x2100;
	[dreg:$0x6] =	wrdreg s6  }
0x6: {  	s8 =	simm.s32 $0x2500;
	[dreg:$0x7] =	wrdreg s7  }
0x7: {  	s9 =	simm.s32 $0x2D00;
	[dreg:$0x8] =	wrdreg s8  }
0x8: {  	s10 =	simm.s32 $0x3100;
	[dreg:$0x9] =	wrdreg s9  }
0x9: {  	s11 =	simm.s32 $0x3900;
	[dreg:$0xa] =	wrdreg s10  }
0xa: {  	s12 =	simm.s32 $0x3D00;
	[dreg:$0xb] =	wrdreg s11  }
0xb: {  	s13 =	simm.s32 $0x4500;
	[dreg:$0xc] =	wrdreg s12  }
0xc: {  	s14 =	simm.s32 $0x4900;
	[dreg:$0xd] =	wrdreg s13  }
0xd: {  	s15 =	simm.s32 $0x5100;
	[dreg:$0xe] =	wrdreg s14  }
0xe: {  	s16 =	simm.s32 $0x5500;
	[dreg:$0xf] =	wrdreg s15  }
0xf: {  	s17 =	simm.s32 $0x5D00;
	[dreg:$0x10] =	wrdreg s16  }
0x10: {  	s18 =	simm.s32 $0x6100;
	[dreg:$0x11] =	wrdreg s17  }
0x11: {  	s19 =	simm.s32 $0x6900;
	[dreg:$0x12] =	wrdreg s18  }
0x12: {  	s20 =	simm.s32 $0x6D00;
	[dreg:$0x13] =	wrdreg s19  }
0x13: {  	s21 =	simm.s32 $0x7500;
	[dreg:$0x14] =	wrdreg s20  }
0x14: {  	s22 =	simm.s32 $0x7900;
	[dreg:$0x15] =	wrdreg s21  }
0x15: {  	s23 =	simm.s32 $0x8100;
	[dreg:$0x16] =	wrdreg s22  }
0x16: {  	s24 =	simm.s32 $0x8500;
	[dreg:$0x17] =	wrdreg s23  }
0x17: {  	[dreg:$0x18] =	wrdreg s24;
	s25 =	simm.s32 $0x8D00  }
0x18: {  	s26 =	simm.s32 $0x9100;
	[dreg:$0x19] =	wrdreg s25  }
0x19: {  	s5 =	stileid.u32;
	s6 =	simm.s32 $0x9D00;
	[dreg:$0x1a] =	wrdreg s26  }
0x1a: {  	s1 =	srdreg.scid;
	s7 =	simm.s32 $0xA500;
	[dreg:$0x1c] =	wrdreg s6  }
0x1b: {  	s28 =	simm.s32 $0x17500;
	s8 =	simm.s32 $0xA900;
	[dreg:$0x1d] =	wrdreg s7  }
0x1c: {  	s29 =	simm.s32 $0x17D00;
	s9 =	simm.s32 $0xB100;
	[dreg:$0x1e] =	wrdreg s8  }
0x1d: {  	s30 =	simm.s32 $0x1;
	s10 =	simm.s32 $0xB500;
	[dreg:$0x1f] =	wrdreg s9  }
0x1e: {  	s31 =	simm.s32 $0x0;
	s11 =	simm.s32 $0xBD00;
	[smem:$0x7EE] =	sst s10  }
0x1f: {  	s3 =	sshll.u32 s5, $0x8;
	s13 =	simm.s32 $0xC100;
	[smem:$0x7EF] =	sst s11  }
0x20: {  	s1 =	sand.u32 $0x1, s1;
	s14 =	simm.s32 $0xC900;
	[smem:$0x7F0] =	sst s13  }
0x21: {  	s3 =	sadd.s32 s3, s0;
	s15 =	simm.s32 $0xCD00;
	[smem:$0x7F1] =	sst s14  }
0x22: {  	s4 =	sshll.u32 s1, $0x7;
	s17 =	simm.s32 $0xD500;
	[smem:$0x7F2] =	sst s15  }
0x23: {  	s12 =	smul.u32 $0x18000, s5;
	s18 =	simm.s32 $0xD900;
	[smem:$0x7F3] =	sst s17  }
0x24: {  	s16 =	ssub.s32 $0x2, s1;
	s19 =	simm.s32 $0xE100;
	[smem:$0x7F4] =	sst s18  }
0x25: {  	s20 =	simm.s32 $0xE500;
	s1 =	smul.u32 $0xC000, s1;
	[smem:$0x7F5] =	sst s19  }
0x26: {  	s21 =	simm.s32 $0xED00;
	s22 =	simm.s32 $0xF100;
	[smem:$0x7F6] =	sst s20  }
0x27: {  	s23 =	simm.s32 $0xF900;
	s3 =	sadd.s32 s4, s3;
	[smem:$0x7F8] =	sst s21  }
0x28: {  	s4 =	simm.s32 $0x1500;
	s7 =	sshrl.u32 s16, $0x1;
	[smem:$0x7F9] =	sst s22  }
0x29: {  	[smem:$0x7FB] =	sst s23;
	s25 =	simm.s32 $0xFD00;
	s26 =	simm.s32 $0x10500  }
0x2a: {  	s8 =	simm.s32 $0x100;
	s9 =	simm.s32 $0x10900;
	s10 =	simm.s32 $0x11100  }
0x2b: {  	s11 =	simm.s32 $0x11500;
	s13 =	simm.s32 $0x12100;
	s14 =	simm.s32 $0x12900  }
0x2c: {  	s15 =	simm.s32 $0x12D00;
	s17 =	simm.s32 $0x13900;
	s18 =	simm.s32 $0x14100  }
0x2d: {  	s19 =	simm.s32 $0x14500;
	s20 =	simm.s32 $0x14D00;
	s21 =	simm.s32 $0x15100  }
0x2e: {  	s22 =	simm.s32 $0x15900;
	s23 =	simm.s32 $0x15D00;
	s3 =	sadd.s32 $0x4E00, s3  }
0x2f: {  	[dreg:$0x5] =	wrdreg s4;
	s4 =	simm.s32 $0x9900;
	s6 =	sadd.s32 s12, s0  }
0x30: {  	s5 =	ssub.s32 s16, s7;
	s7 =	simm.s32 $0x2;
	[smem:$0x7FC] =	sst s25  }
0x31: {  	[smem:$0x7FD] =	sst s26;
	s12 =	simm.s32 $0x11D00;
	s16 =	simm.s32 $0x13500  }
0x32: {  	s25 =	simm.s32 $0x16900;
	s26 =	simm.s32 $0x17100;
	[dreg:$0x2] =	wrdreg s3  }
0x33: {  	v2 =	vlaneseq.u32;
	[dreg:$0x1b] =	wrdreg s4;
	s5 =	smax.u32 s5, $0x1;
	s1 =	sadd.s32 s1, s6  }
0x34: {  	vm0 =	vmmov $0xffff;
	vm1 =	vmmov $0xff;
	v1 =	vshrl.u32 v2, $0x3;
	s3 =	sadd.s32 $0x1DE00, s0;
	[smem:$0x7F7] =	sst s5;
	s24 =	sadd.s32 $0x35E00, s1  }
0x35: {  	v0 =	vand.u32 $0x7, v2;
	v2 =	vor.u32 $0x8, v2;
	v1 =	vmul.u32 $0x8, v1;
	s4 =	sadd.s32 $0x1DF00, s0;
	[smem:$0x7FA] =	sst s24;
	s24 =	simm.s32 $0x16500  }
.LBB2_1:
0x36: {  	s6 =	sld [smem:$0x7FA];
	s1 =	simm.s32 $0x0  }
.LBB2_2:
0x37: {  	s5 =	rddreg [dreg:$0x2]  }
0x38: {  	s5 =	sadd.s32 s1, s5  }
0x39: {  	[tilespmem:s2], [sflag:$0x2] =	stream.linear.gather [hbm4b:s5+s2], $0x100, $0x38;
	[tilespmem:$0x18100] =	vst v63  }
0x3a: {  	_ =	swait.ge [sflag:s7], $0x100  }
0x3b: {  	[sflag:s7] =	ssyncset.done $0x0  }
0x3c: {  	[sflag:s7] =	ssyncadd.s32 $0xFFFFFF00  }
0x3d: {  	v3 =	vld [tilespmem:$0x0];
	_ =	sdelay $0x4  }
0x3e: {  	v4 =	vshrl.u32 v3, $0x3  }
0x3f: {  	v4 =	vmul.u32 $0x18, v4  }
0x40: {  	v3 =	vand.u32 $0x7, v3  }
0x41: {  	v3 =	vor.u32 v3, v4  }
0x42: {  	v4 =	vperm.xlane v3, v0;
	_ =	sdelay $0x1  }
0x43: {  	v4 =	vadd.s32 v1, v4;
	_ =	sdelay $0x1  }
0x44: {  	v3 =	vperm.xlane v3, v2;
	_ =	sdelay $0x1  }
0x45: {  	v3 =	vadd.s32 v1, v3  }
0x46: {  	[tilespmem:s8], [sflag:$0x1] =	stream.indirect_vreg.gather [hbm4b:s3+s2], $0x80, v4, vm0, $0xb8;
	[tilespmem:$0x18100] =	vst v63  }
0x47: {  	s5 =	rddreg [dreg:$0x3]  }
0x48: {  	[tilespmem:s5], [sflag:$0x1] =	stream.indirect_vreg.gather [hbm4b:s4+s2], $0x80, v4, vm1, $0xb8;
	[tilespmem:$0x18100] =	vst v63  }
0x49: {  	s0 =	rddreg [dreg:$0x4]  }
0x4a: {  	[tilespmem:s0], [sflag:$0x1] =	stream.indirect_vreg.gather [hbm4b:s3+s2], $0x80, v3, vm0, $0xb8;
	[tilespmem:$0x18100] =	vst v63  }
0x4b: {  	s5 =	rddreg [dreg:$0x5]  }
0x4c: {  	[tilespmem:s5], [sflag:$0x1] =	stream.indirect_vreg.gather [hbm4b:s4+s2], $0x80, v3, vm1, $0xb8;
	[tilespmem:$0x18100] =	vst v63  }
0x4d: {  	v3 =	vld [tilespmem:$0x10];
	_ =	sdelay $0x4  }
0x4e: {  	v49 =	vshrl.u32 v3, $0x3  }
0x4f: {  	v4 =	vmul.u32 $0x18, v49  }
0x50: {  	v3 =	vand.u32 $0x7, v3  }
0x51: {  	v3 =	vor.u32 v3, v4  }
0x52: {  	v4 =	vperm.xlane v3, v0;
	_ =	sdelay $0x1  }
0x53: {  	v4 =	vadd.s32 v1, v4;
	_ =	sdelay $0x1  }
0x54: {  	v3 =	vperm.xlane v3, v2;
	_ =	sdelay $0x1  }
0x55: {  	s0 =	rddreg [dreg:$0x6];
	v3 =	vadd.s32 v1, v3  }
0x56: {  	[tilespmem:s0], [sflag:$0x1] =	stream.indirect_vreg.gather [hbm4b:s3+s2], $0x80, v4, vm0, $0xb8;
	[tilespmem:$0x18100] =	vst v63  }
0x57: {  	s5 =	rddreg [dreg:$0x7]  }
0x58: {  	[tilespmem:s5], [sflag:$0x1] =	stream.indirect_vreg.gather [hbm4b:s4+s2], $0x80, v4, vm1, $0xb8;
	[tilespmem:$0x18100] =	vst v63  }
0x59: {  	s0 =	rddreg [dreg:$0x8]  }
0x5a: {  	[tilespmem:s0], [sflag:$0x1] =	stream.indirect_vreg.gather [hbm4b:s3+s2], $0x80, v3, vm0, $0xb8;
	[tilespmem:$0x18100] =	vst v63  }
0x5b: {  	s5 =	rddreg [dreg:$0x9]  }
0x5c: {  	[tilespmem:s5], [sflag:$0x1] =	stream.indirect_vreg.gather [hbm4b:s4+s2], $0x80, v3, vm1, $0xb8;
	[tilespmem:$0x18100] =	vst v63  }
0x5d: {  	v3 =	vld [tilespmem:$0x20];
	_ =	sdelay $0x4  }
0x5e: {  	v50 =	vshrl.u32 v3, $0x3  }
0x5f: {  	v4 =	vmul.u32 $0x18, v50  }
0x60: {  	v3 =	vand.u32 $0x7, v3  }
0x61: {  	v3 =	vor.u32 v3, v4  }
0x62: {  	v4 =	vperm.xlane v3, v0;
	_ =	sdelay $0x1  }
0x63: {  	v4 =	vadd.s32 v1, v4;
	_ =	sdelay $0x1  }
0x64: {  	v3 =	vperm.xlane v3, v2;
	_ =	sdelay $0x1  }
0x65: {  	s0 =	rddreg [dreg:$0xa];
	v3 =	vadd.s32 v1, v3  }
0x66: {  	[tilespmem:s0], [sflag:$0x1] =	stream.indirect_vreg.gather [hbm4b:s3+s2], $0x80, v4, vm0, $0xb8;
	[tilespmem:$0x18100] =	vst v63  }
0x67: {  	s5 =	rddreg [dreg:$0xb]  }
0x68: {  	[tilespmem:s5], [sflag:$0x1] =	stream.indirect_vreg.gather [hbm4b:s4+s2], $0x80, v4, vm1, $0xb8;
	[tilespmem:$0x18100] =	vst v63  }
0x69: {  	s0 =	rddreg [dreg:$0xc]  }
0x6a: {  	[tilespmem:s0], [sflag:$0x1] =	stream.indirect_vreg.gather [hbm4b:s3+s2], $0x80, v3, vm0, $0xb8;
	[tilespmem:$0x18100] =	vst v63  }
0x6b: {  	s5 =	rddreg [dreg:$0xd]  }
0x6c: {  	[tilespmem:s5], [sflag:$0x1] =	stream.indirect_vreg.gather [hbm4b:s4+s2], $0x80, v3, vm1, $0xb8;
	[tilespmem:$0x18100] =	vst v63  }
0x6d: {  	v3 =	vld [tilespmem:$0x30];
	_ =	sdelay $0x4  }
0x6e: {  	v51 =	vshrl.u32 v3, $0x3  }
0x6f: {  	v4 =	vmul.u32 $0x18, v51  }
0x70: {  	v3 =	vand.u32 $0x7, v3  }
0x71: {  	v3 =	vor.u32 v3, v4  }
0x72: {  	v4 =	vperm.xlane v3, v0;
	_ =	sdelay $0x1  }
0x73: {  	v4 =	vadd.s32 v1, v4;
	_ =	sdelay $0x1  }
0x74: {  	v3 =	vperm.xlane v3, v2;
	_ =	sdelay $0x1  }
0x75: {  	s0 =	rddreg [dreg:$0xe];
	v3 =	vadd.s32 v1, v3  }
0x76: {  	[tilespmem:s0], [sflag:$0x1] =	stream.indirect_vreg.gather [hbm4b:s3+s2], $0x80, v4, vm0, $0xb8;
	[tilespmem:$0x18100] =	vst v63  }
0x77: {  	s5 =	rddreg [dreg:$0xf]  }
0x78: {  	[tilespmem:s5], [sflag:$0x1] =	stream.indirect_vreg.gather [hbm4b:s4+s2], $0x80, v4, vm1, $0xb8;
	[tilespmem:$0x18100] =	vst v63  }
0x79: {  	s0 =	rddreg [dreg:$0x10]  }
0x7a: {  	[tilespmem:s0], [sflag:$0x1] =	stream.indirect_vreg.gather [hbm4b:s3+s2], $0x80, v3, vm0, $0xb8;
	[tilespmem:$0x18100] =	vst v63  }
0x7b: {  	s5 =	rddreg [dreg:$0x11]  }
0x7c: {  	[tilespmem:s5], [sflag:$0x1] =	stream.indirect_vreg.gather [hbm4b:s4+s2], $0x80, v3, vm1, $0xb8;
	[tilespmem:$0x18100] =	vst v63  }
0x7d: {  	v3 =	vld [tilespmem:$0x40];
	_ =	sdelay $0x4  }
0x7e: {  	v52 =	vshrl.u32 v3, $0x3  }
0x7f: {  	v4 =	vmul.u32 $0x18, v52  }
0x80: {  	v3 =	vand.u32 $0x7, v3  }
0x81: {  	v3 =	vor.u32 v3, v4  }
0x82: {  	v4 =	vperm.xlane v3, v0;
	_ =	sdelay $0x1  }
0x83: {  	v4 =	vadd.s32 v1, v4;
	_ =	sdelay $0x1  }
0x84: {  	v3 =	vperm.xlane v3, v2;
	_ =	sdelay $0x1  }
0x85: {  	s0 =	rddreg [dreg:$0x12];
	v3 =	vadd.s32 v1, v3  }
0x86: {  	[tilespmem:s0], [sflag:$0x1] =	stream.indirect_vreg.gather [hbm4b:s3+s2], $0x80, v4, vm0, $0xb8;
	[tilespmem:$0x18100] =	vst v63  }
0x87: {  	s5 =	rddreg [dreg:$0x13]  }
0x88: {  	[tilespmem:s5], [sflag:$0x1] =	stream.indirect_vreg.gather [hbm4b:s4+s2], $0x80, v4, vm1, $0xb8;
	[tilespmem:$0x18100] =	vst v63  }
0x89: {  	s0 =	rddreg [dreg:$0x14]  }
0x8a: {  	[tilespmem:s0], [sflag:$0x1] =	stream.indirect_vreg.gather [hbm4b:s3+s2], $0x80, v3, vm0, $0xb8;
	[tilespmem:$0x18100] =	vst v63  }
0x8b: {  	s5 =	rddreg [dreg:$0x15]  }
0x8c: {  	[tilespmem:s5], [sflag:$0x1] =	stream.indirect_vreg.gather [hbm4b:s4+s2], $0x80, v3, vm1, $0xb8;
	[tilespmem:$0x18100] =	vst v63  }
0x8d: {  	v3 =	vld [tilespmem:$0x50];
	_ =	sdelay $0x4  }
0x8e: {  	v53 =	vshrl.u32 v3, $0x3  }
0x8f: {  	v4 =	vmul.u32 $0x18, v53  }
0x90: {  	v3 =	vand.u32 $0x7, v3  }
0x91: {  	v3 =	vor.u32 v3, v4  }
0x92: {  	v4 =	vperm.xlane v3, v0;
	_ =	sdelay $0x1  }
0x93: {  	v4 =	vadd.s32 v1, v4;
	_ =	sdelay $0x1  }
0x94: {  	v3 =	vperm.xlane v3, v2;
	_ =	sdelay $0x1  }
0x95: {  	s0 =	rddreg [dreg:$0x16];
	v3 =	vadd.s32 v1, v3  }
0x96: {  	[tilespmem:s0], [sflag:$0x1] =	stream.indirect_vreg.gather [hbm4b:s3+s2], $0x80, v4, vm0, $0xb8;
	[tilespmem:$0x18100] =	vst v63  }
0x97: {  	s5 =	rddreg [dreg:$0x17]  }
0x98: {  	[tilespmem:s5], [sflag:$0x1] =	stream.indirect_vreg.gather [hbm4b:s4+s2], $0x80, v4, vm1, $0xb8;
	[tilespmem:$0x18100] =	vst v63  }
0x99: {  	s0 =	rddreg [dreg:$0x18]  }
0x9a: {  	[tilespmem:s0], [sflag:$0x1] =	stream.indirect_vreg.gather [hbm4b:s3+s2], $0x80, v3, vm0, $0xb8;
	[tilespmem:$0x18100] =	vst v63  }
0x9b: {  	s5 =	rddreg [dreg:$0x19]  }
0x9c: {  	[tilespmem:s5], [sflag:$0x1] =	stream.indirect_vreg.gather [hbm4b:s4+s2], $0x80, v3, vm1, $0xb8;
	[tilespmem:$0x18100] =	vst v63  }
0x9d: {  	v3 =	vld [tilespmem:$0x60];
	_ =	sdelay $0x4  }
0x9e: {  	v54 =	vshrl.u32 v3, $0x3  }
0x9f: {  	v4 =	vmul.u32 $0x18, v54  }
0xa0: {  	v3 =	vand.u32 $0x7, v3  }
0xa1: {  	v3 =	vor.u32 v3, v4  }
0xa2: {  	v4 =	vperm.xlane v3, v0;
	_ =	sdelay $0x1  }
0xa3: {  	v4 =	vadd.s32 v1, v4;
	_ =	sdelay $0x1  }
0xa4: {  	v3 =	vperm.xlane v3, v2;
	_ =	sdelay $0x1  }
0xa5: {  	s0 =	rddreg [dreg:$0x1a];
	v3 =	vadd.s32 v1, v3  }
0xa6: {  	[tilespmem:s0], [sflag:$0x1] =	stream.indirect_vreg.gather [hbm4b:s3+s2], $0x80, v4, vm0, $0xb8;
	[tilespmem:$0x18100] =	vst v63  }
0xa7: {  	s5 =	rddreg [dreg:$0x1b]  }
0xa8: {  	[tilespmem:s5], [sflag:$0x1] =	stream.indirect_vreg.gather [hbm4b:s4+s2], $0x80, v4, vm1, $0xb8;
	[tilespmem:$0x18100] =	vst v63  }
0xa9: {  	s0 =	rddreg [dreg:$0x1c]  }
0xaa: {  	[tilespmem:s0], [sflag:$0x1] =	stream.indirect_vreg.gather [hbm4b:s3+s2], $0x80, v3, vm0, $0xb8;
	[tilespmem:$0x18100] =	vst v63  }
0xab: {  	s5 =	rddreg [dreg:$0x1d]  }
0xac: {  	[tilespmem:s5], [sflag:$0x1] =	stream.indirect_vreg.gather [hbm4b:s4+s2], $0x80, v3, vm1, $0xb8;
	[tilespmem:$0x18100] =	vst v63  }
0xad: {  	v3 =	vld [tilespmem:$0x70];
	_ =	sdelay $0x4  }
0xae: {  	v55 =	vshrl.u32 v3, $0x3  }
0xaf: {  	v4 =	vmul.u32 $0x18, v55  }
0xb0: {  	v3 =	vand.u32 $0x7, v3  }
0xb1: {  	v3 =	vor.u32 v3, v4  }
0xb2: {  	v4 =	vperm.xlane v3, v0;
	_ =	sdelay $0x1  }
0xb3: {  	v4 =	vadd.s32 v1, v4;
	_ =	sdelay $0x1  }
0xb4: {  	v3 =	vperm.xlane v3, v2  }
0xb5: {  	s0 =	rddreg [dreg:$0x1e]  }
0xb6: {  	s5 =	rddreg [dreg:$0x1f];
	v3 =	vadd.s32 v1, v3  }
0xb7: {  	[tilespmem:s0], [sflag:$0x1] =	stream.indirect_vreg.gather [hbm4b:s3+s2], $0x80, v4, vm0, $0xb8;
	[tilespmem:$0x18100] =	vst v63  }
0xb8: {  	s0 =	sld [smem:$0x7EE]  }
0xb9: {  	[tilespmem:s5], [sflag:$0x1] =	stream.indirect_vreg.gather [hbm4b:s4+s2], $0x80, v4, vm1, $0xb8;
	[tilespmem:$0x18100] =	vst v63  }
0xba: {  	s5 =	sld [smem:$0x7EF]  }
0xbb: {  	[tilespmem:s0], [sflag:$0x1] =	stream.indirect_vreg.gather [hbm4b:s3+s2], $0x80, v3, vm0, $0xb8;
	[tilespmem:$0x18100] =	vst v63  }
0xbc: {  	_ = 	snop  }
0xbd: {  	[tilespmem:s5], [sflag:$0x1] =	stream.indirect_vreg.gather [hbm4b:s4+s2], $0x80, v3, vm1, $0xb8;
	[tilespmem:$0x18100] =	vst v63  }
0xbe: {  	v3 =	vld [tilespmem:$0x80];
	_ =	sdelay $0x4  }
0xbf: {  	v56 =	vshrl.u32 v3, $0x3  }
0xc0: {  	v4 =	vmul.u32 $0x18, v56  }
0xc1: {  	v3 =	vand.u32 $0x7, v3  }
0xc2: {  	v3 =	vor.u32 v3, v4  }
0xc3: {  	v4 =	vperm.xlane v3, v0;
	_ =	sdelay $0x1  }
0xc4: {  	v4 =	vadd.s32 v1, v4;
	_ =	sdelay $0x1  }
0xc5: {  	s0 =	sld [smem:$0x7F0];
	v3 =	vperm.xlane v3, v2;
	_ =	sdelay $0x1  }
0xc6: {  	s5 =	sld [smem:$0x7F1];
	v3 =	vadd.s32 v1, v3  }
0xc7: {  	[tilespmem:s0], [sflag:$0x1] =	stream.indirect_vreg.gather [hbm4b:s3+s2], $0x80, v4, vm0, $0xb8;
	[tilespmem:$0x18100] =	vst v63  }
0xc8: {  	s0 =	sld [smem:$0x7F2]  }
0xc9: {  	[tilespmem:s5], [sflag:$0x1] =	stream.indirect_vreg.gather [hbm4b:s4+s2], $0x80, v4, vm1, $0xb8;
	[tilespmem:$0x18100] =	vst v63  }
0xca: {  	s5 =	sld [smem:$0x7F3]  }
0xcb: {  	[tilespmem:s0], [sflag:$0x1] =	stream.indirect_vreg.gather [hbm4b:s3+s2], $0x80, v3, vm0, $0xb8;
	[tilespmem:$0x18100] =	vst v63  }
0xcc: {  	_ = 	snop  }
0xcd: {  	[tilespmem:s5], [sflag:$0x1] =	stream.indirect_vreg.gather [hbm4b:s4+s2], $0x80, v3, vm1, $0xb8;
	[tilespmem:$0x18100] =	vst v63  }
0xce: {  	v3 =	vld [tilespmem:$0x90];
	_ =	sdelay $0x4  }
0xcf: {  	v57 =	vshrl.u32 v3, $0x3  }
0xd0: {  	v4 =	vmul.u32 $0x18, v57  }
0xd1: {  	v3 =	vand.u32 $0x7, v3  }
0xd2: {  	v3 =	vor.u32 v3, v4  }
0xd3: {  	v4 =	vperm.xlane v3, v0;
	_ =	sdelay $0x1  }
0xd4: {  	v4 =	vadd.s32 v1, v4;
	_ =	sdelay $0x1  }
0xd5: {  	s0 =	sld [smem:$0x7F4];
	v3 =	vperm.xlane v3, v2;
	_ =	sdelay $0x1  }
0xd6: {  	s5 =	sld [smem:$0x7F5];
	v3 =	vadd.s32 v1, v3  }
0xd7: {  	[tilespmem:s0], [sflag:$0x1] =	stream.indirect_vreg.gather [hbm4b:s3+s2], $0x80, v4, vm0, $0xb8;
	[tilespmem:$0x18100] =	vst v63  }
0xd8: {  	s0 =	sld [smem:$0x7F6]  }
0xd9: {  	[tilespmem:s5], [sflag:$0x1] =	stream.indirect_vreg.gather [hbm4b:s4+s2], $0x80, v4, vm1, $0xb8;
	[tilespmem:$0x18100] =	vst v63  }
0xda: {  	s5 =	sld [smem:$0x7F8]  }
0xdb: {  	[tilespmem:s0], [sflag:$0x1] =	stream.indirect_vreg.gather [hbm4b:s3+s2], $0x80, v3, vm0, $0xb8;
	[tilespmem:$0x18100] =	vst v63  }
0xdc: {  	_ = 	snop  }
0xdd: {  	[tilespmem:s5], [sflag:$0x1] =	stream.indirect_vreg.gather [hbm4b:s4+s2], $0x80, v3, vm1, $0xb8;
	[tilespmem:$0x18100] =	vst v63  }
0xde: {  	v3 =	vld [tilespmem:$0xA0];
	_ =	sdelay $0x4  }
0xdf: {  	v58 =	vshrl.u32 v3, $0x3  }
0xe0: {  	v4 =	vmul.u32 $0x18, v58  }
0xe1: {  	v3 =	vand.u32 $0x7, v3  }
0xe2: {  	v3 =	vor.u32 v3, v4  }
0xe3: {  	v4 =	vperm.xlane v3, v0;
	_ =	sdelay $0x1  }
0xe4: {  	v4 =	vadd.s32 v1, v4;
	_ =	sdelay $0x1  }
0xe5: {  	s0 =	sld [smem:$0x7F9];
	v3 =	vperm.xlane v3, v2;
	_ =	sdelay $0x1  }
0xe6: {  	s5 =	sld [smem:$0x7FB];
	v3 =	vadd.s32 v1, v3  }
0xe7: {  	[tilespmem:s0], [sflag:$0x1] =	stream.indirect_vreg.gather [hbm4b:s3+s2], $0x80, v4, vm0, $0xb8;
	[tilespmem:$0x18100] =	vst v63  }
0xe8: {  	s0 =	sld [smem:$0x7FC]  }
0xe9: {  	[tilespmem:s5], [sflag:$0x1] =	stream.indirect_vreg.gather [hbm4b:s4+s2], $0x80, v4, vm1, $0xb8;
	[tilespmem:$0x18100] =	vst v63  }
0xea: {  	s5 =	sld [smem:$0x7FD]  }
0xeb: {  	[tilespmem:s0], [sflag:$0x1] =	stream.indirect_vreg.gather [hbm4b:s3+s2], $0x80, v3, vm0, $0xb8;
	[tilespmem:$0x18100] =	vst v63  }
0xec: {  	_ = 	snop  }
0xed: {  	[tilespmem:s5], [sflag:$0x1] =	stream.indirect_vreg.gather [hbm4b:s4+s2], $0x80, v3, vm1, $0xb8;
	[tilespmem:$0x18100] =	vst v63  }
0xee: {  	v3 =	vld [tilespmem:$0xB0];
	_ =	sdelay $0x4  }
0xef: {  	v59 =	vshrl.u32 v3, $0x3  }
0xf0: {  	v4 =	vmul.u32 $0x18, v59  }
0xf1: {  	v3 =	vand.u32 $0x7, v3  }
0xf2: {  	v3 =	vor.u32 v3, v4  }
0xf3: {  	v4 =	vperm.xlane v3, v0;
	_ =	sdelay $0x1  }
0xf4: {  	v4 =	vadd.s32 v1, v4;
	_ =	sdelay $0x1  }
0xf5: {  	v3 =	vperm.xlane v3, v2;
	_ =	sdelay $0x1  }
0xf6: {  	v3 =	vadd.s32 v1, v3  }
0xf7: {  	[tilespmem:s9], [sflag:$0x1] =	stream.indirect_vreg.gather [hbm4b:s3+s2], $0x80, v4, vm0, $0xb8;
	[tilespmem:$0x18100] =	vst v63  }
0xf8: {  	_ = 	snop  }
0xf9: {  	[tilespmem:s10], [sflag:$0x1] =	stream.indirect_vreg.gather [hbm4b:s4+s2], $0x80, v4, vm1, $0xb8;
	[tilespmem:$0x18100] =	vst v63  }
0xfa: {  	_ = 	snop  }
0xfb: {  	[tilespmem:s11], [sflag:$0x1] =	stream.indirect_vreg.gather [hbm4b:s3+s2], $0x80, v3, vm0, $0xb8;
	[tilespmem:$0x18100] =	vst v63  }
0xfc: {  	_ = 	snop  }
0xfd: {  	[tilespmem:s12], [sflag:$0x1] =	stream.indirect_vreg.gather [hbm4b:s4+s2], $0x80, v3, vm1, $0xb8;
	[tilespmem:$0x18100] =	vst v63  }
0xfe: {  	v3 =	vld [tilespmem:$0xC0];
	_ =	sdelay $0x4  }
0xff: {  	v60 =	vshrl.u32 v3, $0x3  }
0x100: {  	v4 =	vmul.u32 $0x18, v60  }
0x101: {  	v3 =	vand.u32 $0x7, v3  }
0x102: {  	v3 =	vor.u32 v3, v4  }
0x103: {  	v4 =	vperm.xlane v3, v0;
	_ =	sdelay $0x1  }
0x104: {  	v4 =	vadd.s32 v1, v4;
	_ =	sdelay $0x1  }
0x105: {  	v3 =	vperm.xlane v3, v2;
	_ =	sdelay $0x1  }
0x106: {  	v3 =	vadd.s32 v1, v3  }
0x107: {  	[tilespmem:s13], [sflag:$0x1] =	stream.indirect_vreg.gather [hbm4b:s3+s2], $0x80, v4, vm0, $0xb8;
	[tilespmem:$0x18100] =	vst v63  }
0x108: {  	_ = 	snop  }
0x109: {  	[tilespmem:s14], [sflag:$0x1] =	stream.indirect_vreg.gather [hbm4b:s4+s2], $0x80, v4, vm1, $0xb8;
	[tilespmem:$0x18100] =	vst v63  }
0x10a: {  	_ = 	snop  }
0x10b: {  	[tilespmem:s15], [sflag:$0x1] =	stream.indirect_vreg.gather [hbm4b:s3+s2], $0x80, v3, vm0, $0xb8;
	[tilespmem:$0x18100] =	vst v63  }
0x10c: {  	_ = 	snop  }
0x10d: {  	[tilespmem:s16], [sflag:$0x1] =	stream.indirect_vreg.gather [hbm4b:s4+s2], $0x80, v3, vm1, $0xb8;
	[tilespmem:$0x18100] =	vst v63  }
0x10e: {  	v3 =	vld [tilespmem:$0xD0];
	_ =	sdelay $0x4  }
0x10f: {  	v61 =	vshrl.u32 v3, $0x3  }
0x110: {  	v4 =	vmul.u32 $0x18, v61  }
0x111: {  	v3 =	vand.u32 $0x7, v3  }
0x112: {  	v3 =	vor.u32 v3, v4  }
0x113: {  	v4 =	vperm.xlane v3, v0;
	_ =	sdelay $0x1  }
0x114: {  	v4 =	vadd.s32 v1, v4;
	_ =	sdelay $0x1  }
0x115: {  	v3 =	vperm.xlane v3, v2;
	_ =	sdelay $0x1  }
0x116: {  	v3 =	vadd.s32 v1, v3  }
0x117: {  	[tilespmem:s17], [sflag:$0x1] =	stream.indirect_vreg.gather [hbm4b:s3+s2], $0x80, v4, vm0, $0xb8;
	[tilespmem:$0x18100] =	vst v63  }
0x118: {  	_ = 	snop  }
0x119: {  	[tilespmem:s18], [sflag:$0x1] =	stream.indirect_vreg.gather [hbm4b:s4+s2], $0x80, v4, vm1, $0xb8;
	[tilespmem:$0x18100] =	vst v63  }
0x11a: {  	_ = 	snop  }
0x11b: {  	[tilespmem:s19], [sflag:$0x1] =	stream.indirect_vreg.gather [hbm4b:s3+s2], $0x80, v3, vm0, $0xb8;
	[tilespmem:$0x18100] =	vst v63  }
0x11c: {  	_ = 	snop  }
0x11d: {  	[tilespmem:s20], [sflag:$0x1] =	stream.indirect_vreg.gather [hbm4b:s4+s2], $0x80, v3, vm1, $0xb8;
	[tilespmem:$0x18100] =	vst v63  }
0x11e: {  	v3 =	vld [tilespmem:$0xE0];
	_ =	sdelay $0x4  }
0x11f: {  	v62 =	vshrl.u32 v3, $0x3  }
0x120: {  	v4 =	vmul.u32 $0x18, v62  }
0x121: {  	v3 =	vand.u32 $0x7, v3  }
0x122: {  	v3 =	vor.u32 v3, v4  }
0x123: {  	v4 =	vperm.xlane v3, v0;
	_ =	sdelay $0x1  }
0x124: {  	v4 =	vadd.s32 v1, v4;
	_ =	sdelay $0x1  }
0x125: {  	v3 =	vperm.xlane v3, v2;
	_ =	sdelay $0x1  }
0x126: {  	v3 =	vadd.s32 v1, v3  }
0x127: {  	[tilespmem:s21], [sflag:$0x1] =	stream.indirect_vreg.gather [hbm4b:s3+s2], $0x80, v4, vm0, $0xb8;
	[tilespmem:$0x18100] =	vst v63  }
0x128: {  	_ = 	snop  }
0x129: {  	[tilespmem:s22], [sflag:$0x1] =	stream.indirect_vreg.gather [hbm4b:s4+s2], $0x80, v4, vm1, $0xb8;
	[tilespmem:$0x18100] =	vst v63  }
0x12a: {  	_ = 	snop  }
0x12b: {  	[tilespmem:s23], [sflag:$0x1] =	stream.indirect_vreg.gather [hbm4b:s3+s2], $0x80, v3, vm0, $0xb8;
	[tilespmem:$0x18100] =	vst v63  }
0x12c: {  	_ = 	snop  }
0x12d: {  	[tilespmem:s24], [sflag:$0x1] =	stream.indirect_vreg.gather [hbm4b:s4+s2], $0x80, v3, vm1, $0xb8;
	[tilespmem:$0x18100] =	vst v63  }
0x12e: {  	v3 =	vld [tilespmem:$0xF0];
	_ =	sdelay $0x4  }
0x12f: {  	v63 =	vshrl.u32 v3, $0x3  }
0x130: {  	v4 =	vmul.u32 $0x18, v63  }
0x131: {  	v3 =	vand.u32 $0x7, v3  }
0x132: {  	v3 =	vor.u32 v3, v4  }
0x133: {  	v4 =	vperm.xlane v3, v0;
	_ =	sdelay $0x1  }
0x134: {  	v4 =	vadd.s32 v1, v4;
	_ =	sdelay $0x1  }
0x135: {  	v3 =	vperm.xlane v3, v2;
	_ =	sdelay $0x1  }
0x136: {  	v3 =	vadd.s32 v1, v3  }
0x137: {  	[tilespmem:s25], [sflag:$0x1] =	stream.indirect_vreg.gather [hbm4b:s3+s2], $0x80, v4, vm0, $0xb8;
	[tilespmem:$0x18100] =	vst v63  }
0x138: {  	_ = 	snop  }
0x139: {  	[tilespmem:s26], [sflag:$0x1] =	stream.indirect_vreg.gather [hbm4b:s4+s2], $0x80, v4, vm1, $0xb8;
	[tilespmem:$0x18100] =	vst v63  }
0x13a: {  	_ = 	snop  }
0x13b: {  	[tilespmem:s28], [sflag:$0x1] =	stream.indirect_vreg.gather [hbm4b:s3+s2], $0x80, v3, vm0, $0xb8;
	[tilespmem:$0x18100] =	vst v63  }
0x13c: {  	_ = 	snop  }
0x13d: {  	[tilespmem:s29], [sflag:$0x1] =	stream.indirect_vreg.gather [hbm4b:s4+s2], $0x80, v3, vm1, $0xb8;
	[tilespmem:$0x18100] =	vst v63  }
0x13e: {  	_ =	swait.ge [sflag:s30], $0x18000  }
0x13f: {  	p0 =	sne.s32 s1, $0x60;
	[sflag:s30] =	ssyncset.done $0x0  }
.Ltmp0:
0x140: {  	[sflag:s30] =	ssyncadd.s32 $0xFFFE8000;
	(pc) =	sbr.rel @p0 .LBB2_2-.Ltmp0, $4  }
0x141: {  	[hbm4b:s6+s2] =	stream.linear.scatter [tilespmem:s8], [sflag:$0x2], $0x18000, $0x38;
	[tilespmem:$0x18100] =	vst v63  }
0x142: {  	_ =	swait.ge [sflag:s7], $0x18000  }
0x143: {  	[sflag:s7] =	ssyncset.done $0x0  }
0x144: {  	s1 =	sadd.s32 $0x20, s1;
	s6 =	sadd.s32 $0x3000, s6;
	[sflag:s7] =	ssyncadd.s32 $0xFFFE8000  }
0x145: {  	s0 =	sld [smem:$0x7F7];
	_ =	sdelay $0x1  }
0x146: {  	s31 =	sadd.s32 $0x1, s31  }
0x147: {  	p0 =	sne.s32 s31, s0  }
.Ltmp1:
0x148: {  	_ = 	snop;
	(pc) =	sbr.rel @p0 .LBB2_1-.Ltmp1, $1  }
0x149: {  	_ =	sdelay $0x3  }
0x14a: {  	_ =	sfence.sel $0x180000  }
0x14b: {  	[bflag:$0x0] =	sbarrier.arrive $0xFFFF  }
0x14c: {  	_ =	strace $0x90000050  }
0x14d: {  	s0 =	stileid.u32;
	[bflag:$0x2] =	sbarrier.arrive $0xFFFF  }
0x14e: {  	p0 =	sne.s32 s0, $0x0;
	s0 =	rddreg [dreg:$0x1]  }
0x14f: {  	s0 =	sadd.s32 @!p0 $0x100000, s0  }
0x150: {  	[sflag:s0] =	ssyncadd.tile.s32 @!p0 $0x1;
	_ =	shalt  }
.Lfunc_end2:
_tile_overlayer_lowered:
.L_overlay_start_2:
0x151: {  	(tag) =	ssettag $0x2  }
0x152: {  	s0 =	rddreg [dreg:$0x0];
	s2 =	stileid.u32  }
0x153: {  	s1 =	rddreg [dreg:$0x1];
	p0 =	sne.s32 s2, $0x0  }
0x154: {  	s3 =	rddreg [dreg:$0x2];
	[bflag:$0x3] =	sbarrier.arrive $0xFFFF;
	s2 =	simm.s32 @!p0 $0x1C02  }
0x155: {  	[timem:s3], [sflag:s2] =	dma.local @!p0 [hbm:s0], s1  }
0x156: {  	s0 =	simm.s32 @!p0 $0x2  }
0x157: {  	_ =	swait.ge @!p0 [sflag:s0], s1  }
0x158: {  	s1 =	ssub.s32 @!p0 $0x0, s1;
	[sflag:s0] =	ssyncset.done @!p0 $0x0  }
0x159: {  	[sflag:s0] =	ssyncadd.s32 @!p0 s1  }
0x15a: {  	[bflag:$0x3] =	sbarrier.arrive $0xFFFF  }
0x15b: {  	_ =	shalt  }

</sc_bundles>
